<compile_context>
chip_gen: v7x
topology: tpu7x:2x2x1
jax: 0.10.2.dev20260603
libtpu: 0.0.44.dev20260713+nightly
codegen_flags: <defaults>
</compile_context>

<pallas_src>
import functools

import jax
import jax.numpy as jnp
from jax import lax
from jax.experimental import pallas as pl
from jax.experimental.pallas import tpu as pltpu
from jax.experimental.pallas import tpu_sc as plsc

_N = 10000
_NP = 10240
_E = 320000
_NT = 32
_NSUB = 16
_CH = 128
_C = -(-_E // (_NT * _CH))
_EP = _NT * _C * _CH
_R = _NP // _NSUB
_ZR = 80
_BT = 1024

_mesh = plsc.VectorSubcoreMesh(core_axis_name="c", subcore_axis_name="s")


@functools.partial(
    pl.kernel,
    out_type=jax.ShapeDtypeStruct((_NT, _NP), jnp.float32),
    mesh=_mesh,
    compiler_params=pltpu.CompilerParams(needs_layout_passes=False),
    scratch_types=[
        pltpu.VMEM((_NP,), jnp.float32),
        pltpu.VMEM((_C, _CH), jnp.int32),
    ],
)
def _deg_kernel(dst_hbm, out_hbm, cnt, dstv):
    cid = lax.axis_index("c")
    sid = lax.axis_index("s")
    w = cid * _NSUB + sid
    pltpu.sync_copy(dst_hbm.at[w], dstv)

    @pl.loop(0, _NP // 16)
    def _(i):
        cnt[pl.ds(i * 16, 16)] = jnp.zeros((16,), jnp.float32)

    ones16 = jnp.ones((16,), jnp.float32)

    @pl.loop(0, _C)
    def _(ch):
        for j in range(_CH // 16):
            idx = dstv[ch, pl.ds(j * 16, 16)]
            plsc.addupdate_scatter(cnt, [idx], ones16)

    pltpu.sync_copy(cnt, out_hbm.at[w])


@functools.partial(
    pl.kernel,
    out_type=jax.ShapeDtypeStruct((2, _NP, 128), jnp.float32),
    mesh=_mesh,
    scratch_types=[
        pltpu.VMEM_SHARED((_NP, 128), jnp.float32),
        pltpu.VMEM((_C, _CH), jnp.int32),
        pltpu.VMEM((_C, _CH), jnp.int32),
        pltpu.VMEM((_CH, 128), jnp.float32),
        pltpu.VMEM((_ZR, 128), jnp.float32),
        pltpu.SemaphoreType.DMA,
    ],
)
def _scatter128(g_hbm, src_hbm, dst_hbm, out_hbm, acc, srcv, dstv, rows, stage, sem):
    cid = lax.axis_index("c")
    sid = lax.axis_index("s")
    w = cid * _NSUB + sid
    pltpu.sync_copy(src_hbm.at[w], srcv)
    pltpu.sync_copy(dst_hbm.at[w], dstv)

    @pl.loop(0, _ZR)
    def _(i):
        for j in range(8):
            stage[i, pl.ds(16 * j, 16)] = jnp.zeros((16,), jnp.float32)

    for k in range(_R // _ZR):
        pltpu.sync_copy(stage, acc.at[pl.ds(sid * _R + k * _ZR, _ZR)])
    plsc.subcore_barrier()

    @pl.loop(0, _C)
    def _(ch):
        pltpu.async_copy(g_hbm.at[srcv.at[ch]], rows, sem).wait()
        pltpu.sync_copy(rows, acc.at[dstv.at[ch]], add=True)

    plsc.subcore_barrier()
    for k in range(_R // _ZR):
        sl = pl.ds(sid * _R + k * _ZR, _ZR)
        pltpu.sync_copy(acc.at[sl], stage)
        pltpu.sync_copy(stage, out_hbm.at[cid, sl])


def _tc1_body(x_ref, w1_ref, dt_ref, g_ref, dis_ref):
    deg = jnp.sum(dt_ref[...], axis=1, keepdims=True) + 1.0
    dis = lax.rsqrt(deg)
    h = jnp.dot(x_ref[...], w1_ref[...], preferred_element_type=jnp.float32)
    g_ref[...] = h * dis
    dis_ref[...] = dis


def _tc2_body(p0, p1, g1, dis, b1, w2, o):
    z = jnp.maximum((p0[...] + p1[...] + g1[...]) * dis[...] + b1[...], 0.0)
    o[...] = jnp.dot(z, w2[...], preferred_element_type=jnp.float32) * dis[...]


def _tc3_body(q0, q1, g2, dis, b2, o):
    oo = (q0[...] + q1[...] + g2[...])[:, :64] * dis[...] + b2[...]
    m = jnp.max(oo, axis=1, keepdims=True)
    lse = m + jnp.log(jnp.sum(jnp.exp(oo - m), axis=1, keepdims=True))
    o[...] = oo - lse


def _row_spec(d):
    return pl.BlockSpec((_BT, d), lambda i: (i, 0))


def _full_spec(shape):
    return pl.BlockSpec(shape, lambda i: (0,) * len(shape))


def kernel(x, adj, W1, b1, W2, b2):
    pad = _EP - _E
    srcp = jnp.concatenate([adj[0], jnp.zeros((pad,), jnp.int32)]).reshape(_NT, _C, _CH)
    dstp = jnp.concatenate([adj[1], jnp.full((pad,), _N, jnp.int32)]).reshape(_NT, _C, _CH)
    xp = jnp.pad(x, ((0, _NP - _N), (0, 0)))

    dcnt_t = _deg_kernel(dstp).T

    g1, dis = pl.pallas_call(
        _tc1_body,
        grid=(_NP // _BT,),
        in_specs=[_row_spec(128), _full_spec((128, 128)), _row_spec(_NT)],
        out_specs=[_row_spec(128), _row_spec(1)],
        out_shape=[
            jax.ShapeDtypeStruct((_NP, 128), jnp.float32),
            jax.ShapeDtypeStruct((_NP, 1), jnp.float32),
        ],
    )(xp, W1, dcnt_t)

    p = _scatter128(g1, srcp, dstp)

    g2 = pl.pallas_call(
        _tc2_body,
        grid=(_NP // _BT,),
        in_specs=[_row_spec(128)] * 3 + [_row_spec(1)]
        + [_full_spec((1, 128)), _full_spec((128, 128))],
        out_specs=_row_spec(128),
        out_shape=jax.ShapeDtypeStruct((_NP, 128), jnp.float32),
    )(p[0], p[1], g1, dis, b1.reshape(1, 128), jnp.pad(W2, ((0, 0), (0, 64))))

    q = _scatter128(g2, srcp, dstp)

    o = pl.pallas_call(
        _tc3_body,
        grid=(_NP // _BT,),
        in_specs=[_row_spec(128)] * 3 + [_row_spec(1), _full_spec((1, 64))],
        out_specs=_row_spec(64),
        out_shape=jax.ShapeDtypeStruct((_NP, 64), jnp.float32),
    )(q[0], q[1], g2, dis, b2.reshape(1, 64))

    return o[:_N]

# --- scband reference (transcript-rebuilt; emitter-appended) ---
"""Pipeline reference for scband-net-22101901705332 (READ-ONLY COPY).

The authoritative reference and input builder live on the scoring server;
editing this copy changes nothing except your own understanding.
"""

import jax, jax.numpy as jnp
import numpy as np

N = 10000
E = 320000
NFEAT = 128
NHID = 128
NCLASS = 64


def setup_inputs(seed: int = 0):
    key = jax.random.key(seed)
    k1, k2, k3, k4 = jax.random.split(key, 4)
    x = jax.random.normal(k1, (N, NFEAT), dtype=jnp.float32)
    adj = jax.random.randint(k2, (2, E), 0, N, dtype=jnp.int32)
    W1 = jax.random.normal(k3, (NFEAT, NHID), dtype=jnp.float32) * 0.05
    b1 = jnp.zeros((NHID,), dtype=jnp.float32)
    W2 = jax.random.normal(k4, (NHID, NCLASS), dtype=jnp.float32) * 0.05
    b2 = jnp.zeros((NCLASS,), dtype=jnp.float32)
    return {"x": x, "adj": adj, "W1": W1, "b1": b1, "W2": W2, "b2": b2}


def gcn_conv(x, edge_index, W, b):
    # GCNConv: add self loops, symmetric normalization, scatter-add aggregation
    h = x @ W
    src = edge_index[0]
    dst = edge_index[1]
    loop = jnp.arange(N, dtype=edge_index.dtype)
    src = jnp.concatenate([src, loop])
    dst = jnp.concatenate([dst, loop])
    deg = jnp.zeros((N,), dtype=h.dtype).at[dst].add(1.0)
    deg_inv_sqrt = jnp.where(deg > 0, deg ** -0.5, 0.0)
    norm = deg_inv_sqrt[src] * deg_inv_sqrt[dst]
    msg = h[src] * norm[:, None]
    out = jnp.zeros((N, h.shape[1]), dtype=h.dtype).at[dst].add(msg)
    return out + b


def reference(x, adj, W1, b1, W2, b2):
    h = jax.nn.relu(gcn_conv(x, adj, W1, b1))
    # dropout is identity in eval mode
    o = gcn_conv(h, adj, W2, b2)
    return jax.nn.log_softmax(o, axis=1)

if __name__ == "__main__":
    import jax
    _d = setup_inputs()
    print(jax.jit(kernel)(*tuple(_d.values())))

</pallas_src>

<mosaic_0001>
#map = affine_map<(d0, d1) -> (0, 0, 0)>
#map1 = affine_map<(d0, d1) -> (0, 0)>
module attributes {stable_mosaic.version = 14 : i64} {
  func.func @_deg_kernel(%arg0: i32, %arg1: i32, %arg2: memref<32x79x128xi32, #tpu.memory_space<hbm>>, %arg3: memref<32x10240xf32, #tpu.memory_space<hbm>>, %arg4: memref<10240xf32, #tpu.memory_space<vmem>>, %arg5: memref<79x128xi32, #tpu.memory_space<vmem>>) attributes {dimension_semantics = [#tpu.dimension_semantics<core_parallel>, #tpu.dimension_semantics<subcore_parallel>], iteration_bounds = array<i64: 2, 16>, scalar_prefetch = 0 : i64, scratch_operands = 2 : i64, tpu.core_type = #tpu.core_type<sc_vector_subcore>, window_params = [{transform_indices = #map}, {transform_indices = #map1}]} {
    %mul3A = arith.constant 16 : i32
    %mul3A_0 = arith.muli %arg0, %mul3A : i32
    %add3A = arith.addi %mul3A_0, %arg1 : i32
    "tpu.region"() ({
      %run_scoped3A = tpu.sem_alloc : memref<!tpu.dma_semaphore, #tpu.memory_space<semaphore_mem>>
      %dma_start3A = arith.constant 0 : i32
      %dma_start3A_11 = arith.constant 0 : i32
      %dma_start3A_12 = tpu.memref_slice %arg2[%add3A, %dma_start3A, %dma_start3A_11] : memref<32x79x128xi32, #tpu.memory_space<hbm>> -> memref<1x79x128xi32, #tpu.memory_space<hbm>>
      %dma_start3A_13 = tpu.memref_squeeze %dma_start3A_12 : memref<1x79x128xi32, #tpu.memory_space<hbm>> -> memref<79x128xi32, #tpu.memory_space<hbm>>
      %dma_start3A_14 = arith.constant 0 : i32
      %dma_start3A_15 = arith.constant 0 : i32
      %dma_start3A_16 = tpu.memref_slice %arg2[%add3A, %dma_start3A_14, %dma_start3A_15] : memref<32x79x128xi32, #tpu.memory_space<hbm>> -> memref<1x79x128xi32, #tpu.memory_space<hbm>>
      %dma_start3A_17 = tpu.memref_squeeze %dma_start3A_16 : memref<1x79x128xi32, #tpu.memory_space<hbm>> -> memref<79x128xi32, #tpu.memory_space<hbm>>
      tpu.enqueue_dma source(%dma_start3A_17 : memref<79x128xi32, #tpu.memory_space<hbm>>) target(%arg5 : memref<79x128xi32, #tpu.memory_space<vmem>>) target_semaphore(%run_scoped3A : memref<!tpu.dma_semaphore, #tpu.memory_space<semaphore_mem>>)
      %dma_wait3A = arith.constant 0 : i32
      %dma_wait3A_18 = arith.constant 0 : i32
      %dma_wait3A_19 = tpu.memref_slice %arg2[%add3A, %dma_wait3A, %dma_wait3A_18] : memref<32x79x128xi32, #tpu.memory_space<hbm>> -> memref<1x79x128xi32, #tpu.memory_space<hbm>>
      %dma_wait3A_20 = tpu.memref_squeeze %dma_wait3A_19 : memref<1x79x128xi32, #tpu.memory_space<hbm>> -> memref<79x128xi32, #tpu.memory_space<hbm>>
      %dma_wait3A_21 = arith.constant 0 : i32
      %dma_wait3A_22 = arith.constant 0 : i32
      %dma_wait3A_23 = tpu.memref_slice %arg2[%add3A, %dma_wait3A_21, %dma_wait3A_22] : memref<32x79x128xi32, #tpu.memory_space<hbm>> -> memref<1x79x128xi32, #tpu.memory_space<hbm>>
      %dma_wait3A_24 = tpu.memref_squeeze %dma_wait3A_23 : memref<1x79x128xi32, #tpu.memory_space<hbm>> -> memref<79x128xi32, #tpu.memory_space<hbm>>
      tpu.wait_dma2 semaphore(%run_scoped3A : memref<!tpu.dma_semaphore, #tpu.memory_space<semaphore_mem>>) src(%dma_wait3A_24 : memref<79x128xi32, #tpu.memory_space<hbm>>) dst(%arg5 : memref<79x128xi32, #tpu.memory_space<vmem>>)
      tpu.yield
    }) : () -> ()
    %scan3A = arith.constant 0 : i32
    %scan3A_1 = arith.constant 640 : i32
    %scan3A_2 = arith.addi %scan3A, %scan3A_1 : i32
    %scan3A_3 = arith.constant 1 : i32
    scf.for %scan3A_11 = %scan3A to %scan3A_2 step %scan3A_3  : i32 {
      %mul3A_12 = arith.constant 1 : i32
      %mul3A_13 = arith.muli %scan3A_11, %mul3A_12 : i32
      %add3A_14 = arith.constant 0 : i32
      %add3A_15 = arith.addi %add3A_14, %mul3A_13 : i32
      %broadcast_in_dim3A_16 = arith.constant 0.000000e+00 : f32
      %broadcast_in_dim3A_17 = vector.broadcast %broadcast_in_dim3A_16 : f32 to vector<16xf32>
      %mul3A_18 = arith.constant 16 : i32
      %mul3A_19 = arith.muli %add3A_15, %mul3A_18 : i32
      %swap3A = arith.index_cast %mul3A_19 : i32 to index
      %swap3A_20 = tpu.vector_load %arg4[%swap3A] {strides = array<i32>} : memref<10240xf32, #tpu.memory_space<vmem>>, vector<16xf32>,
      tpu.vector_store %arg4[%swap3A], %broadcast_in_dim3A_17 {strides = array<i32>} : memref<10240xf32, #tpu.memory_space<vmem>>, vector<16xf32>,
    }
    %scan3A_4 = arith.constant 640 : i32
    %broadcast_in_dim3A = arith.constant 1.000000e+00 : f32
    %broadcast_in_dim3A_5 = vector.broadcast %broadcast_in_dim3A : f32 to vector<16xf32>
    %scan3A_6 = arith.constant 0 : i32
    %scan3A_7 = arith.constant 79 : i32
    %scan3A_8 = arith.addi %scan3A_6, %scan3A_7 : i32
    %scan3A_9 = arith.constant 1 : i32
    scf.for %scan3A_11 = %scan3A_6 to %scan3A_8 step %scan3A_9  : i32 {
      %mul3A_12 = arith.constant 1 : i32
      %mul3A_13 = arith.muli %scan3A_11, %mul3A_12 : i32
      %add3A_14 = arith.constant 0 : i32
      %add3A_15 = arith.addi %add3A_14, %mul3A_13 : i32
      %get3A = arith.index_cast %add3A_15 : i32 to index
      %get3A_16 = arith.constant 0 : index
      %get3A_17 = tpu.vector_load %arg5[%get3A, %get3A_16] {strides = array<i32>} : memref<79x128xi32, #tpu.memory_space<vmem>>, vector<16xi32>,
      tpu.vector_store_idx %arg4[%get3A_17], %broadcast_in_dim3A_5 {add = true} : memref<10240xf32, #tpu.memory_space<vmem>>[vector<16xi32>], vector<16xf32>,
      %get3A_18 = arith.index_cast %add3A_15 : i32 to index
      %get3A_19 = arith.constant 16 : index
      %get3A_20 = tpu.vector_load %arg5[%get3A_18, %get3A_19] {strides = array<i32>} : memref<79x128xi32, #tpu.memory_space<vmem>>, vector<16xi32>,
      tpu.vector_store_idx %arg4[%get3A_20], %broadcast_in_dim3A_5 {add = true} : memref<10240xf32, #tpu.memory_space<vmem>>[vector<16xi32>], vector<16xf32>,
      %get3A_21 = arith.index_cast %add3A_15 : i32 to index
      %get3A_22 = arith.constant 32 : index
      %get3A_23 = tpu.vector_load %arg5[%get3A_21, %get3A_22] {strides = array<i32>} : memref<79x128xi32, #tpu.memory_space<vmem>>, vector<16xi32>,
      tpu.vector_store_idx %arg4[%get3A_23], %broadcast_in_dim3A_5 {add = true} : memref<10240xf32, #tpu.memory_space<vmem>>[vector<16xi32>], vector<16xf32>,
      %get3A_24 = arith.index_cast %add3A_15 : i32 to index
      %get3A_25 = arith.constant 48 : index
      %get3A_26 = tpu.vector_load %arg5[%get3A_24, %get3A_25] {strides = array<i32>} : memref<79x128xi32, #tpu.memory_space<vmem>>, vector<16xi32>,
      tpu.vector_store_idx %arg4[%get3A_26], %broadcast_in_dim3A_5 {add = true} : memref<10240xf32, #tpu.memory_space<vmem>>[vector<16xi32>], vector<16xf32>,
      %get3A_27 = arith.index_cast %add3A_15 : i32 to index
      %get3A_28 = arith.constant 64 : index
      %get3A_29 = tpu.vector_load %arg5[%get3A_27, %get3A_28] {strides = array<i32>} : memref<79x128xi32, #tpu.memory_space<vmem>>, vector<16xi32>,
      tpu.vector_store_idx %arg4[%get3A_29], %broadcast_in_dim3A_5 {add = true} : memref<10240xf32, #tpu.memory_space<vmem>>[vector<16xi32>], vector<16xf32>,
      %get3A_30 = arith.index_cast %add3A_15 : i32 to index
      %get3A_31 = arith.constant 80 : index
      %get3A_32 = tpu.vector_load %arg5[%get3A_30, %get3A_31] {strides = array<i32>} : memref<79x128xi32, #tpu.memory_space<vmem>>, vector<16xi32>,
      tpu.vector_store_idx %arg4[%get3A_32], %broadcast_in_dim3A_5 {add = true} : memref<10240xf32, #tpu.memory_space<vmem>>[vector<16xi32>], vector<16xf32>,
      %get3A_33 = arith.index_cast %add3A_15 : i32 to index
      %get3A_34 = arith.constant 96 : index
      %get3A_35 = tpu.vector_load %arg5[%get3A_33, %get3A_34] {strides = array<i32>} : memref<79x128xi32, #tpu.memory_space<vmem>>, vector<16xi32>,
      tpu.vector_store_idx %arg4[%get3A_35], %broadcast_in_dim3A_5 {add = true} : memref<10240xf32, #tpu.memory_space<vmem>>[vector<16xi32>], vector<16xf32>,
      %get3A_36 = arith.index_cast %add3A_15 : i32 to index
      %get3A_37 = arith.constant 112 : index
      %get3A_38 = tpu.vector_load %arg5[%get3A_36, %get3A_37] {strides = array<i32>} : memref<79x128xi32, #tpu.memory_space<vmem>>, vector<16xi32>,
      tpu.vector_store_idx %arg4[%get3A_38], %broadcast_in_dim3A_5 {add = true} : memref<10240xf32, #tpu.memory_space<vmem>>[vector<16xi32>], vector<16xf32>,
    }
    %scan3A_10 = arith.constant 79 : i32
    "tpu.region"() ({
      %run_scoped3A = tpu.sem_alloc : memref<!tpu.dma_semaphore, #tpu.memory_space<semaphore_mem>>
      %dma_start3A = arith.constant 0 : i32
      %dma_start3A_11 = tpu.memref_slice %arg3[%add3A, %dma_start3A] : memref<32x10240xf32, #tpu.memory_space<hbm>> -> memref<1x10240xf32, #tpu.memory_space<hbm>>
      %dma_start3A_12 = tpu.memref_squeeze %dma_start3A_11 : memref<1x10240xf32, #tpu.memory_space<hbm>> -> memref<10240xf32, #tpu.memory_space<hbm>>
      %dma_start3A_13 = arith.constant 0 : i32
      %dma_start3A_14 = tpu.memref_slice %arg3[%add3A, %dma_start3A_13] : memref<32x10240xf32, #tpu.memory_space<hbm>> -> memref<1x10240xf32, #tpu.memory_space<hbm>>
      %dma_start3A_15 = tpu.memref_squeeze %dma_start3A_14 : memref<1x10240xf32, #tpu.memory_space<hbm>> -> memref<10240xf32, #tpu.memory_space<hbm>>
      tpu.enqueue_dma source(%arg4 : memref<10240xf32, #tpu.memory_space<vmem>>) target(%dma_start3A_15 : memref<10240xf32, #tpu.memory_space<hbm>>) target_semaphore(%run_scoped3A : memref<!tpu.dma_semaphore, #tpu.memory_space<semaphore_mem>>)
      %dma_wait3A = arith.constant 0 : i32
      %dma_wait3A_16 = tpu.memref_slice %arg3[%add3A, %dma_wait3A] : memref<32x10240xf32, #tpu.memory_space<hbm>> -> memref<1x10240xf32, #tpu.memory_space<hbm>>
      %dma_wait3A_17 = tpu.memref_squeeze %dma_wait3A_16 : memref<1x10240xf32, #tpu.memory_space<hbm>> -> memref<10240xf32, #tpu.memory_space<hbm>>
      %dma_wait3A_18 = arith.constant 0 : i32
      %dma_wait3A_19 = tpu.memref_slice %arg3[%add3A, %dma_wait3A_18] : memref<32x10240xf32, #tpu.memory_space<hbm>> -> memref<1x10240xf32, #tpu.memory_space<hbm>>
      %dma_wait3A_20 = tpu.memref_squeeze %dma_wait3A_19 : memref<1x10240xf32, #tpu.memory_space<hbm>> -> memref<10240xf32, #tpu.memory_space<hbm>>
      tpu.wait_dma2 semaphore(%run_scoped3A : memref<!tpu.dma_semaphore, #tpu.memory_space<semaphore_mem>>) src(%arg4 : memref<10240xf32, #tpu.memory_space<vmem>>) dst(%dma_wait3A_20 : memref<10240xf32, #tpu.memory_space<hbm>>)
      tpu.yield
    }) : () -> ()
    return
  }
}

#map = affine_map<(d0, d1) -> (0, 0)>
#map1 = affine_map<(d0, d1) -> (0, 0, 0)>
module attributes {stable_mosaic.version = 14 : i64} {
  func.func @_scatter128(%arg0: i32, %arg1: i32, %arg2: memref<10240x128xf32, #tpu.memory_space<hbm>>, %arg3: memref<32x79x128xi32, #tpu.memory_space<hbm>>, %arg4: memref<32x79x128xi32, #tpu.memory_space<hbm>>, %arg5: memref<2x10240x128xf32, #tpu.memory_space<hbm>>, %arg6: memref<10240x128xf32, #tpu.memory_space<vmem_shared>>, %arg7: memref<79x128xi32, #tpu.memory_space<vmem>>, %arg8: memref<79x128xi32, #tpu.memory_space<vmem>>, %arg9: memref<128x128xf32, #tpu.memory_space<vmem>>, %arg10: memref<80x128xf32, #tpu.memory_space<vmem>>, %arg11: memref<!tpu.dma_semaphore, #tpu.memory_space<semaphore_mem>>) attributes {dimension_semantics = [#tpu.dimension_semantics<core_parallel>, #tpu.dimension_semantics<subcore_parallel>], iteration_bounds = array<i64: 2, 16>, scalar_prefetch = 0 : i64, scratch_operands = 6 : i64, tpu.core_type = #tpu.core_type<sc_vector_subcore>, window_params = [{transform_indices = #map}, {transform_indices = #map1}, {transform_indices = #map1}, {transform_indices = #map1}]} {
    %mul3A = arith.constant 16 : i32
    %mul3A_0 = arith.muli %arg0, %mul3A : i32
    %add3A = arith.addi %mul3A_0, %arg1 : i32
    "tpu.region"() ({
      %run_scoped3A = tpu.sem_alloc : memref<!tpu.dma_semaphore, #tpu.memory_space<semaphore_mem>>
      %dma_start3A = arith.constant 0 : i32
      %dma_start3A_75 = arith.constant 0 : i32
      %dma_start3A_76 = tpu.memref_slice %arg3[%add3A, %dma_start3A, %dma_start3A_75] : memref<32x79x128xi32, #tpu.memory_space<hbm>> -> memref<1x79x128xi32, #tpu.memory_space<hbm>>
      %dma_start3A_77 = tpu.memref_squeeze %dma_start3A_76 : memref<1x79x128xi32, #tpu.memory_space<hbm>> -> memref<79x128xi32, #tpu.memory_space<hbm>>
      %dma_start3A_78 = arith.constant 0 : i32
      %dma_start3A_79 = arith.constant 0 : i32
      %dma_start3A_80 = tpu.memref_slice %arg3[%add3A, %dma_start3A_78, %dma_start3A_79] : memref<32x79x128xi32, #tpu.memory_space<hbm>> -> memref<1x79x128xi32, #tpu.memory_space<hbm>>
      %dma_start3A_81 = tpu.memref_squeeze %dma_start3A_80 : memref<1x79x128xi32, #tpu.memory_space<hbm>> -> memref<79x128xi32, #tpu.memory_space<hbm>>
      tpu.enqueue_dma source(%dma_start3A_81 : memref<79x128xi32, #tpu.memory_space<hbm>>) target(%arg7 : memref<79x128xi32, #tpu.memory_space<vmem>>) target_semaphore(%run_scoped3A : memref<!tpu.dma_semaphore, #tpu.memory_space<semaphore_mem>>)
      %dma_wait3A = arith.constant 0 : i32
      %dma_wait3A_82 = arith.constant 0 : i32
      %dma_wait3A_83 = tpu.memref_slice %arg3[%add3A, %dma_wait3A, %dma_wait3A_82] : memref<32x79x128xi32, #tpu.memory_space<hbm>> -> memref<1x79x128xi32, #tpu.memory_space<hbm>>
      %dma_wait3A_84 = tpu.memref_squeeze %dma_wait3A_83 : memref<1x79x128xi32, #tpu.memory_space<hbm>> -> memref<79x128xi32, #tpu.memory_space<hbm>>
      %dma_wait3A_85 = arith.constant 0 : i32
      %dma_wait3A_86 = arith.constant 0 : i32
      %dma_wait3A_87 = tpu.memref_slice %arg3[%add3A, %dma_wait3A_85, %dma_wait3A_86] : memref<32x79x128xi32, #tpu.memory_space<hbm>> -> memref<1x79x128xi32, #tpu.memory_space<hbm>>
      %dma_wait3A_88 = tpu.memref_squeeze %dma_wait3A_87 : memref<1x79x128xi32, #tpu.memory_space<hbm>> -> memref<79x128xi32, #tpu.memory_space<hbm>>
      tpu.wait_dma2 semaphore(%run_scoped3A : memref<!tpu.dma_semaphore, #tpu.memory_space<semaphore_mem>>) src(%dma_wait3A_88 : memref<79x128xi32, #tpu.memory_space<hbm>>) dst(%arg7 : memref<79x128xi32, #tpu.memory_space<vmem>>)
      tpu.yield
    }) : () -> ()
    "tpu.region"() ({
      %run_scoped3A = tpu.sem_alloc : memref<!tpu.dma_semaphore, #tpu.memory_space<semaphore_mem>>
      %dma_start3A = arith.constant 0 : i32
      %dma_start3A_75 = arith.constant 0 : i32
      %dma_start3A_76 = tpu.memref_slice %arg4[%add3A, %dma_start3A, %dma_start3A_75] : memref<32x79x128xi32, #tpu.memory_space<hbm>> -> memref<1x79x128xi32, #tpu.memory_space<hbm>>
      %dma_start3A_77 = tpu.memref_squeeze %dma_start3A_76 : memref<1x79x128xi32, #tpu.memory_space<hbm>> -> memref<79x128xi32, #tpu.memory_space<hbm>>
      %dma_start3A_78 = arith.constant 0 : i32
      %dma_start3A_79 = arith.constant 0 : i32
      %dma_start3A_80 = tpu.memref_slice %arg4[%add3A, %dma_start3A_78, %dma_start3A_79] : memref<32x79x128xi32, #tpu.memory_space<hbm>> -> memref<1x79x128xi32, #tpu.memory_space<hbm>>
      %dma_start3A_81 = tpu.memref_squeeze %dma_start3A_80 : memref<1x79x128xi32, #tpu.memory_space<hbm>> -> memref<79x128xi32, #tpu.memory_space<hbm>>
      tpu.enqueue_dma source(%dma_start3A_81 : memref<79x128xi32, #tpu.memory_space<hbm>>) target(%arg8 : memref<79x128xi32, #tpu.memory_space<vmem>>) target_semaphore(%run_scoped3A : memref<!tpu.dma_semaphore, #tpu.memory_space<semaphore_mem>>)
      %dma_wait3A = arith.constant 0 : i32
      %dma_wait3A_82 = arith.constant 0 : i32
      %dma_wait3A_83 = tpu.memref_slice %arg4[%add3A, %dma_wait3A, %dma_wait3A_82] : memref<32x79x128xi32, #tpu.memory_space<hbm>> -> memref<1x79x128xi32, #tpu.memory_space<hbm>>
      %dma_wait3A_84 = tpu.memref_squeeze %dma_wait3A_83 : memref<1x79x128xi32, #tpu.memory_space<hbm>> -> memref<79x128xi32, #tpu.memory_space<hbm>>
      %dma_wait3A_85 = arith.constant 0 : i32
      %dma_wait3A_86 = arith.constant 0 : i32
      %dma_wait3A_87 = tpu.memref_slice %arg4[%add3A, %dma_wait3A_85, %dma_wait3A_86] : memref<32x79x128xi32, #tpu.memory_space<hbm>> -> memref<1x79x128xi32, #tpu.memory_space<hbm>>
      %dma_wait3A_88 = tpu.memref_squeeze %dma_wait3A_87 : memref<1x79x128xi32, #tpu.memory_space<hbm>> -> memref<79x128xi32, #tpu.memory_space<hbm>>
      tpu.wait_dma2 semaphore(%run_scoped3A : memref<!tpu.dma_semaphore, #tpu.memory_space<semaphore_mem>>) src(%dma_wait3A_88 : memref<79x128xi32, #tpu.memory_space<hbm>>) dst(%arg8 : memref<79x128xi32, #tpu.memory_space<vmem>>)
      tpu.yield
    }) : () -> ()
    %scan3A = arith.constant 0 : i32
    %scan3A_1 = arith.constant 80 : i32
    %scan3A_2 = arith.addi %scan3A, %scan3A_1 : i32
    %scan3A_3 = arith.constant 1 : i32
    scf.for %scan3A_75 = %scan3A to %scan3A_2 step %scan3A_3  : i32 {
      %mul3A_76 = arith.constant 1 : i32
      %mul3A_77 = arith.muli %scan3A_75, %mul3A_76 : i32
      %add3A_78 = arith.constant 0 : i32
      %add3A_79 = arith.addi %add3A_78, %mul3A_77 : i32
      %broadcast_in_dim3A = arith.constant 0.000000e+00 : f32
      %broadcast_in_dim3A_80 = vector.broadcast %broadcast_in_dim3A : f32 to vector<16xf32>
      %swap3A = arith.index_cast %add3A_79 : i32 to index
      %swap3A_81 = arith.constant 0 : index
      %swap3A_82 = tpu.vector_load %arg10[%swap3A, %swap3A_81] {strides = array<i32>} : memref<80x128xf32, #tpu.memory_space<vmem>>, vector<1x16xf32>,
      %swap3A_83 = vector.shape_cast %swap3A_82 : vector<1x16xf32> to vector<16xf32>
      %swap3A_84 = vector.shape_cast %broadcast_in_dim3A_80 : vector<16xf32> to vector<1x16xf32>
      tpu.vector_store %arg10[%swap3A, %swap3A_81], %swap3A_84 {strides = array<i32>} : memref<80x128xf32, #tpu.memory_space<vmem>>, vector<1x16xf32>,
      %broadcast_in_dim3A_85 = arith.constant 0.000000e+00 : f32
      %broadcast_in_dim3A_86 = vector.broadcast %broadcast_in_dim3A_85 : f32 to vector<16xf32>
      %swap3A_87 = arith.index_cast %add3A_79 : i32 to index
      %swap3A_88 = arith.constant 16 : index
      %swap3A_89 = tpu.vector_load %arg10[%swap3A_87, %swap3A_88] {strides = array<i32>} : memref<80x128xf32, #tpu.memory_space<vmem>>, vector<1x16xf32>,
      %swap3A_90 = vector.shape_cast %swap3A_89 : vector<1x16xf32> to vector<16xf32>
      %swap3A_91 = vector.shape_cast %broadcast_in_dim3A_86 : vector<16xf32> to vector<1x16xf32>
      tpu.vector_store %arg10[%swap3A_87, %swap3A_88], %swap3A_91 {strides = array<i32>} : memref<80x128xf32, #tpu.memory_space<vmem>>, vector<1x16xf32>,
      %broadcast_in_dim3A_92 = arith.constant 0.000000e+00 : f32
      %broadcast_in_dim3A_93 = vector.broadcast %broadcast_in_dim3A_92 : f32 to vector<16xf32>
      %swap3A_94 = arith.index_cast %add3A_79 : i32 to index
      %swap3A_95 = arith.constant 32 : index
      %swap3A_96 = tpu.vector_load %arg10[%swap3A_94, %swap3A_95] {strides = array<i32>} : memref<80x128xf32, #tpu.memory_space<vmem>>, vector<1x16xf32>,
      %swap3A_97 = vector.shape_cast %swap3A_96 : vector<1x16xf32> to vector<16xf32>
      %swap3A_98 = vector.shape_cast %broadcast_in_dim3A_93 : vector<16xf32> to vector<1x16xf32>
      tpu.vector_store %arg10[%swap3A_94, %swap3A_95], %swap3A_98 {strides = array<i32>} : memref<80x128xf32, #tpu.memory_space<vmem>>, vector<1x16xf32>,
      %broadcast_in_dim3A_99 = arith.constant 0.000000e+00 : f32
      %broadcast_in_dim3A_100 = vector.broadcast %broadcast_in_dim3A_99 : f32 to vector<16xf32>
      %swap3A_101 = arith.index_cast %add3A_79 : i32 to index
      %swap3A_102 = arith.constant 48 : index
      %swap3A_103 = tpu.vector_load %arg10[%swap3A_101, %swap3A_102] {strides = array<i32>} : memref<80x128xf32, #tpu.memory_space<vmem>>, vector<1x16xf32>,
      %swap3A_104 = vector.shape_cast %swap3A_103 : vector<1x16xf32> to vector<16xf32>
      %swap3A_105 = vector.shape_cast %broadcast_in_dim3A_100 : vector<16xf32> to vector<1x16xf32>
      tpu.vector_store %arg10[%swap3A_101, %swap3A_102], %swap3A_105 {strides = array<i32>} : memref<80x128xf32, #tpu.memory_space<vmem>>, vector<1x16xf32>,
      %broadcast_in_dim3A_106 = arith.constant 0.000000e+00 : f32
      %broadcast_in_dim3A_107 = vector.broadcast %broadcast_in_dim3A_106 : f32 to vector<16xf32>
      %swap3A_108 = arith.index_cast %add3A_79 : i32 to index
      %swap3A_109 = arith.constant 64 : index
      %swap3A_110 = tpu.vector_load %arg10[%swap3A_108, %swap3A_109] {strides = array<i32>} : memref<80x128xf32, #tpu.memory_space<vmem>>, vector<1x16xf32>,
      %swap3A_111 = vector.shape_cast %swap3A_110 : vector<1x16xf32> to vector<16xf32>
      %swap3A_112 = vector.shape_cast %broadcast_in_dim3A_107 : vector<16xf32> to vector<1x16xf32>
      tpu.vector_store %arg10[%swap3A_108, %swap3A_109], %swap3A_112 {strides = array<i32>} : memref<80x128xf32, #tpu.memory_space<vmem>>, vector<1x16xf32>,
      %broadcast_in_dim3A_113 = arith.constant 0.000000e+00 : f32
      %broadcast_in_dim3A_114 = vector.broadcast %broadcast_in_dim3A_113 : f32 to vector<16xf32>
      %swap3A_115 = arith.index_cast %add3A_79 : i32 to index
      %swap3A_116 = arith.constant 80 : index
      %swap3A_117 = tpu.vector_load %arg10[%swap3A_115, %swap3A_116] {strides = array<i32>} : memref<80x128xf32, #tpu.memory_space<vmem>>, vector<1x16xf32>,
      %swap3A_118 = vector.shape_cast %swap3A_117 : vector<1x16xf32> to vector<16xf32>
      %swap3A_119 = vector.shape_cast %broadcast_in_dim3A_114 : vector<16xf32> to vector<1x16xf32>
      tpu.vector_store %arg10[%swap3A_115, %swap3A_116], %swap3A_119 {strides = array<i32>} : memref<80x128xf32, #tpu.memory_space<vmem>>, vector<1x16xf32>,
      %broadcast_in_dim3A_120 = arith.constant 0.000000e+00 : f32
      %broadcast_in_dim3A_121 = vector.broadcast %broadcast_in_dim3A_120 : f32 to vector<16xf32>
      %swap3A_122 = arith.index_cast %add3A_79 : i32 to index
      %swap3A_123 = arith.constant 96 : index
      %swap3A_124 = tpu.vector_load %arg10[%swap3A_122, %swap3A_123] {strides = array<i32>} : memref<80x128xf32, #tpu.memory_space<vmem>>, vector<1x16xf32>,
      %swap3A_125 = vector.shape_cast %swap3A_124 : vector<1x16xf32> to vector<16xf32>
      %swap3A_126 = vector.shape_cast %broadcast_in_dim3A_121 : vector<16xf32> to vector<1x16xf32>
      tpu.vector_store %arg10[%swap3A_122, %swap3A_123], %swap3A_126 {strides = array<i32>} : memref<80x128xf32, #tpu.memory_space<vmem>>, vector<1x16xf32>,
      %broadcast_in_dim3A_127 = arith.constant 0.000000e+00 : f32
      %broadcast_in_dim3A_128 = vector.broadcast %broadcast_in_dim3A_127 : f32 to vector<16xf32>
      %swap3A_129 = arith.index_cast %add3A_79 : i32 to index
      %swap3A_130 = arith.constant 112 : index
      %swap3A_131 = tpu.vector_load %arg10[%swap3A_129, %swap3A_130] {strides = array<i32>} : memref<80x128xf32, #tpu.memory_space<vmem>>, vector<1x16xf32>,
      %swap3A_132 = vector.shape_cast %swap3A_131 : vector<1x16xf32> to vector<16xf32>
      %swap3A_133 = vector.shape_cast %broadcast_in_dim3A_128 : vector<16xf32> to vector<1x16xf32>
      tpu.vector_store %arg10[%swap3A_129, %swap3A_130], %swap3A_133 {strides = array<i32>} : memref<80x128xf32, #tpu.memory_space<vmem>>, vector<1x16xf32>,
    }
    %scan3A_4 = arith.constant 80 : i32
    %mul3A_5 = arith.constant 640 : i32
    %mul3A_6 = arith.muli %arg1, %mul3A_5 : i32
    %add3A_7 = arith.constant 0 : i32
    %add3A_8 = arith.addi %mul3A_6, %add3A_7 : i32
    "tpu.region"() ({
      %run_scoped3A = tpu.sem_alloc : memref<!tpu.dma_semaphore, #tpu.memory_space<semaphore_mem>>
      %dma_start3A = arith.constant 0 : i32
      %dma_start3A_75 = tpu.memref_slice %arg6[%add3A_8, %dma_start3A] : memref<10240x128xf32, #tpu.memory_space<vmem_shared>> -> memref<80x128xf32, #tpu.memory_space<vmem_shared>>
      %dma_start3A_76 = arith.constant 0 : i32
      %dma_start3A_77 = tpu.memref_slice %arg6[%add3A_8, %dma_start3A_76] : memref<10240x128xf32, #tpu.memory_space<vmem_shared>> -> memref<80x128xf32, #tpu.memory_space<vmem_shared>>
      tpu.enqueue_dma source(%arg10 : memref<80x128xf32, #tpu.memory_space<vmem>>) target(%dma_start3A_77 : memref<80x128xf32, #tpu.memory_space<vmem_shared>>) target_semaphore(%run_scoped3A : memref<!tpu.dma_semaphore, #tpu.memory_space<semaphore_mem>>)
      %dma_wait3A = arith.constant 0 : i32
      %dma_wait3A_78 = tpu.memref_slice %arg6[%add3A_8, %dma_wait3A] : memref<10240x128xf32, #tpu.memory_space<vmem_shared>> -> memref<80x128xf32, #tpu.memory_space<vmem_shared>>
      %dma_wait3A_79 = arith.constant 0 : i32
      %dma_wait3A_80 = tpu.memref_slice %arg6[%add3A_8, %dma_wait3A_79] : memref<10240x128xf32, #tpu.memory_space<vmem_shared>> -> memref<80x128xf32, #tpu.memory_space<vmem_shared>>
      tpu.wait_dma2 semaphore(%run_scoped3A : memref<!tpu.dma_semaphore, #tpu.memory_space<semaphore_mem>>) src(%arg10 : memref<80x128xf32, #tpu.memory_space<vmem>>) dst(%dma_wait3A_80 : memref<80x128xf32, #tpu.memory_space<vmem_shared>>)
      tpu.yield
    }) : () -> ()
    %mul3A_9 = arith.constant 640 : i32
    %mul3A_10 = arith.muli %arg1, %mul3A_9 : i32
    %add3A_11 = arith.constant 80 : i32
    %add3A_12 = arith.addi %mul3A_10, %add3A_11 : i32
    "tpu.region"() ({
      %run_scoped3A = tpu.sem_alloc : memref<!tpu.dma_semaphore, #tpu.memory_space<semaphore_mem>>
      %dma_start3A = arith.constant 0 : i32
      %dma_start3A_75 = tpu.memref_slice %arg6[%add3A_12, %dma_start3A] : memref<10240x128xf32, #tpu.memory_space<vmem_shared>> -> memref<80x128xf32, #tpu.memory_space<vmem_shared>>
      %dma_start3A_76 = arith.constant 0 : i32
      %dma_start3A_77 = tpu.memref_slice %arg6[%add3A_12, %dma_start3A_76] : memref<10240x128xf32, #tpu.memory_space<vmem_shared>> -> memref<80x128xf32, #tpu.memory_space<vmem_shared>>
      tpu.enqueue_dma source(%arg10 : memref<80x128xf32, #tpu.memory_space<vmem>>) target(%dma_start3A_77 : memref<80x128xf32, #tpu.memory_space<vmem_shared>>) target_semaphore(%run_scoped3A : memref<!tpu.dma_semaphore, #tpu.memory_space<semaphore_mem>>)
      %dma_wait3A = arith.constant 0 : i32
      %dma_wait3A_78 = tpu.memref_slice %arg6[%add3A_12, %dma_wait3A] : memref<10240x128xf32, #tpu.memory_space<vmem_shared>> -> memref<80x128xf32, #tpu.memory_space<vmem_shared>>
      %dma_wait3A_79 = arith.constant 0 : i32
      %dma_wait3A_80 = tpu.memref_slice %arg6[%add3A_12, %dma_wait3A_79] : memref<10240x128xf32, #tpu.memory_space<vmem_shared>> -> memref<80x128xf32, #tpu.memory_space<vmem_shared>>
      tpu.wait_dma2 semaphore(%run_scoped3A : memref<!tpu.dma_semaphore, #tpu.memory_space<semaphore_mem>>) src(%arg10 : memref<80x128xf32, #tpu.memory_space<vmem>>) dst(%dma_wait3A_80 : memref<80x128xf32, #tpu.memory_space<vmem_shared>>)
      tpu.yield
    }) : () -> ()
    %mul3A_13 = arith.constant 640 : i32
    %mul3A_14 = arith.muli %arg1, %mul3A_13 : i32
    %add3A_15 = arith.constant 160 : i32
    %add3A_16 = arith.addi %mul3A_14, %add3A_15 : i32
    "tpu.region"() ({
      %run_scoped3A = tpu.sem_alloc : memref<!tpu.dma_semaphore, #tpu.memory_space<semaphore_mem>>
      %dma_start3A = arith.constant 0 : i32
      %dma_start3A_75 = tpu.memref_slice %arg6[%add3A_16, %dma_start3A] : memref<10240x128xf32, #tpu.memory_space<vmem_shared>> -> memref<80x128xf32, #tpu.memory_space<vmem_shared>>
      %dma_start3A_76 = arith.constant 0 : i32
      %dma_start3A_77 = tpu.memref_slice %arg6[%add3A_16, %dma_start3A_76] : memref<10240x128xf32, #tpu.memory_space<vmem_shared>> -> memref<80x128xf32, #tpu.memory_space<vmem_shared>>
      tpu.enqueue_dma source(%arg10 : memref<80x128xf32, #tpu.memory_space<vmem>>) target(%dma_start3A_77 : memref<80x128xf32, #tpu.memory_space<vmem_shared>>) target_semaphore(%run_scoped3A : memref<!tpu.dma_semaphore, #tpu.memory_space<semaphore_mem>>)
      %dma_wait3A = arith.constant 0 : i32
      %dma_wait3A_78 = tpu.memref_slice %arg6[%add3A_16, %dma_wait3A] : memref<10240x128xf32, #tpu.memory_space<vmem_shared>> -> memref<80x128xf32, #tpu.memory_space<vmem_shared>>
      %dma_wait3A_79 = arith.constant 0 : i32
      %dma_wait3A_80 = tpu.memref_slice %arg6[%add3A_16, %dma_wait3A_79] : memref<10240x128xf32, #tpu.memory_space<vmem_shared>> -> memref<80x128xf32, #tpu.memory_space<vmem_shared>>
      tpu.wait_dma2 semaphore(%run_scoped3A : memref<!tpu.dma_semaphore, #tpu.memory_space<semaphore_mem>>) src(%arg10 : memref<80x128xf32, #tpu.memory_space<vmem>>) dst(%dma_wait3A_80 : memref<80x128xf32, #tpu.memory_space<vmem_shared>>)
      tpu.yield
    }) : () -> ()
    %mul3A_17 = arith.constant 640 : i32
    %mul3A_18 = arith.muli %arg1, %mul3A_17 : i32
    %add3A_19 = arith.constant 240 : i32
    %add3A_20 = arith.addi %mul3A_18, %add3A_19 : i32
    "tpu.region"() ({
      %run_scoped3A = tpu.sem_alloc : memref<!tpu.dma_semaphore, #tpu.memory_space<semaphore_mem>>
      %dma_start3A = arith.constant 0 : i32
      %dma_start3A_75 = tpu.memref_slice %arg6[%add3A_20, %dma_start3A] : memref<10240x128xf32, #tpu.memory_space<vmem_shared>> -> memref<80x128xf32, #tpu.memory_space<vmem_shared>>
      %dma_start3A_76 = arith.constant 0 : i32
      %dma_start3A_77 = tpu.memref_slice %arg6[%add3A_20, %dma_start3A_76] : memref<10240x128xf32, #tpu.memory_space<vmem_shared>> -> memref<80x128xf32, #tpu.memory_space<vmem_shared>>
      tpu.enqueue_dma source(%arg10 : memref<80x128xf32, #tpu.memory_space<vmem>>) target(%dma_start3A_77 : memref<80x128xf32, #tpu.memory_space<vmem_shared>>) target_semaphore(%run_scoped3A : memref<!tpu.dma_semaphore, #tpu.memory_space<semaphore_mem>>)
      %dma_wait3A = arith.constant 0 : i32
      %dma_wait3A_78 = tpu.memref_slice %arg6[%add3A_20, %dma_wait3A] : memref<10240x128xf32, #tpu.memory_space<vmem_shared>> -> memref<80x128xf32, #tpu.memory_space<vmem_shared>>
      %dma_wait3A_79 = arith.constant 0 : i32
      %dma_wait3A_80 = tpu.memref_slice %arg6[%add3A_20, %dma_wait3A_79] : memref<10240x128xf32, #tpu.memory_space<vmem_shared>> -> memref<80x128xf32, #tpu.memory_space<vmem_shared>>
      tpu.wait_dma2 semaphore(%run_scoped3A : memref<!tpu.dma_semaphore, #tpu.memory_space<semaphore_mem>>) src(%arg10 : memref<80x128xf32, #tpu.memory_space<vmem>>) dst(%dma_wait3A_80 : memref<80x128xf32, #tpu.memory_space<vmem_shared>>)
      tpu.yield
    }) : () -> ()
    %mul3A_21 = arith.constant 640 : i32
    %mul3A_22 = arith.muli %arg1, %mul3A_21 : i32
    %add3A_23 = arith.constant 320 : i32
    %add3A_24 = arith.addi %mul3A_22, %add3A_23 : i32
    "tpu.region"() ({
      %run_scoped3A = tpu.sem_alloc : memref<!tpu.dma_semaphore, #tpu.memory_space<semaphore_mem>>
      %dma_start3A = arith.constant 0 : i32
      %dma_start3A_75 = tpu.memref_slice %arg6[%add3A_24, %dma_start3A] : memref<10240x128xf32, #tpu.memory_space<vmem_shared>> -> memref<80x128xf32, #tpu.memory_space<vmem_shared>>
      %dma_start3A_76 = arith.constant 0 : i32
      %dma_start3A_77 = tpu.memref_slice %arg6[%add3A_24, %dma_start3A_76] : memref<10240x128xf32, #tpu.memory_space<vmem_shared>> -> memref<80x128xf32, #tpu.memory_space<vmem_shared>>
      tpu.enqueue_dma source(%arg10 : memref<80x128xf32, #tpu.memory_space<vmem>>) target(%dma_start3A_77 : memref<80x128xf32, #tpu.memory_space<vmem_shared>>) target_semaphore(%run_scoped3A : memref<!tpu.dma_semaphore, #tpu.memory_space<semaphore_mem>>)
      %dma_wait3A = arith.constant 0 : i32
      %dma_wait3A_78 = tpu.memref_slice %arg6[%add3A_24, %dma_wait3A] : memref<10240x128xf32, #tpu.memory_space<vmem_shared>> -> memref<80x128xf32, #tpu.memory_space<vmem_shared>>
      %dma_wait3A_79 = arith.constant 0 : i32
      %dma_wait3A_80 = tpu.memref_slice %arg6[%add3A_24, %dma_wait3A_79] : memref<10240x128xf32, #tpu.memory_space<vmem_shared>> -> memref<80x128xf32, #tpu.memory_space<vmem_shared>>
      tpu.wait_dma2 semaphore(%run_scoped3A : memref<!tpu.dma_semaphore, #tpu.memory_space<semaphore_mem>>) src(%arg10 : memref<80x128xf32, #tpu.memory_space<vmem>>) dst(%dma_wait3A_80 : memref<80x128xf32, #tpu.memory_space<vmem_shared>>)
      tpu.yield
    }) : () -> ()
    %mul3A_25 = arith.constant 640 : i32
    %mul3A_26 = arith.muli %arg1, %mul3A_25 : i32
    %add3A_27 = arith.constant 400 : i32
    %add3A_28 = arith.addi %mul3A_26, %add3A_27 : i32
    "tpu.region"() ({
      %run_scoped3A = tpu.sem_alloc : memref<!tpu.dma_semaphore, #tpu.memory_space<semaphore_mem>>
      %dma_start3A = arith.constant 0 : i32
      %dma_start3A_75 = tpu.memref_slice %arg6[%add3A_28, %dma_start3A] : memref<10240x128xf32, #tpu.memory_space<vmem_shared>> -> memref<80x128xf32, #tpu.memory_space<vmem_shared>>
      %dma_start3A_76 = arith.constant 0 : i32
      %dma_start3A_77 = tpu.memref_slice %arg6[%add3A_28, %dma_start3A_76] : memref<10240x128xf32, #tpu.memory_space<vmem_shared>> -> memref<80x128xf32, #tpu.memory_space<vmem_shared>>
      tpu.enqueue_dma source(%arg10 : memref<80x128xf32, #tpu.memory_space<vmem>>) target(%dma_start3A_77 : memref<80x128xf32, #tpu.memory_space<vmem_shared>>) target_semaphore(%run_scoped3A : memref<!tpu.dma_semaphore, #tpu.memory_space<semaphore_mem>>)
      %dma_wait3A = arith.constant 0 : i32
      %dma_wait3A_78 = tpu.memref_slice %arg6[%add3A_28, %dma_wait3A] : memref<10240x128xf32, #tpu.memory_space<vmem_shared>> -> memref<80x128xf32, #tpu.memory_space<vmem_shared>>
      %dma_wait3A_79 = arith.constant 0 : i32
      %dma_wait3A_80 = tpu.memref_slice %arg6[%add3A_28, %dma_wait3A_79] : memref<10240x128xf32, #tpu.memory_space<vmem_shared>> -> memref<80x128xf32, #tpu.memory_space<vmem_shared>>
      tpu.wait_dma2 semaphore(%run_scoped3A : memref<!tpu.dma_semaphore, #tpu.memory_space<semaphore_mem>>) src(%arg10 : memref<80x128xf32, #tpu.memory_space<vmem>>) dst(%dma_wait3A_80 : memref<80x128xf32, #tpu.memory_space<vmem_shared>>)
      tpu.yield
    }) : () -> ()
    %mul3A_29 = arith.constant 640 : i32
    %mul3A_30 = arith.muli %arg1, %mul3A_29 : i32
    %add3A_31 = arith.constant 480 : i32
    %add3A_32 = arith.addi %mul3A_30, %add3A_31 : i32
    "tpu.region"() ({
      %run_scoped3A = tpu.sem_alloc : memref<!tpu.dma_semaphore, #tpu.memory_space<semaphore_mem>>
      %dma_start3A = arith.constant 0 : i32
      %dma_start3A_75 = tpu.memref_slice %arg6[%add3A_32, %dma_start3A] : memref<10240x128xf32, #tpu.memory_space<vmem_shared>> -> memref<80x128xf32, #tpu.memory_space<vmem_shared>>
      %dma_start3A_76 = arith.constant 0 : i32
      %dma_start3A_77 = tpu.memref_slice %arg6[%add3A_32, %dma_start3A_76] : memref<10240x128xf32, #tpu.memory_space<vmem_shared>> -> memref<80x128xf32, #tpu.memory_space<vmem_shared>>
      tpu.enqueue_dma source(%arg10 : memref<80x128xf32, #tpu.memory_space<vmem>>) target(%dma_start3A_77 : memref<80x128xf32, #tpu.memory_space<vmem_shared>>) target_semaphore(%run_scoped3A : memref<!tpu.dma_semaphore, #tpu.memory_space<semaphore_mem>>)
      %dma_wait3A = arith.constant 0 : i32
      %dma_wait3A_78 = tpu.memref_slice %arg6[%add3A_32, %dma_wait3A] : memref<10240x128xf32, #tpu.memory_space<vmem_shared>> -> memref<80x128xf32, #tpu.memory_space<vmem_shared>>
      %dma_wait3A_79 = arith.constant 0 : i32
      %dma_wait3A_80 = tpu.memref_slice %arg6[%add3A_32, %dma_wait3A_79] : memref<10240x128xf32, #tpu.memory_space<vmem_shared>> -> memref<80x128xf32, #tpu.memory_space<vmem_shared>>
      tpu.wait_dma2 semaphore(%run_scoped3A : memref<!tpu.dma_semaphore, #tpu.memory_space<semaphore_mem>>) src(%arg10 : memref<80x128xf32, #tpu.memory_space<vmem>>) dst(%dma_wait3A_80 : memref<80x128xf32, #tpu.memory_space<vmem_shared>>)
      tpu.yield
    }) : () -> ()
    %mul3A_33 = arith.constant 640 : i32
    %mul3A_34 = arith.muli %arg1, %mul3A_33 : i32
    %add3A_35 = arith.constant 560 : i32
    %add3A_36 = arith.addi %mul3A_34, %add3A_35 : i32
    "tpu.region"() ({
      %run_scoped3A = tpu.sem_alloc : memref<!tpu.dma_semaphore, #tpu.memory_space<semaphore_mem>>
      %dma_start3A = arith.constant 0 : i32
      %dma_start3A_75 = tpu.memref_slice %arg6[%add3A_36, %dma_start3A] : memref<10240x128xf32, #tpu.memory_space<vmem_shared>> -> memref<80x128xf32, #tpu.memory_space<vmem_shared>>
      %dma_start3A_76 = arith.constant 0 : i32
      %dma_start3A_77 = tpu.memref_slice %arg6[%add3A_36, %dma_start3A_76] : memref<10240x128xf32, #tpu.memory_space<vmem_shared>> -> memref<80x128xf32, #tpu.memory_space<vmem_shared>>
      tpu.enqueue_dma source(%arg10 : memref<80x128xf32, #tpu.memory_space<vmem>>) target(%dma_start3A_77 : memref<80x128xf32, #tpu.memory_space<vmem_shared>>) target_semaphore(%run_scoped3A : memref<!tpu.dma_semaphore, #tpu.memory_space<semaphore_mem>>)
      %dma_wait3A = arith.constant 0 : i32
      %dma_wait3A_78 = tpu.memref_slice %arg6[%add3A_36, %dma_wait3A] : memref<10240x128xf32, #tpu.memory_space<vmem_shared>> -> memref<80x128xf32, #tpu.memory_space<vmem_shared>>
      %dma_wait3A_79 = arith.constant 0 : i32
      %dma_wait3A_80 = tpu.memref_slice %arg6[%add3A_36, %dma_wait3A_79] : memref<10240x128xf32, #tpu.memory_space<vmem_shared>> -> memref<80x128xf32, #tpu.memory_space<vmem_shared>>
      tpu.wait_dma2 semaphore(%run_scoped3A : memref<!tpu.dma_semaphore, #tpu.memory_space<semaphore_mem>>) src(%arg10 : memref<80x128xf32, #tpu.memory_space<vmem>>) dst(%dma_wait3A_80 : memref<80x128xf32, #tpu.memory_space<vmem_shared>>)
      tpu.yield
    }) : () -> ()
    %barrier3A = arith.constant 0 : index
    tpu.barrier barrier_id(%barrier3A)
    %scan3A_37 = arith.constant 0 : i32
    %scan3A_38 = arith.constant 79 : i32
    %scan3A_39 = arith.addi %scan3A_37, %scan3A_38 : i32
    %scan3A_40 = arith.constant 1 : i32
    scf.for %scan3A_75 = %scan3A_37 to %scan3A_39 step %scan3A_40  : i32 {
      %mul3A_76 = arith.constant 1 : i32
      %mul3A_77 = arith.muli %scan3A_75, %mul3A_76 : i32
      %add3A_78 = arith.constant 0 : i32
      %add3A_79 = arith.addi %add3A_78, %mul3A_77 : i32
      %dma_start3A = arith.constant 0 : i32
      %dma_start3A_80 = tpu.memref_slice %arg7[%add3A_79, %dma_start3A] : memref<79x128xi32, #tpu.memory_space<vmem>> -> memref<1x128xi32, #tpu.memory_space<vmem>>
      %dma_start3A_81 = tpu.memref_squeeze %dma_start3A_80 : memref<1x128xi32, #tpu.memory_space<vmem>> -> memref<128xi32, #tpu.memory_space<vmem>>
      %dma_start3A_82 = arith.constant 0 : i32
      %dma_start3A_83 = arith.constant 0 : i32
      %dma_start3A_84 = tpu.memref_slice %arg2[%dma_start3A_82, %dma_start3A_83] : memref<10240x128xf32, #tpu.memory_space<hbm>> -> memref<10240x128xf32, #tpu.memory_space<hbm>>
      tpu.enqueue_indirect_dma source(%dma_start3A_84 : memref<10240x128xf32, #tpu.memory_space<hbm>>) target(%arg9 : memref<128x128xf32, #tpu.memory_space<vmem>>) offsets(%dma_start3A_81 : memref<128xi32, #tpu.memory_space<vmem>>) semaphore(%arg11 : memref<!tpu.dma_semaphore, #tpu.memory_space<semaphore_mem>>)
      %dma_wait3A = arith.constant 0 : i32
      %dma_wait3A_85 = tpu.memref_slice %arg7[%add3A_79, %dma_wait3A] : memref<79x128xi32, #tpu.memory_space<vmem>> -> memref<1x128xi32, #tpu.memory_space<vmem>>
      %dma_wait3A_86 = tpu.memref_squeeze %dma_wait3A_85 : memref<1x128xi32, #tpu.memory_space<vmem>> -> memref<128xi32, #tpu.memory_space<vmem>>
      %dma_wait3A_87 = arith.constant 0 : i32
      %dma_wait3A_88 = arith.constant 0 : i32
      %dma_wait3A_89 = tpu.memref_slice %arg2[%dma_wait3A_87, %dma_wait3A_88] : memref<10240x128xf32, #tpu.memory_space<hbm>> -> memref<10240x128xf32, #tpu.memory_space<hbm>>
      tpu.wait_indirect_dma semaphore(%arg11 : memref<!tpu.dma_semaphore, #tpu.memory_space<semaphore_mem>>) src(%dma_wait3A_89 : memref<10240x128xf32, #tpu.memory_space<hbm>>) dst(%arg9 : memref<128x128xf32, #tpu.memory_space<vmem>>)
      "tpu.region"() ({
        %run_scoped3A = tpu.sem_alloc : memref<!tpu.dma_semaphore, #tpu.memory_space<semaphore_mem>>
        %dma_start3A_90 = arith.constant 0 : i32
        %dma_start3A_91 = tpu.memref_slice %arg8[%add3A_79, %dma_start3A_90] : memref<79x128xi32, #tpu.memory_space<vmem>> -> memref<1x128xi32, #tpu.memory_space<vmem>>
        %dma_start3A_92 = tpu.memref_squeeze %dma_start3A_91 : memref<1x128xi32, #tpu.memory_space<vmem>> -> memref<128xi32, #tpu.memory_space<vmem>>
        %dma_start3A_93 = arith.constant 0 : i32
        %dma_start3A_94 = arith.constant 0 : i32
        %dma_start3A_95 = tpu.memref_slice %arg6[%dma_start3A_93, %dma_start3A_94] : memref<10240x128xf32, #tpu.memory_space<vmem_shared>> -> memref<10240x128xf32, #tpu.memory_space<vmem_shared>>
        tpu.enqueue_indirect_dma source(%arg9 : memref<128x128xf32, #tpu.memory_space<vmem>>) target(%dma_start3A_95 : memref<10240x128xf32, #tpu.memory_space<vmem_shared>>) offsets(%dma_start3A_92 : memref<128xi32, #tpu.memory_space<vmem>>) semaphore(%run_scoped3A : memref<!tpu.dma_semaphore, #tpu.memory_space<semaphore_mem>>) {add = true}
        %dma_wait3A_96 = arith.constant 0 : i32
        %dma_wait3A_97 = tpu.memref_slice %arg8[%add3A_79, %dma_wait3A_96] : memref<79x128xi32, #tpu.memory_space<vmem>> -> memref<1x128xi32, #tpu.memory_space<vmem>>
        %dma_wait3A_98 = tpu.memref_squeeze %dma_wait3A_97 : memref<1x128xi32, #tpu.memory_space<vmem>> -> memref<128xi32, #tpu.memory_space<vmem>>
        %dma_wait3A_99 = arith.constant 0 : i32
        %dma_wait3A_100 = arith.constant 0 : i32
        %dma_wait3A_101 = tpu.memref_slice %arg6[%dma_wait3A_99, %dma_wait3A_100] : memref<10240x128xf32, #tpu.memory_space<vmem_shared>> -> memref<10240x128xf32, #tpu.memory_space<vmem_shared>>
        tpu.wait_indirect_dma semaphore(%run_scoped3A : memref<!tpu.dma_semaphore, #tpu.memory_space<semaphore_mem>>) src(%arg9 : memref<128x128xf32, #tpu.memory_space<vmem>>) dst(%dma_wait3A_101 : memref<10240x128xf32, #tpu.memory_space<vmem_shared>>)
        tpu.yield
      }) : () -> ()
    }
    %scan3A_41 = arith.constant 79 : i32
    %barrier3A_42 = arith.constant 0 : index
    tpu.barrier barrier_id(%barrier3A_42)
    %mul3A_43 = arith.constant 640 : i32
    %mul3A_44 = arith.muli %arg1, %mul3A_43 : i32
    %add3A_45 = arith.constant 0 : i32
    %add3A_46 = arith.addi %mul3A_44, %add3A_45 : i32
    "tpu.region"() ({
      %run_scoped3A = tpu.sem_alloc : memref<!tpu.dma_semaphore, #tpu.memory_space<semaphore_mem>>
      %dma_start3A = arith.constant 0 : i32
      %dma_start3A_75 = tpu.memref_slice %arg6[%add3A_46, %dma_start3A] : memref<10240x128xf32, #tpu.memory_space<vmem_shared>> -> memref<80x128xf32, #tpu.memory_space<vmem_shared>>
      %dma_start3A_76 = arith.constant 0 : i32
      %dma_start3A_77 = tpu.memref_slice %arg6[%add3A_46, %dma_start3A_76] : memref<10240x128xf32, #tpu.memory_space<vmem_shared>> -> memref<80x128xf32, #tpu.memory_space<vmem_shared>>
      tpu.enqueue_dma source(%dma_start3A_77 : memref<80x128xf32, #tpu.memory_space<vmem_shared>>) target(%arg10 : memref<80x128xf32, #tpu.memory_space<vmem>>) target_semaphore(%run_scoped3A : memref<!tpu.dma_semaphore, #tpu.memory_space<semaphore_mem>>)
      %dma_wait3A = arith.constant 0 : i32
      %dma_wait3A_78 = tpu.memref_slice %arg6[%add3A_46, %dma_wait3A] : memref<10240x128xf32, #tpu.memory_space<vmem_shared>> -> memref<80x128xf32, #tpu.memory_space<vmem_shared>>
      %dma_wait3A_79 = arith.constant 0 : i32
      %dma_wait3A_80 = tpu.memref_slice %arg6[%add3A_46, %dma_wait3A_79] : memref<10240x128xf32, #tpu.memory_space<vmem_shared>> -> memref<80x128xf32, #tpu.memory_space<vmem_shared>>
      tpu.wait_dma2 semaphore(%run_scoped3A : memref<!tpu.dma_semaphore, #tpu.memory_space<semaphore_mem>>) src(%dma_wait3A_80 : memref<80x128xf32, #tpu.memory_space<vmem_shared>>) dst(%arg10 : memref<80x128xf32, #tpu.memory_space<vmem>>)
      tpu.yield
    }) : () -> ()
    "tpu.region"() ({
      %run_scoped3A = tpu.sem_alloc : memref<!tpu.dma_semaphore, #tpu.memory_space<semaphore_mem>>
      %dma_start3A = arith.constant 0 : i32
      %dma_start3A_75 = tpu.memref_slice %arg5[%arg0, %add3A_46, %dma_start3A] : memref<2x10240x128xf32, #tpu.memory_space<hbm>> -> memref<1x80x128xf32, #tpu.memory_space<hbm>>
      %dma_start3A_76 = tpu.memref_squeeze %dma_start3A_75 : memref<1x80x128xf32, #tpu.memory_space<hbm>> -> memref<80x128xf32, #tpu.memory_space<hbm>>
      %dma_start3A_77 = arith.constant 0 : i32
      %dma_start3A_78 = tpu.memref_slice %arg5[%arg0, %add3A_46, %dma_start3A_77] : memref<2x10240x128xf32, #tpu.memory_space<hbm>> -> memref<1x80x128xf32, #tpu.memory_space<hbm>>
      %dma_start3A_79 = tpu.memref_squeeze %dma_start3A_78 : memref<1x80x128xf32, #tpu.memory_space<hbm>> -> memref<80x128xf32, #tpu.memory_space<hbm>>
      tpu.enqueue_dma source(%arg10 : memref<80x128xf32, #tpu.memory_space<vmem>>) target(%dma_start3A_79 : memref<80x128xf32, #tpu.memory_space<hbm>>) target_semaphore(%run_scoped3A : memref<!tpu.dma_semaphore, #tpu.memory_space<semaphore_mem>>)
      %dma_wait3A = arith.constant 0 : i32
      %dma_wait3A_80 = tpu.memref_slice %arg5[%arg0, %add3A_46, %dma_wait3A] : memref<2x10240x128xf32, #tpu.memory_space<hbm>> -> memref<1x80x128xf32, #tpu.memory_space<hbm>>
      %dma_wait3A_81 = tpu.memref_squeeze %dma_wait3A_80 : memref<1x80x128xf32, #tpu.memory_space<hbm>> -> memref<80x128xf32, #tpu.memory_space<hbm>>
      %dma_wait3A_82 = arith.constant 0 : i32
      %dma_wait3A_83 = tpu.memref_slice %arg5[%arg0, %add3A_46, %dma_wait3A_82] : memref<2x10240x128xf32, #tpu.memory_space<hbm>> -> memref<1x80x128xf32, #tpu.memory_space<hbm>>
      %dma_wait3A_84 = tpu.memref_squeeze %dma_wait3A_83 : memref<1x80x128xf32, #tpu.memory_space<hbm>> -> memref<80x128xf32, #tpu.memory_space<hbm>>
      tpu.wait_dma2 semaphore(%run_scoped3A : memref<!tpu.dma_semaphore, #tpu.memory_space<semaphore_mem>>) src(%arg10 : memref<80x128xf32, #tpu.memory_space<vmem>>) dst(%dma_wait3A_84 : memref<80x128xf32, #tpu.memory_space<hbm>>)
      tpu.yield
    }) : () -> ()
    %mul3A_47 = arith.constant 640 : i32
    %mul3A_48 = arith.muli %arg1, %mul3A_47 : i32
    %add3A_49 = arith.constant 80 : i32
    %add3A_50 = arith.addi %mul3A_48, %add3A_49 : i32
    "tpu.region"() ({
      %run_scoped3A = tpu.sem_alloc : memref<!tpu.dma_semaphore, #tpu.memory_space<semaphore_mem>>
      %dma_start3A = arith.constant 0 : i32
      %dma_start3A_75 = tpu.memref_slice %arg6[%add3A_50, %dma_start3A] : memref<10240x128xf32, #tpu.memory_space<vmem_shared>> -> memref<80x128xf32, #tpu.memory_space<vmem_shared>>
      %dma_start3A_76 = arith.constant 0 : i32
      %dma_start3A_77 = tpu.memref_slice %arg6[%add3A_50, %dma_start3A_76] : memref<10240x128xf32, #tpu.memory_space<vmem_shared>> -> memref<80x128xf32, #tpu.memory_space<vmem_shared>>
      tpu.enqueue_dma source(%dma_start3A_77 : memref<80x128xf32, #tpu.memory_space<vmem_shared>>) target(%arg10 : memref<80x128xf32, #tpu.memory_space<vmem>>) target_semaphore(%run_scoped3A : memref<!tpu.dma_semaphore, #tpu.memory_space<semaphore_mem>>)
      %dma_wait3A = arith.constant 0 : i32
      %dma_wait3A_78 = tpu.memref_slice %arg6[%add3A_50, %dma_wait3A] : memref<10240x128xf32, #tpu.memory_space<vmem_shared>> -> memref<80x128xf32, #tpu.memory_space<vmem_shared>>
      %dma_wait3A_79 = arith.constant 0 : i32
      %dma_wait3A_80 = tpu.memref_slice %arg6[%add3A_50, %dma_wait3A_79] : memref<10240x128xf32, #tpu.memory_space<vmem_shared>> -> memref<80x128xf32, #tpu.memory_space<vmem_shared>>
      tpu.wait_dma2 semaphore(%run_scoped3A : memref<!tpu.dma_semaphore, #tpu.memory_space<semaphore_mem>>) src(%dma_wait3A_80 : memref<80x128xf32, #tpu.memory_space<vmem_shared>>) dst(%arg10 : memref<80x128xf32, #tpu.memory_space<vmem>>)
      tpu.yield
    }) : () -> ()
    "tpu.region"() ({
      %run_scoped3A = tpu.sem_alloc : memref<!tpu.dma_semaphore, #tpu.memory_space<semaphore_mem>>
      %dma_start3A = arith.constant 0 : i32
      %dma_start3A_75 = tpu.memref_slice %arg5[%arg0, %add3A_50, %dma_start3A] : memref<2x10240x128xf32, #tpu.memory_space<hbm>> -> memref<1x80x128xf32, #tpu.memory_space<hbm>>
      %dma_start3A_76 = tpu.memref_squeeze %dma_start3A_75 : memref<1x80x128xf32, #tpu.memory_space<hbm>> -> memref<80x128xf32, #tpu.memory_space<hbm>>
      %dma_start3A_77 = arith.constant 0 : i32
      %dma_start3A_78 = tpu.memref_slice %arg5[%arg0, %add3A_50, %dma_start3A_77] : memref<2x10240x128xf32, #tpu.memory_space<hbm>> -> memref<1x80x128xf32, #tpu.memory_space<hbm>>
      %dma_start3A_79 = tpu.memref_squeeze %dma_start3A_78 : memref<1x80x128xf32, #tpu.memory_space<hbm>> -> memref<80x128xf32, #tpu.memory_space<hbm>>
      tpu.enqueue_dma source(%arg10 : memref<80x128xf32, #tpu.memory_space<vmem>>) target(%dma_start3A_79 : memref<80x128xf32, #tpu.memory_space<hbm>>) target_semaphore(%run_scoped3A : memref<!tpu.dma_semaphore, #tpu.memory_space<semaphore_mem>>)
      %dma_wait3A = arith.constant 0 : i32
      %dma_wait3A_80 = tpu.memref_slice %arg5[%arg0, %add3A_50, %dma_wait3A] : memref<2x10240x128xf32, #tpu.memory_space<hbm>> -> memref<1x80x128xf32, #tpu.memory_space<hbm>>
      %dma_wait3A_81 = tpu.memref_squeeze %dma_wait3A_80 : memref<1x80x128xf32, #tpu.memory_space<hbm>> -> memref<80x128xf32, #tpu.memory_space<hbm>>
      %dma_wait3A_82 = arith.constant 0 : i32
      %dma_wait3A_83 = tpu.memref_slice %arg5[%arg0, %add3A_50, %dma_wait3A_82] : memref<2x10240x128xf32, #tpu.memory_space<hbm>> -> memref<1x80x128xf32, #tpu.memory_space<hbm>>
      %dma_wait3A_84 = tpu.memref_squeeze %dma_wait3A_83 : memref<1x80x128xf32, #tpu.memory_space<hbm>> -> memref<80x128xf32, #tpu.memory_space<hbm>>
      tpu.wait_dma2 semaphore(%run_scoped3A : memref<!tpu.dma_semaphore, #tpu.memory_space<semaphore_mem>>) src(%arg10 : memref<80x128xf32, #tpu.memory_space<vmem>>) dst(%dma_wait3A_84 : memref<80x128xf32, #tpu.memory_space<hbm>>)
      tpu.yield
    }) : () -> ()
    %mul3A_51 = arith.constant 640 : i32
    %mul3A_52 = arith.muli %arg1, %mul3A_51 : i32
    %add3A_53 = arith.constant 160 : i32
    %add3A_54 = arith.addi %mul3A_52, %add3A_53 : i32
    "tpu.region"() ({
      %run_scoped3A = tpu.sem_alloc : memref<!tpu.dma_semaphore, #tpu.memory_space<semaphore_mem>>
      %dma_start3A = arith.constant 0 : i32
      %dma_start3A_75 = tpu.memref_slice %arg6[%add3A_54, %dma_start3A] : memref<10240x128xf32, #tpu.memory_space<vmem_shared>> -> memref<80x128xf32, #tpu.memory_space<vmem_shared>>
      %dma_start3A_76 = arith.constant 0 : i32
      %dma_start3A_77 = tpu.memref_slice %arg6[%add3A_54, %dma_start3A_76] : memref<10240x128xf32, #tpu.memory_space<vmem_shared>> -> memref<80x128xf32, #tpu.memory_space<vmem_shared>>
      tpu.enqueue_dma source(%dma_start3A_77 : memref<80x128xf32, #tpu.memory_space<vmem_shared>>) target(%arg10 : memref<80x128xf32, #tpu.memory_space<vmem>>) target_semaphore(%run_scoped3A : memref<!tpu.dma_semaphore, #tpu.memory_space<semaphore_mem>>)
      %dma_wait3A = arith.constant 0 : i32
      %dma_wait3A_78 = tpu.memref_slice %arg6[%add3A_54, %dma_wait3A] : memref<10240x128xf32, #tpu.memory_space<vmem_shared>> -> memref<80x128xf32, #tpu.memory_space<vmem_shared>>
      %dma_wait3A_79 = arith.constant 0 : i32
      %dma_wait3A_80 = tpu.memref_slice %arg6[%add3A_54, %dma_wait3A_79] : memref<10240x128xf32, #tpu.memory_space<vmem_shared>> -> memref<80x128xf32, #tpu.memory_space<vmem_shared>>
      tpu.wait_dma2 semaphore(%run_scoped3A : memref<!tpu.dma_semaphore, #tpu.memory_space<semaphore_mem>>) src(%dma_wait3A_80 : memref<80x128xf32, #tpu.memory_space<vmem_shared>>) dst(%arg10 : memref<80x128xf32, #tpu.memory_space<vmem>>)
      tpu.yield
    }) : () -> ()
    "tpu.region"() ({
      %run_scoped3A = tpu.sem_alloc : memref<!tpu.dma_semaphore, #tpu.memory_space<semaphore_mem>>
      %dma_start3A = arith.constant 0 : i32
      %dma_start3A_75 = tpu.memref_slice %arg5[%arg0, %add3A_54, %dma_start3A] : memref<2x10240x128xf32, #tpu.memory_space<hbm>> -> memref<1x80x128xf32, #tpu.memory_space<hbm>>
      %dma_start3A_76 = tpu.memref_squeeze %dma_start3A_75 : memref<1x80x128xf32, #tpu.memory_space<hbm>> -> memref<80x128xf32, #tpu.memory_space<hbm>>
      %dma_start3A_77 = arith.constant 0 : i32
      %dma_start3A_78 = tpu.memref_slice %arg5[%arg0, %add3A_54, %dma_start3A_77] : memref<2x10240x128xf32, #tpu.memory_space<hbm>> -> memref<1x80x128xf32, #tpu.memory_space<hbm>>
      %dma_start3A_79 = tpu.memref_squeeze %dma_start3A_78 : memref<1x80x128xf32, #tpu.memory_space<hbm>> -> memref<80x128xf32, #tpu.memory_space<hbm>>
      tpu.enqueue_dma source(%arg10 : memref<80x128xf32, #tpu.memory_space<vmem>>) target(%dma_start3A_79 : memref<80x128xf32, #tpu.memory_space<hbm>>) target_semaphore(%run_scoped3A : memref<!tpu.dma_semaphore, #tpu.memory_space<semaphore_mem>>)
      %dma_wait3A = arith.constant 0 : i32
      %dma_wait3A_80 = tpu.memref_slice %arg5[%arg0, %add3A_54, %dma_wait3A] : memref<2x10240x128xf32, #tpu.memory_space<hbm>> -> memref<1x80x128xf32, #tpu.memory_space<hbm>>
      %dma_wait3A_81 = tpu.memref_squeeze %dma_wait3A_80 : memref<1x80x128xf32, #tpu.memory_space<hbm>> -> memref<80x128xf32, #tpu.memory_space<hbm>>
      %dma_wait3A_82 = arith.constant 0 : i32
      %dma_wait3A_83 = tpu.memref_slice %arg5[%arg0, %add3A_54, %dma_wait3A_82] : memref<2x10240x128xf32, #tpu.memory_space<hbm>> -> memref<1x80x128xf32, #tpu.memory_space<hbm>>
      %dma_wait3A_84 = tpu.memref_squeeze %dma_wait3A_83 : memref<1x80x128xf32, #tpu.memory_space<hbm>> -> memref<80x128xf32, #tpu.memory_space<hbm>>
      tpu.wait_dma2 semaphore(%run_scoped3A : memref<!tpu.dma_semaphore, #tpu.memory_space<semaphore_mem>>) src(%arg10 : memref<80x128xf32, #tpu.memory_space<vmem>>) dst(%dma_wait3A_84 : memref<80x128xf32, #tpu.memory_space<hbm>>)
      tpu.yield
    }) : () -> ()
    %mul3A_55 = arith.constant 640 : i32
    %mul3A_56 = arith.muli %arg1, %mul3A_55 : i32
    %add3A_57 = arith.constant 240 : i32
    %add3A_58 = arith.addi %mul3A_56, %add3A_57 : i32
    "tpu.region"() ({
      %run_scoped3A = tpu.sem_alloc : memref<!tpu.dma_semaphore, #tpu.memory_space<semaphore_mem>>
      %dma_start3A = arith.constant 0 : i32
      %dma_start3A_75 = tpu.memref_slice %arg6[%add3A_58, %dma_start3A] : memref<10240x128xf32, #tpu.memory_space<vmem_shared>> -> memref<80x128xf32, #tpu.memory_space<vmem_shared>>
      %dma_start3A_76 = arith.constant 0 : i32
      %dma_start3A_77 = tpu.memref_slice %arg6[%add3A_58, %dma_start3A_76] : memref<10240x128xf32, #tpu.memory_space<vmem_shared>> -> memref<80x128xf32, #tpu.memory_space<vmem_shared>>
      tpu.enqueue_dma source(%dma_start3A_77 : memref<80x128xf32, #tpu.memory_space<vmem_shared>>) target(%arg10 : memref<80x128xf32, #tpu.memory_space<vmem>>) target_semaphore(%run_scoped3A : memref<!tpu.dma_semaphore, #tpu.memory_space<semaphore_mem>>)
      %dma_wait3A = arith.constant 0 : i32
      %dma_wait3A_78 = tpu.memref_slice %arg6[%add3A_58, %dma_wait3A] : memref<10240x128xf32, #tpu.memory_space<vmem_shared>> -> memref<80x128xf32, #tpu.memory_space<vmem_shared>>
      %dma_wait3A_79 = arith.constant 0 : i32
      %dma_wait3A_80 = tpu.memref_slice %arg6[%add3A_58, %dma_wait3A_79] : memref<10240x128xf32, #tpu.memory_space<vmem_shared>> -> memref<80x128xf32, #tpu.memory_space<vmem_shared>>
      tpu.wait_dma2 semaphore(%run_scoped3A : memref<!tpu.dma_semaphore, #tpu.memory_space<semaphore_mem>>) src(%dma_wait3A_80 : memref<80x128xf32, #tpu.memory_space<vmem_shared>>) dst(%arg10 : memref<80x128xf32, #tpu.memory_space<vmem>>)
      tpu.yield
    }) : () -> ()
    "tpu.region"() ({
      %run_scoped3A = tpu.sem_alloc : memref<!tpu.dma_semaphore, #tpu.memory_space<semaphore_mem>>
      %dma_start3A = arith.constant 0 : i32
      %dma_start3A_75 = tpu.memref_slice %arg5[%arg0, %add3A_58, %dma_start3A] : memref<2x10240x128xf32, #tpu.memory_space<hbm>> -> memref<1x80x128xf32, #tpu.memory_space<hbm>>
      %dma_start3A_76 = tpu.memref_squeeze %dma_start3A_75 : memref<1x80x128xf32, #tpu.memory_space<hbm>> -> memref<80x128xf32, #tpu.memory_space<hbm>>
      %dma_start3A_77 = arith.constant 0 : i32
      %dma_start3A_78 = tpu.memref_slice %arg5[%arg0, %add3A_58, %dma_start3A_77] : memref<2x10240x128xf32, #tpu.memory_space<hbm>> -> memref<1x80x128xf32, #tpu.memory_space<hbm>>
      %dma_start3A_79 = tpu.memref_squeeze %dma_start3A_78 : memref<1x80x128xf32, #tpu.memory_space<hbm>> -> memref<80x128xf32, #tpu.memory_space<hbm>>
      tpu.enqueue_dma source(%arg10 : memref<80x128xf32, #tpu.memory_space<vmem>>) target(%dma_start3A_79 : memref<80x128xf32, #tpu.memory_space<hbm>>) target_semaphore(%run_scoped3A : memref<!tpu.dma_semaphore, #tpu.memory_space<semaphore_mem>>)
      %dma_wait3A = arith.constant 0 : i32
      %dma_wait3A_80 = tpu.memref_slice %arg5[%arg0, %add3A_58, %dma_wait3A] : memref<2x10240x128xf32, #tpu.memory_space<hbm>> -> memref<1x80x128xf32, #tpu.memory_space<hbm>>
      %dma_wait3A_81 = tpu.memref_squeeze %dma_wait3A_80 : memref<1x80x128xf32, #tpu.memory_space<hbm>> -> memref<80x128xf32, #tpu.memory_space<hbm>>
      %dma_wait3A_82 = arith.constant 0 : i32
      %dma_wait3A_83 = tpu.memref_slice %arg5[%arg0, %add3A_58, %dma_wait3A_82] : memref<2x10240x128xf32, #tpu.memory_space<hbm>> -> memref<1x80x128xf32, #tpu.memory_space<hbm>>
      %dma_wait3A_84 = tpu.memref_squeeze %dma_wait3A_83 : memref<1x80x128xf32, #tpu.memory_space<hbm>> -> memref<80x128xf32, #tpu.memory_space<hbm>>
      tpu.wait_dma2 semaphore(%run_scoped3A : memref<!tpu.dma_semaphore, #tpu.memory_space<semaphore_mem>>) src(%arg10 : memref<80x128xf32, #tpu.memory_space<vmem>>) dst(%dma_wait3A_84 : memref<80x128xf32, #tpu.memory_space<hbm>>)
      tpu.yield
    }) : () -> ()
    %mul3A_59 = arith.constant 640 : i32
    %mul3A_60 = arith.muli %arg1, %mul3A_59 : i32
    %add3A_61 = arith.constant 320 : i32
    %add3A_62 = arith.addi %mul3A_60, %add3A_61 : i32
    "tpu.region"() ({
      %run_scoped3A = tpu.sem_alloc : memref<!tpu.dma_semaphore, #tpu.memory_space<semaphore_mem>>
      %dma_start3A = arith.constant 0 : i32
      %dma_start3A_75 = tpu.memref_slice %arg6[%add3A_62, %dma_start3A] : memref<10240x128xf32, #tpu.memory_space<vmem_shared>> -> memref<80x128xf32, #tpu.memory_space<vmem_shared>>
      %dma_start3A_76 = arith.constant 0 : i32
      %dma_start3A_77 = tpu.memref_slice %arg6[%add3A_62, %dma_start3A_76] : memref<10240x128xf32, #tpu.memory_space<vmem_shared>> -> memref<80x128xf32, #tpu.memory_space<vmem_shared>>
      tpu.enqueue_dma source(%dma_start3A_77 : memref<80x128xf32, #tpu.memory_space<vmem_shared>>) target(%arg10 : memref<80x128xf32, #tpu.memory_space<vmem>>) target_semaphore(%run_scoped3A : memref<!tpu.dma_semaphore, #tpu.memory_space<semaphore_mem>>)
      %dma_wait3A = arith.constant 0 : i32
      %dma_wait3A_78 = tpu.memref_slice %arg6[%add3A_62, %dma_wait3A] : memref<10240x128xf32, #tpu.memory_space<vmem_shared>> -> memref<80x128xf32, #tpu.memory_space<vmem_shared>>
      %dma_wait3A_79 = arith.constant 0 : i32
      %dma_wait3A_80 = tpu.memref_slice %arg6[%add3A_62, %dma_wait3A_79] : memref<10240x128xf32, #tpu.memory_space<vmem_shared>> -> memref<80x128xf32, #tpu.memory_space<vmem_shared>>
      tpu.wait_dma2 semaphore(%run_scoped3A : memref<!tpu.dma_semaphore, #tpu.memory_space<semaphore_mem>>) src(%dma_wait3A_80 : memref<80x128xf32, #tpu.memory_space<vmem_shared>>) dst(%arg10 : memref<80x128xf32, #tpu.memory_space<vmem>>)
      tpu.yield
    }) : () -> ()
    "tpu.region"() ({
      %run_scoped3A = tpu.sem_alloc : memref<!tpu.dma_semaphore, #tpu.memory_space<semaphore_mem>>
      %dma_start3A = arith.constant 0 : i32
      %dma_start3A_75 = tpu.memref_slice %arg5[%arg0, %add3A_62, %dma_start3A] : memref<2x10240x128xf32, #tpu.memory_space<hbm>> -> memref<1x80x128xf32, #tpu.memory_space<hbm>>
      %dma_start3A_76 = tpu.memref_squeeze %dma_start3A_75 : memref<1x80x128xf32, #tpu.memory_space<hbm>> -> memref<80x128xf32, #tpu.memory_space<hbm>>
      %dma_start3A_77 = arith.constant 0 : i32
      %dma_start3A_78 = tpu.memref_slice %arg5[%arg0, %add3A_62, %dma_start3A_77] : memref<2x10240x128xf32, #tpu.memory_space<hbm>> -> memref<1x80x128xf32, #tpu.memory_space<hbm>>
      %dma_start3A_79 = tpu.memref_squeeze %dma_start3A_78 : memref<1x80x128xf32, #tpu.memory_space<hbm>> -> memref<80x128xf32, #tpu.memory_space<hbm>>
      tpu.enqueue_dma source(%arg10 : memref<80x128xf32, #tpu.memory_space<vmem>>) target(%dma_start3A_79 : memref<80x128xf32, #tpu.memory_space<hbm>>) target_semaphore(%run_scoped3A : memref<!tpu.dma_semaphore, #tpu.memory_space<semaphore_mem>>)
      %dma_wait3A = arith.constant 0 : i32
      %dma_wait3A_80 = tpu.memref_slice %arg5[%arg0, %add3A_62, %dma_wait3A] : memref<2x10240x128xf32, #tpu.memory_space<hbm>> -> memref<1x80x128xf32, #tpu.memory_space<hbm>>
      %dma_wait3A_81 = tpu.memref_squeeze %dma_wait3A_80 : memref<1x80x128xf32, #tpu.memory_space<hbm>> -> memref<80x128xf32, #tpu.memory_space<hbm>>
      %dma_wait3A_82 = arith.constant 0 : i32
      %dma_wait3A_83 = tpu.memref_slice %arg5[%arg0, %add3A_62, %dma_wait3A_82] : memref<2x10240x128xf32, #tpu.memory_space<hbm>> -> memref<1x80x128xf32, #tpu.memory_space<hbm>>
      %dma_wait3A_84 = tpu.memref_squeeze %dma_wait3A_83 : memref<1x80x128xf32, #tpu.memory_space<hbm>> -> memref<80x128xf32, #tpu.memory_space<hbm>>
      tpu.wait_dma2 semaphore(%run_scoped3A : memref<!tpu.dma_semaphore, #tpu.memory_space<semaphore_mem>>) src(%arg10 : memref<80x128xf32, #tpu.memory_space<vmem>>) dst(%dma_wait3A_84 : memref<80x128xf32, #tpu.memory_space<hbm>>)
      tpu.yield
    }) : () -> ()
    %mul3A_63 = arith.constant 640 : i32
    %mul3A_64 = arith.muli %arg1, %mul3A_63 : i32
    %add3A_65 = arith.constant 400 : i32
    %add3A_66 = arith.addi %mul3A_64, %add3A_65 : i32
    "tpu.region"() ({
      %run_scoped3A = tpu.sem_alloc : memref<!tpu.dma_semaphore, #tpu.memory_space<semaphore_mem>>
      %dma_start3A = arith.constant 0 : i32
      %dma_start3A_75 = tpu.memref_slice %arg6[%add3A_66, %dma_start3A] : memref<10240x128xf32, #tpu.memory_space<vmem_shared>> -> memref<80x128xf32, #tpu.memory_space<vmem_shared>>
      %dma_start3A_76 = arith.constant 0 : i32
      %dma_start3A_77 = tpu.memref_slice %arg6[%add3A_66, %dma_start3A_76] : memref<10240x128xf32, #tpu.memory_space<vmem_shared>> -> memref<80x128xf32, #tpu.memory_space<vmem_shared>>
      tpu.enqueue_dma source(%dma_start3A_77 : memref<80x128xf32, #tpu.memory_space<vmem_shared>>) target(%arg10 : memref<80x128xf32, #tpu.memory_space<vmem>>) target_semaphore(%run_scoped3A : memref<!tpu.dma_semaphore, #tpu.memory_space<semaphore_mem>>)
      %dma_wait3A = arith.constant 0 : i32
      %dma_wait3A_78 = tpu.memref_slice %arg6[%add3A_66, %dma_wait3A] : memref<10240x128xf32, #tpu.memory_space<vmem_shared>> -> memref<80x128xf32, #tpu.memory_space<vmem_shared>>
      %dma_wait3A_79 = arith.constant 0 : i32
      %dma_wait3A_80 = tpu.memref_slice %arg6[%add3A_66, %dma_wait3A_79] : memref<10240x128xf32, #tpu.memory_space<vmem_shared>> -> memref<80x128xf32, #tpu.memory_space<vmem_shared>>
      tpu.wait_dma2 semaphore(%run_scoped3A : memref<!tpu.dma_semaphore, #tpu.memory_space<semaphore_mem>>) src(%dma_wait3A_80 : memref<80x128xf32, #tpu.memory_space<vmem_shared>>) dst(%arg10 : memref<80x128xf32, #tpu.memory_space<vmem>>)
      tpu.yield
    }) : () -> ()
    "tpu.region"() ({
      %run_scoped3A = tpu.sem_alloc : memref<!tpu.dma_semaphore, #tpu.memory_space<semaphore_mem>>
      %dma_start3A = arith.constant 0 : i32
      %dma_start3A_75 = tpu.memref_slice %arg5[%arg0, %add3A_66, %dma_start3A] : memref<2x10240x128xf32, #tpu.memory_space<hbm>> -> memref<1x80x128xf32, #tpu.memory_space<hbm>>
      %dma_start3A_76 = tpu.memref_squeeze %dma_start3A_75 : memref<1x80x128xf32, #tpu.memory_space<hbm>> -> memref<80x128xf32, #tpu.memory_space<hbm>>
      %dma_start3A_77 = arith.constant 0 : i32
      %dma_start3A_78 = tpu.memref_slice %arg5[%arg0, %add3A_66, %dma_start3A_77] : memref<2x10240x128xf32, #tpu.memory_space<hbm>> -> memref<1x80x128xf32, #tpu.memory_space<hbm>>
      %dma_start3A_79 = tpu.memref_squeeze %dma_start3A_78 : memref<1x80x128xf32, #tpu.memory_space<hbm>> -> memref<80x128xf32, #tpu.memory_space<hbm>>
      tpu.enqueue_dma source(%arg10 : memref<80x128xf32, #tpu.memory_space<vmem>>) target(%dma_start3A_79 : memref<80x128xf32, #tpu.memory_space<hbm>>) target_semaphore(%run_scoped3A : memref<!tpu.dma_semaphore, #tpu.memory_space<semaphore_mem>>)
      %dma_wait3A = arith.constant 0 : i32
      %dma_wait3A_80 = tpu.memref_slice %arg5[%arg0, %add3A_66, %dma_wait3A] : memref<2x10240x128xf32, #tpu.memory_space<hbm>> -> memref<1x80x128xf32, #tpu.memory_space<hbm>>
      %dma_wait3A_81 = tpu.memref_squeeze %dma_wait3A_80 : memref<1x80x128xf32, #tpu.memory_space<hbm>> -> memref<80x128xf32, #tpu.memory_space<hbm>>
      %dma_wait3A_82 = arith.constant 0 : i32
      %dma_wait3A_83 = tpu.memref_slice %arg5[%arg0, %add3A_66, %dma_wait3A_82] : memref<2x10240x128xf32, #tpu.memory_space<hbm>> -> memref<1x80x128xf32, #tpu.memory_space<hbm>>
      %dma_wait3A_84 = tpu.memref_squeeze %dma_wait3A_83 : memref<1x80x128xf32, #tpu.memory_space<hbm>> -> memref<80x128xf32, #tpu.memory_space<hbm>>
      tpu.wait_dma2 semaphore(%run_scoped3A : memref<!tpu.dma_semaphore, #tpu.memory_space<semaphore_mem>>) src(%arg10 : memref<80x128xf32, #tpu.memory_space<vmem>>) dst(%dma_wait3A_84 : memref<80x128xf32, #tpu.memory_space<hbm>>)
      tpu.yield
    }) : () -> ()
    %mul3A_67 = arith.constant 640 : i32
    %mul3A_68 = arith.muli %arg1, %mul3A_67 : i32
    %add3A_69 = arith.constant 480 : i32
    %add3A_70 = arith.addi %mul3A_68, %add3A_69 : i32
    "tpu.region"() ({
      %run_scoped3A = tpu.sem_alloc : memref<!tpu.dma_semaphore, #tpu.memory_space<semaphore_mem>>
      %dma_start3A = arith.constant 0 : i32
      %dma_start3A_75 = tpu.memref_slice %arg6[%add3A_70, %dma_start3A] : memref<10240x128xf32, #tpu.memory_space<vmem_shared>> -> memref<80x128xf32, #tpu.memory_space<vmem_shared>>
      %dma_start3A_76 = arith.constant 0 : i32
      %dma_start3A_77 = tpu.memref_slice %arg6[%add3A_70, %dma_start3A_76] : memref<10240x128xf32, #tpu.memory_space<vmem_shared>> -> memref<80x128xf32, #tpu.memory_space<vmem_shared>>
      tpu.enqueue_dma source(%dma_start3A_77 : memref<80x128xf32, #tpu.memory_space<vmem_shared>>) target(%arg10 : memref<80x128xf32, #tpu.memory_space<vmem>>) target_semaphore(%run_scoped3A : memref<!tpu.dma_semaphore, #tpu.memory_space<semaphore_mem>>)
      %dma_wait3A = arith.constant 0 : i32
      %dma_wait3A_78 = tpu.memref_slice %arg6[%add3A_70, %dma_wait3A] : memref<10240x128xf32, #tpu.memory_space<vmem_shared>> -> memref<80x128xf32, #tpu.memory_space<vmem_shared>>
      %dma_wait3A_79 = arith.constant 0 : i32
      %dma_wait3A_80 = tpu.memref_slice %arg6[%add3A_70, %dma_wait3A_79] : memref<10240x128xf32, #tpu.memory_space<vmem_shared>> -> memref<80x128xf32, #tpu.memory_space<vmem_shared>>
      tpu.wait_dma2 semaphore(%run_scoped3A : memref<!tpu.dma_semaphore, #tpu.memory_space<semaphore_mem>>) src(%dma_wait3A_80 : memref<80x128xf32, #tpu.memory_space<vmem_shared>>) dst(%arg10 : memref<80x128xf32, #tpu.memory_space<vmem>>)
      tpu.yield
    }) : () -> ()
    "tpu.region"() ({
      %run_scoped3A = tpu.sem_alloc : memref<!tpu.dma_semaphore, #tpu.memory_space<semaphore_mem>>
      %dma_start3A = arith.constant 0 : i32
      %dma_start3A_75 = tpu.memref_slice %arg5[%arg0, %add3A_70, %dma_start3A] : memref<2x10240x128xf32, #tpu.memory_space<hbm>> -> memref<1x80x128xf32, #tpu.memory_space<hbm>>
      %dma_start3A_76 = tpu.memref_squeeze %dma_start3A_75 : memref<1x80x128xf32, #tpu.memory_space<hbm>> -> memref<80x128xf32, #tpu.memory_space<hbm>>
      %dma_start3A_77 = arith.constant 0 : i32
      %dma_start3A_78 = tpu.memref_slice %arg5[%arg0, %add3A_70, %dma_start3A_77] : memref<2x10240x128xf32, #tpu.memory_space<hbm>> -> memref<1x80x128xf32, #tpu.memory_space<hbm>>
      %dma_start3A_79 = tpu.memref_squeeze %dma_start3A_78 : memref<1x80x128xf32, #tpu.memory_space<hbm>> -> memref<80x128xf32, #tpu.memory_space<hbm>>
      tpu.enqueue_dma source(%arg10 : memref<80x128xf32, #tpu.memory_space<vmem>>) target(%dma_start3A_79 : memref<80x128xf32, #tpu.memory_space<hbm>>) target_semaphore(%run_scoped3A : memref<!tpu.dma_semaphore, #tpu.memory_space<semaphore_mem>>)
      %dma_wait3A = arith.constant 0 : i32
      %dma_wait3A_80 = tpu.memref_slice %arg5[%arg0, %add3A_70, %dma_wait3A] : memref<2x10240x128xf32, #tpu.memory_space<hbm>> -> memref<1x80x128xf32, #tpu.memory_space<hbm>>
      %dma_wait3A_81 = tpu.memref_squeeze %dma_wait3A_80 : memref<1x80x128xf32, #tpu.memory_space<hbm>> -> memref<80x128xf32, #tpu.memory_space<hbm>>
      %dma_wait3A_82 = arith.constant 0 : i32
      %dma_wait3A_83 = tpu.memref_slice %arg5[%arg0, %add3A_70, %dma_wait3A_82] : memref<2x10240x128xf32, #tpu.memory_space<hbm>> -> memref<1x80x128xf32, #tpu.memory_space<hbm>>
      %dma_wait3A_84 = tpu.memref_squeeze %dma_wait3A_83 : memref<1x80x128xf32, #tpu.memory_space<hbm>> -> memref<80x128xf32, #tpu.memory_space<hbm>>
      tpu.wait_dma2 semaphore(%run_scoped3A : memref<!tpu.dma_semaphore, #tpu.memory_space<semaphore_mem>>) src(%arg10 : memref<80x128xf32, #tpu.memory_space<vmem>>) dst(%dma_wait3A_84 : memref<80x128xf32, #tpu.memory_space<hbm>>)
      tpu.yield
    }) : () -> ()
    %mul3A_71 = arith.constant 640 : i32
    %mul3A_72 = arith.muli %arg1, %mul3A_71 : i32
    %add3A_73 = arith.constant 560 : i32
    %add3A_74 = arith.addi %mul3A_72, %add3A_73 : i32
    "tpu.region"() ({
      %run_scoped3A = tpu.sem_alloc : memref<!tpu.dma_semaphore, #tpu.memory_space<semaphore_mem>>
      %dma_start3A = arith.constant 0 : i32
      %dma_start3A_75 = tpu.memref_slice %arg6[%add3A_74, %dma_start3A] : memref<10240x128xf32, #tpu.memory_space<vmem_shared>> -> memref<80x128xf32, #tpu.memory_space<vmem_shared>>
      %dma_start3A_76 = arith.constant 0 : i32
      %dma_start3A_77 = tpu.memref_slice %arg6[%add3A_74, %dma_start3A_76] : memref<10240x128xf32, #tpu.memory_space<vmem_shared>> -> memref<80x128xf32, #tpu.memory_space<vmem_shared>>
      tpu.enqueue_dma source(%dma_start3A_77 : memref<80x128xf32, #tpu.memory_space<vmem_shared>>) target(%arg10 : memref<80x128xf32, #tpu.memory_space<vmem>>) target_semaphore(%run_scoped3A : memref<!tpu.dma_semaphore, #tpu.memory_space<semaphore_mem>>)
      %dma_wait3A = arith.constant 0 : i32
      %dma_wait3A_78 = tpu.memref_slice %arg6[%add3A_74, %dma_wait3A] : memref<10240x128xf32, #tpu.memory_space<vmem_shared>> -> memref<80x128xf32, #tpu.memory_space<vmem_shared>>
      %dma_wait3A_79 = arith.constant 0 : i32
      %dma_wait3A_80 = tpu.memref_slice %arg6[%add3A_74, %dma_wait3A_79] : memref<10240x128xf32, #tpu.memory_space<vmem_shared>> -> memref<80x128xf32, #tpu.memory_space<vmem_shared>>
      tpu.wait_dma2 semaphore(%run_scoped3A : memref<!tpu.dma_semaphore, #tpu.memory_space<semaphore_mem>>) src(%dma_wait3A_80 : memref<80x128xf32, #tpu.memory_space<vmem_shared>>) dst(%arg10 : memref<80x128xf32, #tpu.memory_space<vmem>>)
      tpu.yield
    }) : () -> ()
    "tpu.region"() ({
      %run_scoped3A = tpu.sem_alloc : memref<!tpu.dma_semaphore, #tpu.memory_space<semaphore_mem>>
      %dma_start3A = arith.constant 0 : i32
      %dma_start3A_75 = tpu.memref_slice %arg5[%arg0, %add3A_74, %dma_start3A] : memref<2x10240x128xf32, #tpu.memory_space<hbm>> -> memref<1x80x128xf32, #tpu.memory_space<hbm>>
      %dma_start3A_76 = tpu.memref_squeeze %dma_start3A_75 : memref<1x80x128xf32, #tpu.memory_space<hbm>> -> memref<80x128xf32, #tpu.memory_space<hbm>>
      %dma_start3A_77 = arith.constant 0 : i32
      %dma_start3A_78 = tpu.memref_slice %arg5[%arg0, %add3A_74, %dma_start3A_77] : memref<2x10240x128xf32, #tpu.memory_space<hbm>> -> memref<1x80x128xf32, #tpu.memory_space<hbm>>
      %dma_start3A_79 = tpu.memref_squeeze %dma_start3A_78 : memref<1x80x128xf32, #tpu.memory_space<hbm>> -> memref<80x128xf32, #tpu.memory_space<hbm>>
      tpu.enqueue_dma source(%arg10 : memref<80x128xf32, #tpu.memory_space<vmem>>) target(%dma_start3A_79 : memref<80x128xf32, #tpu.memory_space<hbm>>) target_semaphore(%run_scoped3A : memref<!tpu.dma_semaphore, #tpu.memory_space<semaphore_mem>>)
      %dma_wait3A = arith.constant 0 : i32
      %dma_wait3A_80 = tpu.memref_slice %arg5[%arg0, %add3A_74, %dma_wait3A] : memref<2x10240x128xf32, #tpu.memory_space<hbm>> -> memref<1x80x128xf32, #tpu.memory_space<hbm>>
      %dma_wait3A_81 = tpu.memref_squeeze %dma_wait3A_80 : memref<1x80x128xf32, #tpu.memory_space<hbm>> -> memref<80x128xf32, #tpu.memory_space<hbm>>
      %dma_wait3A_82 = arith.constant 0 : i32
      %dma_wait3A_83 = tpu.memref_slice %arg5[%arg0, %add3A_74, %dma_wait3A_82] : memref<2x10240x128xf32, #tpu.memory_space<hbm>> -> memref<1x80x128xf32, #tpu.memory_space<hbm>>
      %dma_wait3A_84 = tpu.memref_squeeze %dma_wait3A_83 : memref<1x80x128xf32, #tpu.memory_space<hbm>> -> memref<80x128xf32, #tpu.memory_space<hbm>>
      tpu.wait_dma2 semaphore(%run_scoped3A : memref<!tpu.dma_semaphore, #tpu.memory_space<semaphore_mem>>) src(%arg10 : memref<80x128xf32, #tpu.memory_space<vmem>>) dst(%dma_wait3A_84 : memref<80x128xf32, #tpu.memory_space<hbm>>)
      tpu.yield
    }) : () -> ()
    return
  }
}

#map = affine_map<(d0, d1) -> (0, 0)>
#map1 = affine_map<(d0, d1) -> (0, 0, 0)>
module attributes {stable_mosaic.version = 14 : i64} {
  func.func @_scatter128(%arg0: i32, %arg1: i32, %arg2: memref<10240x128xf32, #tpu.memory_space<hbm>>, %arg3: memref<32x79x128xi32, #tpu.memory_space<hbm>>, %arg4: memref<32x79x128xi32, #tpu.memory_space<hbm>>, %arg5: memref<2x10240x128xf32, #tpu.memory_space<hbm>>, %arg6: memref<10240x128xf32, #tpu.memory_space<vmem_shared>>, %arg7: memref<79x128xi32, #tpu.memory_space<vmem>>, %arg8: memref<79x128xi32, #tpu.memory_space<vmem>>, %arg9: memref<128x128xf32, #tpu.memory_space<vmem>>, %arg10: memref<80x128xf32, #tpu.memory_space<vmem>>, %arg11: memref<!tpu.dma_semaphore, #tpu.memory_space<semaphore_mem>>) attributes {dimension_semantics = [#tpu.dimension_semantics<core_parallel>, #tpu.dimension_semantics<subcore_parallel>], iteration_bounds = array<i64: 2, 16>, scalar_prefetch = 0 : i64, scratch_operands = 6 : i64, tpu.core_type = #tpu.core_type<sc_vector_subcore>, window_params = [{transform_indices = #map}, {transform_indices = #map1}, {transform_indices = #map1}, {transform_indices = #map1}]} {
    %mul3A = arith.constant 16 : i32
    %mul3A_0 = arith.muli %arg0, %mul3A : i32
    %add3A = arith.addi %mul3A_0, %arg1 : i32
    "tpu.region"() ({
      %run_scoped3A = tpu.sem_alloc : memref<!tpu.dma_semaphore, #tpu.memory_space<semaphore_mem>>
      %dma_start3A = arith.constant 0 : i32
      %dma_start3A_75 = arith.constant 0 : i32
      %dma_start3A_76 = tpu.memref_slice %arg3[%add3A, %dma_start3A, %dma_start3A_75] : memref<32x79x128xi32, #tpu.memory_space<hbm>> -> memref<1x79x128xi32, #tpu.memory_space<hbm>>
      %dma_start3A_77 = tpu.memref_squeeze %dma_start3A_76 : memref<1x79x128xi32, #tpu.memory_space<hbm>> -> memref<79x128xi32, #tpu.memory_space<hbm>>
      %dma_start3A_78 = arith.constant 0 : i32
      %dma_start3A_79 = arith.constant 0 : i32
      %dma_start3A_80 = tpu.memref_slice %arg3[%add3A, %dma_start3A_78, %dma_start3A_79] : memref<32x79x128xi32, #tpu.memory_space<hbm>> -> memref<1x79x128xi32, #tpu.memory_space<hbm>>
      %dma_start3A_81 = tpu.memref_squeeze %dma_start3A_80 : memref<1x79x128xi32, #tpu.memory_space<hbm>> -> memref<79x128xi32, #tpu.memory_space<hbm>>
      tpu.enqueue_dma source(%dma_start3A_81 : memref<79x128xi32, #tpu.memory_space<hbm>>) target(%arg7 : memref<79x128xi32, #tpu.memory_space<vmem>>) target_semaphore(%run_scoped3A : memref<!tpu.dma_semaphore, #tpu.memory_space<semaphore_mem>>)
      %dma_wait3A = arith.constant 0 : i32
      %dma_wait3A_82 = arith.constant 0 : i32
      %dma_wait3A_83 = tpu.memref_slice %arg3[%add3A, %dma_wait3A, %dma_wait3A_82] : memref<32x79x128xi32, #tpu.memory_space<hbm>> -> memref<1x79x128xi32, #tpu.memory_space<hbm>>
      %dma_wait3A_84 = tpu.memref_squeeze %dma_wait3A_83 : memref<1x79x128xi32, #tpu.memory_space<hbm>> -> memref<79x128xi32, #tpu.memory_space<hbm>>
      %dma_wait3A_85 = arith.constant 0 : i32
      %dma_wait3A_86 = arith.constant 0 : i32
      %dma_wait3A_87 = tpu.memref_slice %arg3[%add3A, %dma_wait3A_85, %dma_wait3A_86] : memref<32x79x128xi32, #tpu.memory_space<hbm>> -> memref<1x79x128xi32, #tpu.memory_space<hbm>>
      %dma_wait3A_88 = tpu.memref_squeeze %dma_wait3A_87 : memref<1x79x128xi32, #tpu.memory_space<hbm>> -> memref<79x128xi32, #tpu.memory_space<hbm>>
      tpu.wait_dma2 semaphore(%run_scoped3A : memref<!tpu.dma_semaphore, #tpu.memory_space<semaphore_mem>>) src(%dma_wait3A_88 : memref<79x128xi32, #tpu.memory_space<hbm>>) dst(%arg7 : memref<79x128xi32, #tpu.memory_space<vmem>>)
      tpu.yield
    }) : () -> ()
    "tpu.region"() ({
      %run_scoped3A = tpu.sem_alloc : memref<!tpu.dma_semaphore, #tpu.memory_space<semaphore_mem>>
      %dma_start3A = arith.constant 0 : i32
      %dma_start3A_75 = arith.constant 0 : i32
      %dma_start3A_76 = tpu.memref_slice %arg4[%add3A, %dma_start3A, %dma_start3A_75] : memref<32x79x128xi32, #tpu.memory_space<hbm>> -> memref<1x79x128xi32, #tpu.memory_space<hbm>>
      %dma_start3A_77 = tpu.memref_squeeze %dma_start3A_76 : memref<1x79x128xi32, #tpu.memory_space<hbm>> -> memref<79x128xi32, #tpu.memory_space<hbm>>
      %dma_start3A_78 = arith.constant 0 : i32
      %dma_start3A_79 = arith.constant 0 : i32
      %dma_start3A_80 = tpu.memref_slice %arg4[%add3A, %dma_start3A_78, %dma_start3A_79] : memref<32x79x128xi32, #tpu.memory_space<hbm>> -> memref<1x79x128xi32, #tpu.memory_space<hbm>>
      %dma_start3A_81 = tpu.memref_squeeze %dma_start3A_80 : memref<1x79x128xi32, #tpu.memory_space<hbm>> -> memref<79x128xi32, #tpu.memory_space<hbm>>
      tpu.enqueue_dma source(%dma_start3A_81 : memref<79x128xi32, #tpu.memory_space<hbm>>) target(%arg8 : memref<79x128xi32, #tpu.memory_space<vmem>>) target_semaphore(%run_scoped3A : memref<!tpu.dma_semaphore, #tpu.memory_space<semaphore_mem>>)
      %dma_wait3A = arith.constant 0 : i32
      %dma_wait3A_82 = arith.constant 0 : i32
      %dma_wait3A_83 = tpu.memref_slice %arg4[%add3A, %dma_wait3A, %dma_wait3A_82] : memref<32x79x128xi32, #tpu.memory_space<hbm>> -> memref<1x79x128xi32, #tpu.memory_space<hbm>>
      %dma_wait3A_84 = tpu.memref_squeeze %dma_wait3A_83 : memref<1x79x128xi32, #tpu.memory_space<hbm>> -> memref<79x128xi32, #tpu.memory_space<hbm>>
      %dma_wait3A_85 = arith.constant 0 : i32
      %dma_wait3A_86 = arith.constant 0 : i32
      %dma_wait3A_87 = tpu.memref_slice %arg4[%add3A, %dma_wait3A_85, %dma_wait3A_86] : memref<32x79x128xi32, #tpu.memory_space<hbm>> -> memref<1x79x128xi32, #tpu.memory_space<hbm>>
      %dma_wait3A_88 = tpu.memref_squeeze %dma_wait3A_87 : memref<1x79x128xi32, #tpu.memory_space<hbm>> -> memref<79x128xi32, #tpu.memory_space<hbm>>
      tpu.wait_dma2 semaphore(%run_scoped3A : memref<!tpu.dma_semaphore, #tpu.memory_space<semaphore_mem>>) src(%dma_wait3A_88 : memref<79x128xi32, #tpu.memory_space<hbm>>) dst(%arg8 : memref<79x128xi32, #tpu.memory_space<vmem>>)
      tpu.yield
    }) : () -> ()
    %scan3A = arith.constant 0 : i32
    %scan3A_1 = arith.constant 80 : i32
    %scan3A_2 = arith.addi %scan3A, %scan3A_1 : i32
    %scan3A_3 = arith.constant 1 : i32
    scf.for %scan3A_75 = %scan3A to %scan3A_2 step %scan3A_3  : i32 {
      %mul3A_76 = arith.constant 1 : i32
      %mul3A_77 = arith.muli %scan3A_75, %mul3A_76 : i32
      %add3A_78 = arith.constant 0 : i32
      %add3A_79 = arith.addi %add3A_78, %mul3A_77 : i32
      %broadcast_in_dim3A = arith.constant 0.000000e+00 : f32
      %broadcast_in_dim3A_80 = vector.broadcast %broadcast_in_dim3A : f32 to vector<16xf32>
      %swap3A = arith.index_cast %add3A_79 : i32 to index
      %swap3A_81 = arith.constant 0 : index
      %swap3A_82 = tpu.vector_load %arg10[%swap3A, %swap3A_81] {strides = array<i32>} : memref<80x128xf32, #tpu.memory_space<vmem>>, vector<1x16xf32>,
      %swap3A_83 = vector.shape_cast %swap3A_82 : vector<1x16xf32> to vector<16xf32>
      %swap3A_84 = vector.shape_cast %broadcast_in_dim3A_80 : vector<16xf32> to vector<1x16xf32>
      tpu.vector_store %arg10[%swap3A, %swap3A_81], %swap3A_84 {strides = array<i32>} : memref<80x128xf32, #tpu.memory_space<vmem>>, vector<1x16xf32>,
      %broadcast_in_dim3A_85 = arith.constant 0.000000e+00 : f32
      %broadcast_in_dim3A_86 = vector.broadcast %broadcast_in_dim3A_85 : f32 to vector<16xf32>
      %swap3A_87 = arith.index_cast %add3A_79 : i32 to index
      %swap3A_88 = arith.constant 16 : index
      %swap3A_89 = tpu.vector_load %arg10[%swap3A_87, %swap3A_88] {strides = array<i32>} : memref<80x128xf32, #tpu.memory_space<vmem>>, vector<1x16xf32>,
      %swap3A_90 = vector.shape_cast %swap3A_89 : vector<1x16xf32> to vector<16xf32>
      %swap3A_91 = vector.shape_cast %broadcast_in_dim3A_86 : vector<16xf32> to vector<1x16xf32>
      tpu.vector_store %arg10[%swap3A_87, %swap3A_88], %swap3A_91 {strides = array<i32>} : memref<80x128xf32, #tpu.memory_space<vmem>>, vector<1x16xf32>,
      %broadcast_in_dim3A_92 = arith.constant 0.000000e+00 : f32
      %broadcast_in_dim3A_93 = vector.broadcast %broadcast_in_dim3A_92 : f32 to vector<16xf32>
      %swap3A_94 = arith.index_cast %add3A_79 : i32 to index
      %swap3A_95 = arith.constant 32 : index
      %swap3A_96 = tpu.vector_load %arg10[%swap3A_94, %swap3A_95] {strides = array<i32>} : memref<80x128xf32, #tpu.memory_space<vmem>>, vector<1x16xf32>,
      %swap3A_97 = vector.shape_cast %swap3A_96 : vector<1x16xf32> to vector<16xf32>
      %swap3A_98 = vector.shape_cast %broadcast_in_dim3A_93 : vector<16xf32> to vector<1x16xf32>
      tpu.vector_store %arg10[%swap3A_94, %swap3A_95], %swap3A_98 {strides = array<i32>} : memref<80x128xf32, #tpu.memory_space<vmem>>, vector<1x16xf32>,
      %broadcast_in_dim3A_99 = arith.constant 0.000000e+00 : f32
      %broadcast_in_dim3A_100 = vector.broadcast %broadcast_in_dim3A_99 : f32 to vector<16xf32>
      %swap3A_101 = arith.index_cast %add3A_79 : i32 to index
      %swap3A_102 = arith.constant 48 : index
      %swap3A_103 = tpu.vector_load %arg10[%swap3A_101, %swap3A_102] {strides = array<i32>} : memref<80x128xf32, #tpu.memory_space<vmem>>, vector<1x16xf32>,
      %swap3A_104 = vector.shape_cast %swap3A_103 : vector<1x16xf32> to vector<16xf32>
      %swap3A_105 = vector.shape_cast %broadcast_in_dim3A_100 : vector<16xf32> to vector<1x16xf32>
      tpu.vector_store %arg10[%swap3A_101, %swap3A_102], %swap3A_105 {strides = array<i32>} : memref<80x128xf32, #tpu.memory_space<vmem>>, vector<1x16xf32>,
      %broadcast_in_dim3A_106 = arith.constant 0.000000e+00 : f32
      %broadcast_in_dim3A_107 = vector.broadcast %broadcast_in_dim3A_106 : f32 to vector<16xf32>
      %swap3A_108 = arith.index_cast %add3A_79 : i32 to index
      %swap3A_109 = arith.constant 64 : index
      %swap3A_110 = tpu.vector_load %arg10[%swap3A_108, %swap3A_109] {strides = array<i32>} : memref<80x128xf32, #tpu.memory_space<vmem>>, vector<1x16xf32>,
      %swap3A_111 = vector.shape_cast %swap3A_110 : vector<1x16xf32> to vector<16xf32>
      %swap3A_112 = vector.shape_cast %broadcast_in_dim3A_107 : vector<16xf32> to vector<1x16xf32>
      tpu.vector_store %arg10[%swap3A_108, %swap3A_109], %swap3A_112 {strides = array<i32>} : memref<80x128xf32, #tpu.memory_space<vmem>>, vector<1x16xf32>,
      %broadcast_in_dim3A_113 = arith.constant 0.000000e+00 : f32
      %broadcast_in_dim3A_114 = vector.broadcast %broadcast_in_dim3A_113 : f32 to vector<16xf32>
      %swap3A_115 = arith.index_cast %add3A_79 : i32 to index
      %swap3A_116 = arith.constant 80 : index
      %swap3A_117 = tpu.vector_load %arg10[%swap3A_115, %swap3A_116] {strides = array<i32>} : memref<80x128xf32, #tpu.memory_space<vmem>>, vector<1x16xf32>,
      %swap3A_118 = vector.shape_cast %swap3A_117 : vector<1x16xf32> to vector<16xf32>
      %swap3A_119 = vector.shape_cast %broadcast_in_dim3A_114 : vector<16xf32> to vector<1x16xf32>
      tpu.vector_store %arg10[%swap3A_115, %swap3A_116], %swap3A_119 {strides = array<i32>} : memref<80x128xf32, #tpu.memory_space<vmem>>, vector<1x16xf32>,
      %broadcast_in_dim3A_120 = arith.constant 0.000000e+00 : f32
      %broadcast_in_dim3A_121 = vector.broadcast %broadcast_in_dim3A_120 : f32 to vector<16xf32>
      %swap3A_122 = arith.index_cast %add3A_79 : i32 to index
      %swap3A_123 = arith.constant 96 : index
      %swap3A_124 = tpu.vector_load %arg10[%swap3A_122, %swap3A_123] {strides = array<i32>} : memref<80x128xf32, #tpu.memory_space<vmem>>, vector<1x16xf32>,
      %swap3A_125 = vector.shape_cast %swap3A_124 : vector<1x16xf32> to vector<16xf32>
      %swap3A_126 = vector.shape_cast %broadcast_in_dim3A_121 : vector<16xf32> to vector<1x16xf32>
      tpu.vector_store %arg10[%swap3A_122, %swap3A_123], %swap3A_126 {strides = array<i32>} : memref<80x128xf32, #tpu.memory_space<vmem>>, vector<1x16xf32>,
      %broadcast_in_dim3A_127 = arith.constant 0.000000e+00 : f32
      %broadcast_in_dim3A_128 = vector.broadcast %broadcast_in_dim3A_127 : f32 to vector<16xf32>
      %swap3A_129 = arith.index_cast %add3A_79 : i32 to index
      %swap3A_130 = arith.constant 112 : index
      %swap3A_131 = tpu.vector_load %arg10[%swap3A_129, %swap3A_130] {strides = array<i32>} : memref<80x128xf32, #tpu.memory_space<vmem>>, vector<1x16xf32>,
      %swap3A_132 = vector.shape_cast %swap3A_131 : vector<1x16xf32> to vector<16xf32>
      %swap3A_133 = vector.shape_cast %broadcast_in_dim3A_128 : vector<16xf32> to vector<1x16xf32>
      tpu.vector_store %arg10[%swap3A_129, %swap3A_130], %swap3A_133 {strides = array<i32>} : memref<80x128xf32, #tpu.memory_space<vmem>>, vector<1x16xf32>,
    }
    %scan3A_4 = arith.constant 80 : i32
    %mul3A_5 = arith.constant 640 : i32
    %mul3A_6 = arith.muli %arg1, %mul3A_5 : i32
    %add3A_7 = arith.constant 0 : i32
    %add3A_8 = arith.addi %mul3A_6, %add3A_7 : i32
    "tpu.region"() ({
      %run_scoped3A = tpu.sem_alloc : memref<!tpu.dma_semaphore, #tpu.memory_space<semaphore_mem>>
      %dma_start3A = arith.constant 0 : i32
      %dma_start3A_75 = tpu.memref_slice %arg6[%add3A_8, %dma_start3A] : memref<10240x128xf32, #tpu.memory_space<vmem_shared>> -> memref<80x128xf32, #tpu.memory_space<vmem_shared>>
      %dma_start3A_76 = arith.constant 0 : i32
      %dma_start3A_77 = tpu.memref_slice %arg6[%add3A_8, %dma_start3A_76] : memref<10240x128xf32, #tpu.memory_space<vmem_shared>> -> memref<80x128xf32, #tpu.memory_space<vmem_shared>>
      tpu.enqueue_dma source(%arg10 : memref<80x128xf32, #tpu.memory_space<vmem>>) target(%dma_start3A_77 : memref<80x128xf32, #tpu.memory_space<vmem_shared>>) target_semaphore(%run_scoped3A : memref<!tpu.dma_semaphore, #tpu.memory_space<semaphore_mem>>)
      %dma_wait3A = arith.constant 0 : i32
      %dma_wait3A_78 = tpu.memref_slice %arg6[%add3A_8, %dma_wait3A] : memref<10240x128xf32, #tpu.memory_space<vmem_shared>> -> memref<80x128xf32, #tpu.memory_space<vmem_shared>>
      %dma_wait3A_79 = arith.constant 0 : i32
      %dma_wait3A_80 = tpu.memref_slice %arg6[%add3A_8, %dma_wait3A_79] : memref<10240x128xf32, #tpu.memory_space<vmem_shared>> -> memref<80x128xf32, #tpu.memory_space<vmem_shared>>
      tpu.wait_dma2 semaphore(%run_scoped3A : memref<!tpu.dma_semaphore, #tpu.memory_space<semaphore_mem>>) src(%arg10 : memref<80x128xf32, #tpu.memory_space<vmem>>) dst(%dma_wait3A_80 : memref<80x128xf32, #tpu.memory_space<vmem_shared>>)
      tpu.yield
    }) : () -> ()
    %mul3A_9 = arith.constant 640 : i32
    %mul3A_10 = arith.muli %arg1, %mul3A_9 : i32
    %add3A_11 = arith.constant 80 : i32
    %add3A_12 = arith.addi %mul3A_10, %add3A_11 : i32
    "tpu.region"() ({
      %run_scoped3A = tpu.sem_alloc : memref<!tpu.dma_semaphore, #tpu.memory_space<semaphore_mem>>
      %dma_start3A = arith.constant 0 : i32
      %dma_start3A_75 = tpu.memref_slice %arg6[%add3A_12, %dma_start3A] : memref<10240x128xf32, #tpu.memory_space<vmem_shared>> -> memref<80x128xf32, #tpu.memory_space<vmem_shared>>
      %dma_start3A_76 = arith.constant 0 : i32
      %dma_start3A_77 = tpu.memref_slice %arg6[%add3A_12, %dma_start3A_76] : memref<10240x128xf32, #tpu.memory_space<vmem_shared>> -> memref<80x128xf32, #tpu.memory_space<vmem_shared>>
      tpu.enqueue_dma source(%arg10 : memref<80x128xf32, #tpu.memory_space<vmem>>) target(%dma_start3A_77 : memref<80x128xf32, #tpu.memory_space<vmem_shared>>) target_semaphore(%run_scoped3A : memref<!tpu.dma_semaphore, #tpu.memory_space<semaphore_mem>>)
      %dma_wait3A = arith.constant 0 : i32
      %dma_wait3A_78 = tpu.memref_slice %arg6[%add3A_12, %dma_wait3A] : memref<10240x128xf32, #tpu.memory_space<vmem_shared>> -> memref<80x128xf32, #tpu.memory_space<vmem_shared>>
      %dma_wait3A_79 = arith.constant 0 : i32
      %dma_wait3A_80 = tpu.memref_slice %arg6[%add3A_12, %dma_wait3A_79] : memref<10240x128xf32, #tpu.memory_space<vmem_shared>> -> memref<80x128xf32, #tpu.memory_space<vmem_shared>>
      tpu.wait_dma2 semaphore(%run_scoped3A : memref<!tpu.dma_semaphore, #tpu.memory_space<semaphore_mem>>) src(%arg10 : memref<80x128xf32, #tpu.memory_space<vmem>>) dst(%dma_wait3A_80 : memref<80x128xf32, #tpu.memory_space<vmem_shared>>)
      tpu.yield
    }) : () -> ()
    %mul3A_13 = arith.constant 640 : i32
    %mul3A_14 = arith.muli %arg1, %mul3A_13 : i32
    %add3A_15 = arith.constant 160 : i32
    %add3A_16 = arith.addi %mul3A_14, %add3A_15 : i32
    "tpu.region"() ({
      %run_scoped3A = tpu.sem_alloc : memref<!tpu.dma_semaphore, #tpu.memory_space<semaphore_mem>>
      %dma_start3A = arith.constant 0 : i32
      %dma_start3A_75 = tpu.memref_slice %arg6[%add3A_16, %dma_start3A] : memref<10240x128xf32, #tpu.memory_space<vmem_shared>> -> memref<80x128xf32, #tpu.memory_space<vmem_shared>>
      %dma_start3A_76 = arith.constant 0 : i32
      %dma_start3A_77 = tpu.memref_slice %arg6[%add3A_16, %dma_start3A_76] : memref<10240x128xf32, #tpu.memory_space<vmem_shared>> -> memref<80x128xf32, #tpu.memory_space<vmem_shared>>
      tpu.enqueue_dma source(%arg10 : memref<80x128xf32, #tpu.memory_space<vmem>>) target(%dma_start3A_77 : memref<80x128xf32, #tpu.memory_space<vmem_shared>>) target_semaphore(%run_scoped3A : memref<!tpu.dma_semaphore, #tpu.memory_space<semaphore_mem>>)
      %dma_wait3A = arith.constant 0 : i32
      %dma_wait3A_78 = tpu.memref_slice %arg6[%add3A_16, %dma_wait3A] : memref<10240x128xf32, #tpu.memory_space<vmem_shared>> -> memref<80x128xf32, #tpu.memory_space<vmem_shared>>
      %dma_wait3A_79 = arith.constant 0 : i32
      %dma_wait3A_80 = tpu.memref_slice %arg6[%add3A_16, %dma_wait3A_79] : memref<10240x128xf32, #tpu.memory_space<vmem_shared>> -> memref<80x128xf32, #tpu.memory_space<vmem_shared>>
      tpu.wait_dma2 semaphore(%run_scoped3A : memref<!tpu.dma_semaphore, #tpu.memory_space<semaphore_mem>>) src(%arg10 : memref<80x128xf32, #tpu.memory_space<vmem>>) dst(%dma_wait3A_80 : memref<80x128xf32, #tpu.memory_space<vmem_shared>>)
      tpu.yield
    }) : () -> ()
    %mul3A_17 = arith.constant 640 : i32
    %mul3A_18 = arith.muli %arg1, %mul3A_17 : i32
    %add3A_19 = arith.constant 240 : i32
    %add3A_20 = arith.addi %mul3A_18, %add3A_19 : i32
    "tpu.region"() ({
      %run_scoped3A = tpu.sem_alloc : memref<!tpu.dma_semaphore, #tpu.memory_space<semaphore_mem>>
      %dma_start3A = arith.constant 0 : i32
      %dma_start3A_75 = tpu.memref_slice %arg6[%add3A_20, %dma_start3A] : memref<10240x128xf32, #tpu.memory_space<vmem_shared>> -> memref<80x128xf32, #tpu.memory_space<vmem_shared>>
      %dma_start3A_76 = arith.constant 0 : i32
      %dma_start3A_77 = tpu.memref_slice %arg6[%add3A_20, %dma_start3A_76] : memref<10240x128xf32, #tpu.memory_space<vmem_shared>> -> memref<80x128xf32, #tpu.memory_space<vmem_shared>>
      tpu.enqueue_dma source(%arg10 : memref<80x128xf32, #tpu.memory_space<vmem>>) target(%dma_start3A_77 : memref<80x128xf32, #tpu.memory_space<vmem_shared>>) target_semaphore(%run_scoped3A : memref<!tpu.dma_semaphore, #tpu.memory_space<semaphore_mem>>)
      %dma_wait3A = arith.constant 0 : i32
      %dma_wait3A_78 = tpu.memref_slice %arg6[%add3A_20, %dma_wait3A] : memref<10240x128xf32, #tpu.memory_space<vmem_shared>> -> memref<80x128xf32, #tpu.memory_space<vmem_shared>>
      %dma_wait3A_79 = arith.constant 0 : i32
      %dma_wait3A_80 = tpu.memref_slice %arg6[%add3A_20, %dma_wait3A_79] : memref<10240x128xf32, #tpu.memory_space<vmem_shared>> -> memref<80x128xf32, #tpu.memory_space<vmem_shared>>
      tpu.wait_dma2 semaphore(%run_scoped3A : memref<!tpu.dma_semaphore, #tpu.memory_space<semaphore_mem>>) src(%arg10 : memref<80x128xf32, #tpu.memory_space<vmem>>) dst(%dma_wait3A_80 : memref<80x128xf32, #tpu.memory_space<vmem_shared>>)
      tpu.yield
    }) : () -> ()
    %mul3A_21 = arith.constant 640 : i32
    %mul3A_22 = arith.muli %arg1, %mul3A_21 : i32
    %add3A_23 = arith.constant 320 : i32
    %add3A_24 = arith.addi %mul3A_22, %add3A_23 : i32
    "tpu.region"() ({
      %run_scoped3A = tpu.sem_alloc : memref<!tpu.dma_semaphore, #tpu.memory_space<semaphore_mem>>
      %dma_start3A = arith.constant 0 : i32
      %dma_start3A_75 = tpu.memref_slice %arg6[%add3A_24, %dma_start3A] : memref<10240x128xf32, #tpu.memory_space<vmem_shared>> -> memref<80x128xf32, #tpu.memory_space<vmem_shared>>
      %dma_start3A_76 = arith.constant 0 : i32
      %dma_start3A_77 = tpu.memref_slice %arg6[%add3A_24, %dma_start3A_76] : memref<10240x128xf32, #tpu.memory_space<vmem_shared>> -> memref<80x128xf32, #tpu.memory_space<vmem_shared>>
      tpu.enqueue_dma source(%arg10 : memref<80x128xf32, #tpu.memory_space<vmem>>) target(%dma_start3A_77 : memref<80x128xf32, #tpu.memory_space<vmem_shared>>) target_semaphore(%run_scoped3A : memref<!tpu.dma_semaphore, #tpu.memory_space<semaphore_mem>>)
      %dma_wait3A = arith.constant 0 : i32
      %dma_wait3A_78 = tpu.memref_slice %arg6[%add3A_24, %dma_wait3A] : memref<10240x128xf32, #tpu.memory_space<vmem_shared>> -> memref<80x128xf32, #tpu.memory_space<vmem_shared>>
      %dma_wait3A_79 = arith.constant 0 : i32
      %dma_wait3A_80 = tpu.memref_slice %arg6[%add3A_24, %dma_wait3A_79] : memref<10240x128xf32, #tpu.memory_space<vmem_shared>> -> memref<80x128xf32, #tpu.memory_space<vmem_shared>>
      tpu.wait_dma2 semaphore(%run_scoped3A : memref<!tpu.dma_semaphore, #tpu.memory_space<semaphore_mem>>) src(%arg10 : memref<80x128xf32, #tpu.memory_space<vmem>>) dst(%dma_wait3A_80 : memref<80x128xf32, #tpu.memory_space<vmem_shared>>)
      tpu.yield
    }) : () -> ()
    %mul3A_25 = arith.constant 640 : i32
    %mul3A_26 = arith.muli %arg1, %mul3A_25 : i32
    %add3A_27 = arith.constant 400 : i32
    %add3A_28 = arith.addi %mul3A_26, %add3A_27 : i32
    "tpu.region"() ({
      %run_scoped3A = tpu.sem_alloc : memref<!tpu.dma_semaphore, #tpu.memory_space<semaphore_mem>>
      %dma_start3A = arith.constant 0 : i32
      %dma_start3A_75 = tpu.memref_slice %arg6[%add3A_28, %dma_start3A] : memref<10240x128xf32, #tpu.memory_space<vmem_shared>> -> memref<80x128xf32, #tpu.memory_space<vmem_shared>>
      %dma_start3A_76 = arith.constant 0 : i32
      %dma_start3A_77 = tpu.memref_slice %arg6[%add3A_28, %dma_start3A_76] : memref<10240x128xf32, #tpu.memory_space<vmem_shared>> -> memref<80x128xf32, #tpu.memory_space<vmem_shared>>
      tpu.enqueue_dma source(%arg10 : memref<80x128xf32, #tpu.memory_space<vmem>>) target(%dma_start3A_77 : memref<80x128xf32, #tpu.memory_space<vmem_shared>>) target_semaphore(%run_scoped3A : memref<!tpu.dma_semaphore, #tpu.memory_space<semaphore_mem>>)
      %dma_wait3A = arith.constant 0 : i32
      %dma_wait3A_78 = tpu.memref_slice %arg6[%add3A_28, %dma_wait3A] : memref<10240x128xf32, #tpu.memory_space<vmem_shared>> -> memref<80x128xf32, #tpu.memory_space<vmem_shared>>
      %dma_wait3A_79 = arith.constant 0 : i32
      %dma_wait3A_80 = tpu.memref_slice %arg6[%add3A_28, %dma_wait3A_79] : memref<10240x128xf32, #tpu.memory_space<vmem_shared>> -> memref<80x128xf32, #tpu.memory_space<vmem_shared>>
      tpu.wait_dma2 semaphore(%run_scoped3A : memref<!tpu.dma_semaphore, #tpu.memory_space<semaphore_mem>>) src(%arg10 : memref<80x128xf32, #tpu.memory_space<vmem>>) dst(%dma_wait3A_80 : memref<80x128xf32, #tpu.memory_space<vmem_shared>>)
      tpu.yield
    }) : () -> ()
    %mul3A_29 = arith.constant 640 : i32
    %mul3A_30 = arith.muli %arg1, %mul3A_29 : i32
    %add3A_31 = arith.constant 480 : i32
    %add3A_32 = arith.addi %mul3A_30, %add3A_31 : i32
    "tpu.region"() ({
      %run_scoped3A = tpu.sem_alloc : memref<!tpu.dma_semaphore, #tpu.memory_space<semaphore_mem>>
      %dma_start3A = arith.constant 0 : i32
      %dma_start3A_75 = tpu.memref_slice %arg6[%add3A_32, %dma_start3A] : memref<10240x128xf32, #tpu.memory_space<vmem_shared>> -> memref<80x128xf32, #tpu.memory_space<vmem_shared>>
      %dma_start3A_76 = arith.constant 0 : i32
      %dma_start3A_77 = tpu.memref_slice %arg6[%add3A_32, %dma_start3A_76] : memref<10240x128xf32, #tpu.memory_space<vmem_shared>> -> memref<80x128xf32, #tpu.memory_space<vmem_shared>>
      tpu.enqueue_dma source(%arg10 : memref<80x128xf32, #tpu.memory_space<vmem>>) target(%dma_start3A_77 : memref<80x128xf32, #tpu.memory_space<vmem_shared>>) target_semaphore(%run_scoped3A : memref<!tpu.dma_semaphore, #tpu.memory_space<semaphore_mem>>)
      %dma_wait3A = arith.constant 0 : i32
      %dma_wait3A_78 = tpu.memref_slice %arg6[%add3A_32, %dma_wait3A] : memref<10240x128xf32, #tpu.memory_space<vmem_shared>> -> memref<80x128xf32, #tpu.memory_space<vmem_shared>>
      %dma_wait3A_79 = arith.constant 0 : i32
      %dma_wait3A_80 = tpu.memref_slice %arg6[%add3A_32, %dma_wait3A_79] : memref<10240x128xf32, #tpu.memory_space<vmem_shared>> -> memref<80x128xf32, #tpu.memory_space<vmem_shared>>
      tpu.wait_dma2 semaphore(%run_scoped3A : memref<!tpu.dma_semaphore, #tpu.memory_space<semaphore_mem>>) src(%arg10 : memref<80x128xf32, #tpu.memory_space<vmem>>) dst(%dma_wait3A_80 : memref<80x128xf32, #tpu.memory_space<vmem_shared>>)
      tpu.yield
    }) : () -> ()
    %mul3A_33 = arith.constant 640 : i32
    %mul3A_34 = arith.muli %arg1, %mul3A_33 : i32
    %add3A_35 = arith.constant 560 : i32
    %add3A_36 = arith.addi %mul3A_34, %add3A_35 : i32
    "tpu.region"() ({
      %run_scoped3A = tpu.sem_alloc : memref<!tpu.dma_semaphore, #tpu.memory_space<semaphore_mem>>
      %dma_start3A = arith.constant 0 : i32
      %dma_start3A_75 = tpu.memref_slice %arg6[%add3A_36, %dma_start3A] : memref<10240x128xf32, #tpu.memory_space<vmem_shared>> -> memref<80x128xf32, #tpu.memory_space<vmem_shared>>
      %dma_start3A_76 = arith.constant 0 : i32
      %dma_start3A_77 = tpu.memref_slice %arg6[%add3A_36, %dma_start3A_76] : memref<10240x128xf32, #tpu.memory_space<vmem_shared>> -> memref<80x128xf32, #tpu.memory_space<vmem_shared>>
      tpu.enqueue_dma source(%arg10 : memref<80x128xf32, #tpu.memory_space<vmem>>) target(%dma_start3A_77 : memref<80x128xf32, #tpu.memory_space<vmem_shared>>) target_semaphore(%run_scoped3A : memref<!tpu.dma_semaphore, #tpu.memory_space<semaphore_mem>>)
      %dma_wait3A = arith.constant 0 : i32
      %dma_wait3A_78 = tpu.memref_slice %arg6[%add3A_36, %dma_wait3A] : memref<10240x128xf32, #tpu.memory_space<vmem_shared>> -> memref<80x128xf32, #tpu.memory_space<vmem_shared>>
      %dma_wait3A_79 = arith.constant 0 : i32
      %dma_wait3A_80 = tpu.memref_slice %arg6[%add3A_36, %dma_wait3A_79] : memref<10240x128xf32, #tpu.memory_space<vmem_shared>> -> memref<80x128xf32, #tpu.memory_space<vmem_shared>>
      tpu.wait_dma2 semaphore(%run_scoped3A : memref<!tpu.dma_semaphore, #tpu.memory_space<semaphore_mem>>) src(%arg10 : memref<80x128xf32, #tpu.memory_space<vmem>>) dst(%dma_wait3A_80 : memref<80x128xf32, #tpu.memory_space<vmem_shared>>)
      tpu.yield
    }) : () -> ()
    %barrier3A = arith.constant 0 : index
    tpu.barrier barrier_id(%barrier3A)
    %scan3A_37 = arith.constant 0 : i32
    %scan3A_38 = arith.constant 79 : i32
    %scan3A_39 = arith.addi %scan3A_37, %scan3A_38 : i32
    %scan3A_40 = arith.constant 1 : i32
    scf.for %scan3A_75 = %scan3A_37 to %scan3A_39 step %scan3A_40  : i32 {
      %mul3A_76 = arith.constant 1 : i32
      %mul3A_77 = arith.muli %scan3A_75, %mul3A_76 : i32
      %add3A_78 = arith.constant 0 : i32
      %add3A_79 = arith.addi %add3A_78, %mul3A_77 : i32
      %dma_start3A = arith.constant 0 : i32
      %dma_start3A_80 = tpu.memref_slice %arg7[%add3A_79, %dma_start3A] : memref<79x128xi32, #tpu.memory_space<vmem>> -> memref<1x128xi32, #tpu.memory_space<vmem>>
      %dma_start3A_81 = tpu.memref_squeeze %dma_start3A_80 : memref<1x128xi32, #tpu.memory_space<vmem>> -> memref<128xi32, #tpu.memory_space<vmem>>
      %dma_start3A_82 = arith.constant 0 : i32
      %dma_start3A_83 = arith.constant 0 : i32
      %dma_start3A_84 = tpu.memref_slice %arg2[%dma_start3A_82, %dma_start3A_83] : memref<10240x128xf32, #tpu.memory_space<hbm>> -> memref<10240x128xf32, #tpu.memory_space<hbm>>
      tpu.enqueue_indirect_dma source(%dma_start3A_84 : memref<10240x128xf32, #tpu.memory_space<hbm>>) target(%arg9 : memref<128x128xf32, #tpu.memory_space<vmem>>) offsets(%dma_start3A_81 : memref<128xi32, #tpu.memory_space<vmem>>) semaphore(%arg11 : memref<!tpu.dma_semaphore, #tpu.memory_space<semaphore_mem>>)
      %dma_wait3A = arith.constant 0 : i32
      %dma_wait3A_85 = tpu.memref_slice %arg7[%add3A_79, %dma_wait3A] : memref<79x128xi32, #tpu.memory_space<vmem>> -> memref<1x128xi32, #tpu.memory_space<vmem>>
      %dma_wait3A_86 = tpu.memref_squeeze %dma_wait3A_85 : memref<1x128xi32, #tpu.memory_space<vmem>> -> memref<128xi32, #tpu.memory_space<vmem>>
      %dma_wait3A_87 = arith.constant 0 : i32
      %dma_wait3A_88 = arith.constant 0 : i32
      %dma_wait3A_89 = tpu.memref_slice %arg2[%dma_wait3A_87, %dma_wait3A_88] : memref<10240x128xf32, #tpu.memory_space<hbm>> -> memref<10240x128xf32, #tpu.memory_space<hbm>>
      tpu.wait_indirect_dma semaphore(%arg11 : memref<!tpu.dma_semaphore, #tpu.memory_space<semaphore_mem>>) src(%dma_wait3A_89 : memref<10240x128xf32, #tpu.memory_space<hbm>>) dst(%arg9 : memref<128x128xf32, #tpu.memory_space<vmem>>)
      "tpu.region"() ({
        %run_scoped3A = tpu.sem_alloc : memref<!tpu.dma_semaphore, #tpu.memory_space<semaphore_mem>>
        %dma_start3A_90 = arith.constant 0 : i32
        %dma_start3A_91 = tpu.memref_slice %arg8[%add3A_79, %dma_start3A_90] : memref<79x128xi32, #tpu.memory_space<vmem>> -> memref<1x128xi32, #tpu.memory_space<vmem>>
        %dma_start3A_92 = tpu.memref_squeeze %dma_start3A_91 : memref<1x128xi32, #tpu.memory_space<vmem>> -> memref<128xi32, #tpu.memory_space<vmem>>
        %dma_start3A_93 = arith.constant 0 : i32
        %dma_start3A_94 = arith.constant 0 : i32
        %dma_start3A_95 = tpu.memref_slice %arg6[%dma_start3A_93, %dma_start3A_94] : memref<10240x128xf32, #tpu.memory_space<vmem_shared>> -> memref<10240x128xf32, #tpu.memory_space<vmem_shared>>
        tpu.enqueue_indirect_dma source(%arg9 : memref<128x128xf32, #tpu.memory_space<vmem>>) target(%dma_start3A_95 : memref<10240x128xf32, #tpu.memory_space<vmem_shared>>) offsets(%dma_start3A_92 : memref<128xi32, #tpu.memory_space<vmem>>) semaphore(%run_scoped3A : memref<!tpu.dma_semaphore, #tpu.memory_space<semaphore_mem>>) {add = true}
        %dma_wait3A_96 = arith.constant 0 : i32
        %dma_wait3A_97 = tpu.memref_slice %arg8[%add3A_79, %dma_wait3A_96] : memref<79x128xi32, #tpu.memory_space<vmem>> -> memref<1x128xi32, #tpu.memory_space<vmem>>
        %dma_wait3A_98 = tpu.memref_squeeze %dma_wait3A_97 : memref<1x128xi32, #tpu.memory_space<vmem>> -> memref<128xi32, #tpu.memory_space<vmem>>
        %dma_wait3A_99 = arith.constant 0 : i32
        %dma_wait3A_100 = arith.constant 0 : i32
        %dma_wait3A_101 = tpu.memref_slice %arg6[%dma_wait3A_99, %dma_wait3A_100] : memref<10240x128xf32, #tpu.memory_space<vmem_shared>> -> memref<10240x128xf32, #tpu.memory_space<vmem_shared>>
        tpu.wait_indirect_dma semaphore(%run_scoped3A : memref<!tpu.dma_semaphore, #tpu.memory_space<semaphore_mem>>) src(%arg9 : memref<128x128xf32, #tpu.memory_space<vmem>>) dst(%dma_wait3A_101 : memref<10240x128xf32, #tpu.memory_space<vmem_shared>>)
        tpu.yield
      }) : () -> ()
    }
    %scan3A_41 = arith.constant 79 : i32
    %barrier3A_42 = arith.constant 0 : index
    tpu.barrier barrier_id(%barrier3A_42)
    %mul3A_43 = arith.constant 640 : i32
    %mul3A_44 = arith.muli %arg1, %mul3A_43 : i32
    %add3A_45 = arith.constant 0 : i32
    %add3A_46 = arith.addi %mul3A_44, %add3A_45 : i32
    "tpu.region"() ({
      %run_scoped3A = tpu.sem_alloc : memref<!tpu.dma_semaphore, #tpu.memory_space<semaphore_mem>>
      %dma_start3A = arith.constant 0 : i32
      %dma_start3A_75 = tpu.memref_slice %arg6[%add3A_46, %dma_start3A] : memref<10240x128xf32, #tpu.memory_space<vmem_shared>> -> memref<80x128xf32, #tpu.memory_space<vmem_shared>>
      %dma_start3A_76 = arith.constant 0 : i32
      %dma_start3A_77 = tpu.memref_slice %arg6[%add3A_46, %dma_start3A_76] : memref<10240x128xf32, #tpu.memory_space<vmem_shared>> -> memref<80x128xf32, #tpu.memory_space<vmem_shared>>
      tpu.enqueue_dma source(%dma_start3A_77 : memref<80x128xf32, #tpu.memory_space<vmem_shared>>) target(%arg10 : memref<80x128xf32, #tpu.memory_space<vmem>>) target_semaphore(%run_scoped3A : memref<!tpu.dma_semaphore, #tpu.memory_space<semaphore_mem>>)
      %dma_wait3A = arith.constant 0 : i32
      %dma_wait3A_78 = tpu.memref_slice %arg6[%add3A_46, %dma_wait3A] : memref<10240x128xf32, #tpu.memory_space<vmem_shared>> -> memref<80x128xf32, #tpu.memory_space<vmem_shared>>
      %dma_wait3A_79 = arith.constant 0 : i32
      %dma_wait3A_80 = tpu.memref_slice %arg6[%add3A_46, %dma_wait3A_79] : memref<10240x128xf32, #tpu.memory_space<vmem_shared>> -> memref<80x128xf32, #tpu.memory_space<vmem_shared>>
      tpu.wait_dma2 semaphore(%run_scoped3A : memref<!tpu.dma_semaphore, #tpu.memory_space<semaphore_mem>>) src(%dma_wait3A_80 : memref<80x128xf32, #tpu.memory_space<vmem_shared>>) dst(%arg10 : memref<80x128xf32, #tpu.memory_space<vmem>>)
      tpu.yield
    }) : () -> ()
    "tpu.region"() ({
      %run_scoped3A = tpu.sem_alloc : memref<!tpu.dma_semaphore, #tpu.memory_space<semaphore_mem>>
      %dma_start3A = arith.constant 0 : i32
      %dma_start3A_75 = tpu.memref_slice %arg5[%arg0, %add3A_46, %dma_start3A] : memref<2x10240x128xf32, #tpu.memory_space<hbm>> -> memref<1x80x128xf32, #tpu.memory_space<hbm>>
      %dma_start3A_76 = tpu.memref_squeeze %dma_start3A_75 : memref<1x80x128xf32, #tpu.memory_space<hbm>> -> memref<80x128xf32, #tpu.memory_space<hbm>>
      %dma_start3A_77 = arith.constant 0 : i32
      %dma_start3A_78 = tpu.memref_slice %arg5[%arg0, %add3A_46, %dma_start3A_77] : memref<2x10240x128xf32, #tpu.memory_space<hbm>> -> memref<1x80x128xf32, #tpu.memory_space<hbm>>
      %dma_start3A_79 = tpu.memref_squeeze %dma_start3A_78 : memref<1x80x128xf32, #tpu.memory_space<hbm>> -> memref<80x128xf32, #tpu.memory_space<hbm>>
      tpu.enqueue_dma source(%arg10 : memref<80x128xf32, #tpu.memory_space<vmem>>) target(%dma_start3A_79 : memref<80x128xf32, #tpu.memory_space<hbm>>) target_semaphore(%run_scoped3A : memref<!tpu.dma_semaphore, #tpu.memory_space<semaphore_mem>>)
      %dma_wait3A = arith.constant 0 : i32
      %dma_wait3A_80 = tpu.memref_slice %arg5[%arg0, %add3A_46, %dma_wait3A] : memref<2x10240x128xf32, #tpu.memory_space<hbm>> -> memref<1x80x128xf32, #tpu.memory_space<hbm>>
      %dma_wait3A_81 = tpu.memref_squeeze %dma_wait3A_80 : memref<1x80x128xf32, #tpu.memory_space<hbm>> -> memref<80x128xf32, #tpu.memory_space<hbm>>
      %dma_wait3A_82 = arith.constant 0 : i32
      %dma_wait3A_83 = tpu.memref_slice %arg5[%arg0, %add3A_46, %dma_wait3A_82] : memref<2x10240x128xf32, #tpu.memory_space<hbm>> -> memref<1x80x128xf32, #tpu.memory_space<hbm>>
      %dma_wait3A_84 = tpu.memref_squeeze %dma_wait3A_83 : memref<1x80x128xf32, #tpu.memory_space<hbm>> -> memref<80x128xf32, #tpu.memory_space<hbm>>
      tpu.wait_dma2 semaphore(%run_scoped3A : memref<!tpu.dma_semaphore, #tpu.memory_space<semaphore_mem>>) src(%arg10 : memref<80x128xf32, #tpu.memory_space<vmem>>) dst(%dma_wait3A_84 : memref<80x128xf32, #tpu.memory_space<hbm>>)
      tpu.yield
    }) : () -> ()
    %mul3A_47 = arith.constant 640 : i32
    %mul3A_48 = arith.muli %arg1, %mul3A_47 : i32
    %add3A_49 = arith.constant 80 : i32
    %add3A_50 = arith.addi %mul3A_48, %add3A_49 : i32
    "tpu.region"() ({
      %run_scoped3A = tpu.sem_alloc : memref<!tpu.dma_semaphore, #tpu.memory_space<semaphore_mem>>
      %dma_start3A = arith.constant 0 : i32
      %dma_start3A_75 = tpu.memref_slice %arg6[%add3A_50, %dma_start3A] : memref<10240x128xf32, #tpu.memory_space<vmem_shared>> -> memref<80x128xf32, #tpu.memory_space<vmem_shared>>
      %dma_start3A_76 = arith.constant 0 : i32
      %dma_start3A_77 = tpu.memref_slice %arg6[%add3A_50, %dma_start3A_76] : memref<10240x128xf32, #tpu.memory_space<vmem_shared>> -> memref<80x128xf32, #tpu.memory_space<vmem_shared>>
      tpu.enqueue_dma source(%dma_start3A_77 : memref<80x128xf32, #tpu.memory_space<vmem_shared>>) target(%arg10 : memref<80x128xf32, #tpu.memory_space<vmem>>) target_semaphore(%run_scoped3A : memref<!tpu.dma_semaphore, #tpu.memory_space<semaphore_mem>>)
      %dma_wait3A = arith.constant 0 : i32
      %dma_wait3A_78 = tpu.memref_slice %arg6[%add3A_50, %dma_wait3A] : memref<10240x128xf32, #tpu.memory_space<vmem_shared>> -> memref<80x128xf32, #tpu.memory_space<vmem_shared>>
      %dma_wait3A_79 = arith.constant 0 : i32
      %dma_wait3A_80 = tpu.memref_slice %arg6[%add3A_50, %dma_wait3A_79] : memref<10240x128xf32, #tpu.memory_space<vmem_shared>> -> memref<80x128xf32, #tpu.memory_space<vmem_shared>>
      tpu.wait_dma2 semaphore(%run_scoped3A : memref<!tpu.dma_semaphore, #tpu.memory_space<semaphore_mem>>) src(%dma_wait3A_80 : memref<80x128xf32, #tpu.memory_space<vmem_shared>>) dst(%arg10 : memref<80x128xf32, #tpu.memory_space<vmem>>)
      tpu.yield
    }) : () -> ()
    "tpu.region"() ({
      %run_scoped3A = tpu.sem_alloc : memref<!tpu.dma_semaphore, #tpu.memory_space<semaphore_mem>>
      %dma_start3A = arith.constant 0 : i32
      %dma_start3A_75 = tpu.memref_slice %arg5[%arg0, %add3A_50, %dma_start3A] : memref<2x10240x128xf32, #tpu.memory_space<hbm>> -> memref<1x80x128xf32, #tpu.memory_space<hbm>>
      %dma_start3A_76 = tpu.memref_squeeze %dma_start3A_75 : memref<1x80x128xf32, #tpu.memory_space<hbm>> -> memref<80x128xf32, #tpu.memory_space<hbm>>
      %dma_start3A_77 = arith.constant 0 : i32
      %dma_start3A_78 = tpu.memref_slice %arg5[%arg0, %add3A_50, %dma_start3A_77] : memref<2x10240x128xf32, #tpu.memory_space<hbm>> -> memref<1x80x128xf32, #tpu.memory_space<hbm>>
      %dma_start3A_79 = tpu.memref_squeeze %dma_start3A_78 : memref<1x80x128xf32, #tpu.memory_space<hbm>> -> memref<80x128xf32, #tpu.memory_space<hbm>>
      tpu.enqueue_dma source(%arg10 : memref<80x128xf32, #tpu.memory_space<vmem>>) target(%dma_start3A_79 : memref<80x128xf32, #tpu.memory_space<hbm>>) target_semaphore(%run_scoped3A : memref<!tpu.dma_semaphore, #tpu.memory_space<semaphore_mem>>)
      %dma_wait3A = arith.constant 0 : i32
      %dma_wait3A_80 = tpu.memref_slice %arg5[%arg0, %add3A_50, %dma_wait3A] : memref<2x10240x128xf32, #tpu.memory_space<hbm>> -> memref<1x80x128xf32, #tpu.memory_space<hbm>>
      %dma_wait3A_81 = tpu.memref_squeeze %dma_wait3A_80 : memref<1x80x128xf32, #tpu.memory_space<hbm>> -> memref<80x128xf32, #tpu.memory_space<hbm>>
      %dma_wait3A_82 = arith.constant 0 : i32
      %dma_wait3A_83 = tpu.memref_slice %arg5[%arg0, %add3A_50, %dma_wait3A_82] : memref<2x10240x128xf32, #tpu.memory_space<hbm>> -> memref<1x80x128xf32, #tpu.memory_space<hbm>>
      %dma_wait3A_84 = tpu.memref_squeeze %dma_wait3A_83 : memref<1x80x128xf32, #tpu.memory_space<hbm>> -> memref<80x128xf32, #tpu.memory_space<hbm>>
      tpu.wait_dma2 semaphore(%run_scoped3A : memref<!tpu.dma_semaphore, #tpu.memory_space<semaphore_mem>>) src(%arg10 : memref<80x128xf32, #tpu.memory_space<vmem>>) dst(%dma_wait3A_84 : memref<80x128xf32, #tpu.memory_space<hbm>>)
      tpu.yield
    }) : () -> ()
    %mul3A_51 = arith.constant 640 : i32
    %mul3A_52 = arith.muli %arg1, %mul3A_51 : i32
    %add3A_53 = arith.constant 160 : i32
    %add3A_54 = arith.addi %mul3A_52, %add3A_53 : i32
    "tpu.region"() ({
      %run_scoped3A = tpu.sem_alloc : memref<!tpu.dma_semaphore, #tpu.memory_space<semaphore_mem>>
      %dma_start3A = arith.constant 0 : i32
      %dma_start3A_75 = tpu.memref_slice %arg6[%add3A_54, %dma_start3A] : memref<10240x128xf32, #tpu.memory_space<vmem_shared>> -> memref<80x128xf32, #tpu.memory_space<vmem_shared>>
      %dma_start3A_76 = arith.constant 0 : i32
      %dma_start3A_77 = tpu.memref_slice %arg6[%add3A_54, %dma_start3A_76] : memref<10240x128xf32, #tpu.memory_space<vmem_shared>> -> memref<80x128xf32, #tpu.memory_space<vmem_shared>>
      tpu.enqueue_dma source(%dma_start3A_77 : memref<80x128xf32, #tpu.memory_space<vmem_shared>>) target(%arg10 : memref<80x128xf32, #tpu.memory_space<vmem>>) target_semaphore(%run_scoped3A : memref<!tpu.dma_semaphore, #tpu.memory_space<semaphore_mem>>)
      %dma_wait3A = arith.constant 0 : i32
      %dma_wait3A_78 = tpu.memref_slice %arg6[%add3A_54, %dma_wait3A] : memref<10240x128xf32, #tpu.memory_space<vmem_shared>> -> memref<80x128xf32, #tpu.memory_space<vmem_shared>>
      %dma_wait3A_79 = arith.constant 0 : i32
      %dma_wait3A_80 = tpu.memref_slice %arg6[%add3A_54, %dma_wait3A_79] : memref<10240x128xf32, #tpu.memory_space<vmem_shared>> -> memref<80x128xf32, #tpu.memory_space<vmem_shared>>
      tpu.wait_dma2 semaphore(%run_scoped3A : memref<!tpu.dma_semaphore, #tpu.memory_space<semaphore_mem>>) src(%dma_wait3A_80 : memref<80x128xf32, #tpu.memory_space<vmem_shared>>) dst(%arg10 : memref<80x128xf32, #tpu.memory_space<vmem>>)
      tpu.yield
    }) : () -> ()
    "tpu.region"() ({
      %run_scoped3A = tpu.sem_alloc : memref<!tpu.dma_semaphore, #tpu.memory_space<semaphore_mem>>
      %dma_start3A = arith.constant 0 : i32
      %dma_start3A_75 = tpu.memref_slice %arg5[%arg0, %add3A_54, %dma_start3A] : memref<2x10240x128xf32, #tpu.memory_space<hbm>> -> memref<1x80x128xf32, #tpu.memory_space<hbm>>
      %dma_start3A_76 = tpu.memref_squeeze %dma_start3A_75 : memref<1x80x128xf32, #tpu.memory_space<hbm>> -> memref<80x128xf32, #tpu.memory_space<hbm>>
      %dma_start3A_77 = arith.constant 0 : i32
      %dma_start3A_78 = tpu.memref_slice %arg5[%arg0, %add3A_54, %dma_start3A_77] : memref<2x10240x128xf32, #tpu.memory_space<hbm>> -> memref<1x80x128xf32, #tpu.memory_space<hbm>>
      %dma_start3A_79 = tpu.memref_squeeze %dma_start3A_78 : memref<1x80x128xf32, #tpu.memory_space<hbm>> -> memref<80x128xf32, #tpu.memory_space<hbm>>
      tpu.enqueue_dma source(%arg10 : memref<80x128xf32, #tpu.memory_space<vmem>>) target(%dma_start3A_79 : memref<80x128xf32, #tpu.memory_space<hbm>>) target_semaphore(%run_scoped3A : memref<!tpu.dma_semaphore, #tpu.memory_space<semaphore_mem>>)
      %dma_wait3A = arith.constant 0 : i32
      %dma_wait3A_80 = tpu.memref_slice %arg5[%arg0, %add3A_54, %dma_wait3A] : memref<2x10240x128xf32, #tpu.memory_space<hbm>> -> memref<1x80x128xf32, #tpu.memory_space<hbm>>
      %dma_wait3A_81 = tpu.memref_squeeze %dma_wait3A_80 : memref<1x80x128xf32, #tpu.memory_space<hbm>> -> memref<80x128xf32, #tpu.memory_space<hbm>>
      %dma_wait3A_82 = arith.constant 0 : i32
      %dma_wait3A_83 = tpu.memref_slice %arg5[%arg0, %add3A_54, %dma_wait3A_82] : memref<2x10240x128xf32, #tpu.memory_space<hbm>> -> memref<1x80x128xf32, #tpu.memory_space<hbm>>
      %dma_wait3A_84 = tpu.memref_squeeze %dma_wait3A_83 : memref<1x80x128xf32, #tpu.memory_space<hbm>> -> memref<80x128xf32, #tpu.memory_space<hbm>>
      tpu.wait_dma2 semaphore(%run_scoped3A : memref<!tpu.dma_semaphore, #tpu.memory_space<semaphore_mem>>) src(%arg10 : memref<80x128xf32, #tpu.memory_space<vmem>>) dst(%dma_wait3A_84 : memref<80x128xf32, #tpu.memory_space<hbm>>)
      tpu.yield
    }) : () -> ()
    %mul3A_55 = arith.constant 640 : i32
    %mul3A_56 = arith.muli %arg1, %mul3A_55 : i32
    %add3A_57 = arith.constant 240 : i32
    %add3A_58 = arith.addi %mul3A_56, %add3A_57 : i32
    "tpu.region"() ({
      %run_scoped3A = tpu.sem_alloc : memref<!tpu.dma_semaphore, #tpu.memory_space<semaphore_mem>>
      %dma_start3A = arith.constant 0 : i32
      %dma_start3A_75 = tpu.memref_slice %arg6[%add3A_58, %dma_start3A] : memref<10240x128xf32, #tpu.memory_space<vmem_shared>> -> memref<80x128xf32, #tpu.memory_space<vmem_shared>>
      %dma_start3A_76 = arith.constant 0 : i32
      %dma_start3A_77 = tpu.memref_slice %arg6[%add3A_58, %dma_start3A_76] : memref<10240x128xf32, #tpu.memory_space<vmem_shared>> -> memref<80x128xf32, #tpu.memory_space<vmem_shared>>
      tpu.enqueue_dma source(%dma_start3A_77 : memref<80x128xf32, #tpu.memory_space<vmem_shared>>) target(%arg10 : memref<80x128xf32, #tpu.memory_space<vmem>>) target_semaphore(%run_scoped3A : memref<!tpu.dma_semaphore, #tpu.memory_space<semaphore_mem>>)
      %dma_wait3A = arith.constant 0 : i32
      %dma_wait3A_78 = tpu.memref_slice %arg6[%add3A_58, %dma_wait3A] : memref<10240x128xf32, #tpu.memory_space<vmem_shared>> -> memref<80x128xf32, #tpu.memory_space<vmem_shared>>
      %dma_wait3A_79 = arith.constant 0 : i32
      %dma_wait3A_80 = tpu.memref_slice %arg6[%add3A_58, %dma_wait3A_79] : memref<10240x128xf32, #tpu.memory_space<vmem_shared>> -> memref<80x128xf32, #tpu.memory_space<vmem_shared>>
      tpu.wait_dma2 semaphore(%run_scoped3A : memref<!tpu.dma_semaphore, #tpu.memory_space<semaphore_mem>>) src(%dma_wait3A_80 : memref<80x128xf32, #tpu.memory_space<vmem_shared>>) dst(%arg10 : memref<80x128xf32, #tpu.memory_space<vmem>>)
      tpu.yield
    }) : () -> ()
    "tpu.region"() ({
      %run_scoped3A = tpu.sem_alloc : memref<!tpu.dma_semaphore, #tpu.memory_space<semaphore_mem>>
      %dma_start3A = arith.constant 0 : i32
      %dma_start3A_75 = tpu.memref_slice %arg5[%arg0, %add3A_58, %dma_start3A] : memref<2x10240x128xf32, #tpu.memory_space<hbm>> -> memref<1x80x128xf32, #tpu.memory_space<hbm>>
      %dma_start3A_76 = tpu.memref_squeeze %dma_start3A_75 : memref<1x80x128xf32, #tpu.memory_space<hbm>> -> memref<80x128xf32, #tpu.memory_space<hbm>>
      %dma_start3A_77 = arith.constant 0 : i32
      %dma_start3A_78 = tpu.memref_slice %arg5[%arg0, %add3A_58, %dma_start3A_77] : memref<2x10240x128xf32, #tpu.memory_space<hbm>> -> memref<1x80x128xf32, #tpu.memory_space<hbm>>
      %dma_start3A_79 = tpu.memref_squeeze %dma_start3A_78 : memref<1x80x128xf32, #tpu.memory_space<hbm>> -> memref<80x128xf32, #tpu.memory_space<hbm>>
      tpu.enqueue_dma source(%arg10 : memref<80x128xf32, #tpu.memory_space<vmem>>) target(%dma_start3A_79 : memref<80x128xf32, #tpu.memory_space<hbm>>) target_semaphore(%run_scoped3A : memref<!tpu.dma_semaphore, #tpu.memory_space<semaphore_mem>>)
      %dma_wait3A = arith.constant 0 : i32
      %dma_wait3A_80 = tpu.memref_slice %arg5[%arg0, %add3A_58, %dma_wait3A] : memref<2x10240x128xf32, #tpu.memory_space<hbm>> -> memref<1x80x128xf32, #tpu.memory_space<hbm>>
      %dma_wait3A_81 = tpu.memref_squeeze %dma_wait3A_80 : memref<1x80x128xf32, #tpu.memory_space<hbm>> -> memref<80x128xf32, #tpu.memory_space<hbm>>
      %dma_wait3A_82 = arith.constant 0 : i32
      %dma_wait3A_83 = tpu.memref_slice %arg5[%arg0, %add3A_58, %dma_wait3A_82] : memref<2x10240x128xf32, #tpu.memory_space<hbm>> -> memref<1x80x128xf32, #tpu.memory_space<hbm>>
      %dma_wait3A_84 = tpu.memref_squeeze %dma_wait3A_83 : memref<1x80x128xf32, #tpu.memory_space<hbm>> -> memref<80x128xf32, #tpu.memory_space<hbm>>
      tpu.wait_dma2 semaphore(%run_scoped3A : memref<!tpu.dma_semaphore, #tpu.memory_space<semaphore_mem>>) src(%arg10 : memref<80x128xf32, #tpu.memory_space<vmem>>) dst(%dma_wait3A_84 : memref<80x128xf32, #tpu.memory_space<hbm>>)
      tpu.yield
    }) : () -> ()
    %mul3A_59 = arith.constant 640 : i32
    %mul3A_60 = arith.muli %arg1, %mul3A_59 : i32
    %add3A_61 = arith.constant 320 : i32
    %add3A_62 = arith.addi %mul3A_60, %add3A_61 : i32
    "tpu.region"() ({
      %run_scoped3A = tpu.sem_alloc : memref<!tpu.dma_semaphore, #tpu.memory_space<semaphore_mem>>
      %dma_start3A = arith.constant 0 : i32
      %dma_start3A_75 = tpu.memref_slice %arg6[%add3A_62, %dma_start3A] : memref<10240x128xf32, #tpu.memory_space<vmem_shared>> -> memref<80x128xf32, #tpu.memory_space<vmem_shared>>
      %dma_start3A_76 = arith.constant 0 : i32
      %dma_start3A_77 = tpu.memref_slice %arg6[%add3A_62, %dma_start3A_76] : memref<10240x128xf32, #tpu.memory_space<vmem_shared>> -> memref<80x128xf32, #tpu.memory_space<vmem_shared>>
      tpu.enqueue_dma source(%dma_start3A_77 : memref<80x128xf32, #tpu.memory_space<vmem_shared>>) target(%arg10 : memref<80x128xf32, #tpu.memory_space<vmem>>) target_semaphore(%run_scoped3A : memref<!tpu.dma_semaphore, #tpu.memory_space<semaphore_mem>>)
      %dma_wait3A = arith.constant 0 : i32
      %dma_wait3A_78 = tpu.memref_slice %arg6[%add3A_62, %dma_wait3A] : memref<10240x128xf32, #tpu.memory_space<vmem_shared>> -> memref<80x128xf32, #tpu.memory_space<vmem_shared>>
      %dma_wait3A_79 = arith.constant 0 : i32
      %dma_wait3A_80 = tpu.memref_slice %arg6[%add3A_62, %dma_wait3A_79] : memref<10240x128xf32, #tpu.memory_space<vmem_shared>> -> memref<80x128xf32, #tpu.memory_space<vmem_shared>>
      tpu.wait_dma2 semaphore(%run_scoped3A : memref<!tpu.dma_semaphore, #tpu.memory_space<semaphore_mem>>) src(%dma_wait3A_80 : memref<80x128xf32, #tpu.memory_space<vmem_shared>>) dst(%arg10 : memref<80x128xf32, #tpu.memory_space<vmem>>)
      tpu.yield
    }) : () -> ()
    "tpu.region"() ({
      %run_scoped3A = tpu.sem_alloc : memref<!tpu.dma_semaphore, #tpu.memory_space<semaphore_mem>>
      %dma_start3A = arith.constant 0 : i32
      %dma_start3A_75 = tpu.memref_slice %arg5[%arg0, %add3A_62, %dma_start3A] : memref<2x10240x128xf32, #tpu.memory_space<hbm>> -> memref<1x80x128xf32, #tpu.memory_space<hbm>>
      %dma_start3A_76 = tpu.memref_squeeze %dma_start3A_75 : memref<1x80x128xf32, #tpu.memory_space<hbm>> -> memref<80x128xf32, #tpu.memory_space<hbm>>
      %dma_start3A_77 = arith.constant 0 : i32
      %dma_start3A_78 = tpu.memref_slice %arg5[%arg0, %add3A_62, %dma_start3A_77] : memref<2x10240x128xf32, #tpu.memory_space<hbm>> -> memref<1x80x128xf32, #tpu.memory_space<hbm>>
      %dma_start3A_79 = tpu.memref_squeeze %dma_start3A_78 : memref<1x80x128xf32, #tpu.memory_space<hbm>> -> memref<80x128xf32, #tpu.memory_space<hbm>>
      tpu.enqueue_dma source(%arg10 : memref<80x128xf32, #tpu.memory_space<vmem>>) target(%dma_start3A_79 : memref<80x128xf32, #tpu.memory_space<hbm>>) target_semaphore(%run_scoped3A : memref<!tpu.dma_semaphore, #tpu.memory_space<semaphore_mem>>)
      %dma_wait3A = arith.constant 0 : i32
      %dma_wait3A_80 = tpu.memref_slice %arg5[%arg0, %add3A_62, %dma_wait3A] : memref<2x10240x128xf32, #tpu.memory_space<hbm>> -> memref<1x80x128xf32, #tpu.memory_space<hbm>>
      %dma_wait3A_81 = tpu.memref_squeeze %dma_wait3A_80 : memref<1x80x128xf32, #tpu.memory_space<hbm>> -> memref<80x128xf32, #tpu.memory_space<hbm>>
      %dma_wait3A_82 = arith.constant 0 : i32
      %dma_wait3A_83 = tpu.memref_slice %arg5[%arg0, %add3A_62, %dma_wait3A_82] : memref<2x10240x128xf32, #tpu.memory_space<hbm>> -> memref<1x80x128xf32, #tpu.memory_space<hbm>>
      %dma_wait3A_84 = tpu.memref_squeeze %dma_wait3A_83 : memref<1x80x128xf32, #tpu.memory_space<hbm>> -> memref<80x128xf32, #tpu.memory_space<hbm>>
      tpu.wait_dma2 semaphore(%run_scoped3A : memref<!tpu.dma_semaphore, #tpu.memory_space<semaphore_mem>>) src(%arg10 : memref<80x128xf32, #tpu.memory_space<vmem>>) dst(%dma_wait3A_84 : memref<80x128xf32, #tpu.memory_space<hbm>>)
      tpu.yield
    }) : () -> ()
    %mul3A_63 = arith.constant 640 : i32
    %mul3A_64 = arith.muli %arg1, %mul3A_63 : i32
    %add3A_65 = arith.constant 400 : i32
    %add3A_66 = arith.addi %mul3A_64, %add3A_65 : i32
    "tpu.region"() ({
      %run_scoped3A = tpu.sem_alloc : memref<!tpu.dma_semaphore, #tpu.memory_space<semaphore_mem>>
      %dma_start3A = arith.constant 0 : i32
      %dma_start3A_75 = tpu.memref_slice %arg6[%add3A_66, %dma_start3A] : memref<10240x128xf32, #tpu.memory_space<vmem_shared>> -> memref<80x128xf32, #tpu.memory_space<vmem_shared>>
      %dma_start3A_76 = arith.constant 0 : i32
      %dma_start3A_77 = tpu.memref_slice %arg6[%add3A_66, %dma_start3A_76] : memref<10240x128xf32, #tpu.memory_space<vmem_shared>> -> memref<80x128xf32, #tpu.memory_space<vmem_shared>>
      tpu.enqueue_dma source(%dma_start3A_77 : memref<80x128xf32, #tpu.memory_space<vmem_shared>>) target(%arg10 : memref<80x128xf32, #tpu.memory_space<vmem>>) target_semaphore(%run_scoped3A : memref<!tpu.dma_semaphore, #tpu.memory_space<semaphore_mem>>)
      %dma_wait3A = arith.constant 0 : i32
      %dma_wait3A_78 = tpu.memref_slice %arg6[%add3A_66, %dma_wait3A] : memref<10240x128xf32, #tpu.memory_space<vmem_shared>> -> memref<80x128xf32, #tpu.memory_space<vmem_shared>>
      %dma_wait3A_79 = arith.constant 0 : i32
      %dma_wait3A_80 = tpu.memref_slice %arg6[%add3A_66, %dma_wait3A_79] : memref<10240x128xf32, #tpu.memory_space<vmem_shared>> -> memref<80x128xf32, #tpu.memory_space<vmem_shared>>
      tpu.wait_dma2 semaphore(%run_scoped3A : memref<!tpu.dma_semaphore, #tpu.memory_space<semaphore_mem>>) src(%dma_wait3A_80 : memref<80x128xf32, #tpu.memory_space<vmem_shared>>) dst(%arg10 : memref<80x128xf32, #tpu.memory_space<vmem>>)
      tpu.yield
    }) : () -> ()
    "tpu.region"() ({
      %run_scoped3A = tpu.sem_alloc : memref<!tpu.dma_semaphore, #tpu.memory_space<semaphore_mem>>
      %dma_start3A = arith.constant 0 : i32
      %dma_start3A_75 = tpu.memref_slice %arg5[%arg0, %add3A_66, %dma_start3A] : memref<2x10240x128xf32, #tpu.memory_space<hbm>> -> memref<1x80x128xf32, #tpu.memory_space<hbm>>
      %dma_start3A_76 = tpu.memref_squeeze %dma_start3A_75 : memref<1x80x128xf32, #tpu.memory_space<hbm>> -> memref<80x128xf32, #tpu.memory_space<hbm>>
      %dma_start3A_77 = arith.constant 0 : i32
      %dma_start3A_78 = tpu.memref_slice %arg5[%arg0, %add3A_66, %dma_start3A_77] : memref<2x10240x128xf32, #tpu.memory_space<hbm>> -> memref<1x80x128xf32, #tpu.memory_space<hbm>>
      %dma_start3A_79 = tpu.memref_squeeze %dma_start3A_78 : memref<1x80x128xf32, #tpu.memory_space<hbm>> -> memref<80x128xf32, #tpu.memory_space<hbm>>
      tpu.enqueue_dma source(%arg10 : memref<80x128xf32, #tpu.memory_space<vmem>>) target(%dma_start3A_79 : memref<80x128xf32, #tpu.memory_space<hbm>>) target_semaphore(%run_scoped3A : memref<!tpu.dma_semaphore, #tpu.memory_space<semaphore_mem>>)
      %dma_wait3A = arith.constant 0 : i32
      %dma_wait3A_80 = tpu.memref_slice %arg5[%arg0, %add3A_66, %dma_wait3A] : memref<2x10240x128xf32, #tpu.memory_space<hbm>> -> memref<1x80x128xf32, #tpu.memory_space<hbm>>
      %dma_wait3A_81 = tpu.memref_squeeze %dma_wait3A_80 : memref<1x80x128xf32, #tpu.memory_space<hbm>> -> memref<80x128xf32, #tpu.memory_space<hbm>>
      %dma_wait3A_82 = arith.constant 0 : i32
      %dma_wait3A_83 = tpu.memref_slice %arg5[%arg0, %add3A_66, %dma_wait3A_82] : memref<2x10240x128xf32, #tpu.memory_space<hbm>> -> memref<1x80x128xf32, #tpu.memory_space<hbm>>
      %dma_wait3A_84 = tpu.memref_squeeze %dma_wait3A_83 : memref<1x80x128xf32, #tpu.memory_space<hbm>> -> memref<80x128xf32, #tpu.memory_space<hbm>>
      tpu.wait_dma2 semaphore(%run_scoped3A : memref<!tpu.dma_semaphore, #tpu.memory_space<semaphore_mem>>) src(%arg10 : memref<80x128xf32, #tpu.memory_space<vmem>>) dst(%dma_wait3A_84 : memref<80x128xf32, #tpu.memory_space<hbm>>)
      tpu.yield
    }) : () -> ()
    %mul3A_67 = arith.constant 640 : i32
    %mul3A_68 = arith.muli %arg1, %mul3A_67 : i32
    %add3A_69 = arith.constant 480 : i32
    %add3A_70 = arith.addi %mul3A_68, %add3A_69 : i32
    "tpu.region"() ({
      %run_scoped3A = tpu.sem_alloc : memref<!tpu.dma_semaphore, #tpu.memory_space<semaphore_mem>>
      %dma_start3A = arith.constant 0 : i32
      %dma_start3A_75 = tpu.memref_slice %arg6[%add3A_70, %dma_start3A] : memref<10240x128xf32, #tpu.memory_space<vmem_shared>> -> memref<80x128xf32, #tpu.memory_space<vmem_shared>>
      %dma_start3A_76 = arith.constant 0 : i32
      %dma_start3A_77 = tpu.memref_slice %arg6[%add3A_70, %dma_start3A_76] : memref<10240x128xf32, #tpu.memory_space<vmem_shared>> -> memref<80x128xf32, #tpu.memory_space<vmem_shared>>
      tpu.enqueue_dma source(%dma_start3A_77 : memref<80x128xf32, #tpu.memory_space<vmem_shared>>) target(%arg10 : memref<80x128xf32, #tpu.memory_space<vmem>>) target_semaphore(%run_scoped3A : memref<!tpu.dma_semaphore, #tpu.memory_space<semaphore_mem>>)
      %dma_wait3A = arith.constant 0 : i32
      %dma_wait3A_78 = tpu.memref_slice %arg6[%add3A_70, %dma_wait3A] : memref<10240x128xf32, #tpu.memory_space<vmem_shared>> -> memref<80x128xf32, #tpu.memory_space<vmem_shared>>
      %dma_wait3A_79 = arith.constant 0 : i32
      %dma_wait3A_80 = tpu.memref_slice %arg6[%add3A_70, %dma_wait3A_79] : memref<10240x128xf32, #tpu.memory_space<vmem_shared>> -> memref<80x128xf32, #tpu.memory_space<vmem_shared>>
      tpu.wait_dma2 semaphore(%run_scoped3A : memref<!tpu.dma_semaphore, #tpu.memory_space<semaphore_mem>>) src(%dma_wait3A_80 : memref<80x128xf32, #tpu.memory_space<vmem_shared>>) dst(%arg10 : memref<80x128xf32, #tpu.memory_space<vmem>>)
      tpu.yield
    }) : () -> ()
    "tpu.region"() ({
      %run_scoped3A = tpu.sem_alloc : memref<!tpu.dma_semaphore, #tpu.memory_space<semaphore_mem>>
      %dma_start3A = arith.constant 0 : i32
      %dma_start3A_75 = tpu.memref_slice %arg5[%arg0, %add3A_70, %dma_start3A] : memref<2x10240x128xf32, #tpu.memory_space<hbm>> -> memref<1x80x128xf32, #tpu.memory_space<hbm>>
      %dma_start3A_76 = tpu.memref_squeeze %dma_start3A_75 : memref<1x80x128xf32, #tpu.memory_space<hbm>> -> memref<80x128xf32, #tpu.memory_space<hbm>>
      %dma_start3A_77 = arith.constant 0 : i32
      %dma_start3A_78 = tpu.memref_slice %arg5[%arg0, %add3A_70, %dma_start3A_77] : memref<2x10240x128xf32, #tpu.memory_space<hbm>> -> memref<1x80x128xf32, #tpu.memory_space<hbm>>
      %dma_start3A_79 = tpu.memref_squeeze %dma_start3A_78 : memref<1x80x128xf32, #tpu.memory_space<hbm>> -> memref<80x128xf32, #tpu.memory_space<hbm>>
      tpu.enqueue_dma source(%arg10 : memref<80x128xf32, #tpu.memory_space<vmem>>) target(%dma_start3A_79 : memref<80x128xf32, #tpu.memory_space<hbm>>) target_semaphore(%run_scoped3A : memref<!tpu.dma_semaphore, #tpu.memory_space<semaphore_mem>>)
      %dma_wait3A = arith.constant 0 : i32
      %dma_wait3A_80 = tpu.memref_slice %arg5[%arg0, %add3A_70, %dma_wait3A] : memref<2x10240x128xf32, #tpu.memory_space<hbm>> -> memref<1x80x128xf32, #tpu.memory_space<hbm>>
      %dma_wait3A_81 = tpu.memref_squeeze %dma_wait3A_80 : memref<1x80x128xf32, #tpu.memory_space<hbm>> -> memref<80x128xf32, #tpu.memory_space<hbm>>
      %dma_wait3A_82 = arith.constant 0 : i32
      %dma_wait3A_83 = tpu.memref_slice %arg5[%arg0, %add3A_70, %dma_wait3A_82] : memref<2x10240x128xf32, #tpu.memory_space<hbm>> -> memref<1x80x128xf32, #tpu.memory_space<hbm>>
      %dma_wait3A_84 = tpu.memref_squeeze %dma_wait3A_83 : memref<1x80x128xf32, #tpu.memory_space<hbm>> -> memref<80x128xf32, #tpu.memory_space<hbm>>
      tpu.wait_dma2 semaphore(%run_scoped3A : memref<!tpu.dma_semaphore, #tpu.memory_space<semaphore_mem>>) src(%arg10 : memref<80x128xf32, #tpu.memory_space<vmem>>) dst(%dma_wait3A_84 : memref<80x128xf32, #tpu.memory_space<hbm>>)
      tpu.yield
    }) : () -> ()
    %mul3A_71 = arith.constant 640 : i32
    %mul3A_72 = arith.muli %arg1, %mul3A_71 : i32
    %add3A_73 = arith.constant 560 : i32
    %add3A_74 = arith.addi %mul3A_72, %add3A_73 : i32
    "tpu.region"() ({
      %run_scoped3A = tpu.sem_alloc : memref<!tpu.dma_semaphore, #tpu.memory_space<semaphore_mem>>
      %dma_start3A = arith.constant 0 : i32
      %dma_start3A_75 = tpu.memref_slice %arg6[%add3A_74, %dma_start3A] : memref<10240x128xf32, #tpu.memory_space<vmem_shared>> -> memref<80x128xf32, #tpu.memory_space<vmem_shared>>
      %dma_start3A_76 = arith.constant 0 : i32
      %dma_start3A_77 = tpu.memref_slice %arg6[%add3A_74, %dma_start3A_76] : memref<10240x128xf32, #tpu.memory_space<vmem_shared>> -> memref<80x128xf32, #tpu.memory_space<vmem_shared>>
      tpu.enqueue_dma source(%dma_start3A_77 : memref<80x128xf32, #tpu.memory_space<vmem_shared>>) target(%arg10 : memref<80x128xf32, #tpu.memory_space<vmem>>) target_semaphore(%run_scoped3A : memref<!tpu.dma_semaphore, #tpu.memory_space<semaphore_mem>>)
      %dma_wait3A = arith.constant 0 : i32
      %dma_wait3A_78 = tpu.memref_slice %arg6[%add3A_74, %dma_wait3A] : memref<10240x128xf32, #tpu.memory_space<vmem_shared>> -> memref<80x128xf32, #tpu.memory_space<vmem_shared>>
      %dma_wait3A_79 = arith.constant 0 : i32
      %dma_wait3A_80 = tpu.memref_slice %arg6[%add3A_74, %dma_wait3A_79] : memref<10240x128xf32, #tpu.memory_space<vmem_shared>> -> memref<80x128xf32, #tpu.memory_space<vmem_shared>>
      tpu.wait_dma2 semaphore(%run_scoped3A : memref<!tpu.dma_semaphore, #tpu.memory_space<semaphore_mem>>) src(%dma_wait3A_80 : memref<80x128xf32, #tpu.memory_space<vmem_shared>>) dst(%arg10 : memref<80x128xf32, #tpu.memory_space<vmem>>)
      tpu.yield
    }) : () -> ()
    "tpu.region"() ({
      %run_scoped3A = tpu.sem_alloc : memref<!tpu.dma_semaphore, #tpu.memory_space<semaphore_mem>>
      %dma_start3A = arith.constant 0 : i32
      %dma_start3A_75 = tpu.memref_slice %arg5[%arg0, %add3A_74, %dma_start3A] : memref<2x10240x128xf32, #tpu.memory_space<hbm>> -> memref<1x80x128xf32, #tpu.memory_space<hbm>>
      %dma_start3A_76 = tpu.memref_squeeze %dma_start3A_75 : memref<1x80x128xf32, #tpu.memory_space<hbm>> -> memref<80x128xf32, #tpu.memory_space<hbm>>
      %dma_start3A_77 = arith.constant 0 : i32
      %dma_start3A_78 = tpu.memref_slice %arg5[%arg0, %add3A_74, %dma_start3A_77] : memref<2x10240x128xf32, #tpu.memory_space<hbm>> -> memref<1x80x128xf32, #tpu.memory_space<hbm>>
      %dma_start3A_79 = tpu.memref_squeeze %dma_start3A_78 : memref<1x80x128xf32, #tpu.memory_space<hbm>> -> memref<80x128xf32, #tpu.memory_space<hbm>>
      tpu.enqueue_dma source(%arg10 : memref<80x128xf32, #tpu.memory_space<vmem>>) target(%dma_start3A_79 : memref<80x128xf32, #tpu.memory_space<hbm>>) target_semaphore(%run_scoped3A : memref<!tpu.dma_semaphore, #tpu.memory_space<semaphore_mem>>)
      %dma_wait3A = arith.constant 0 : i32
      %dma_wait3A_80 = tpu.memref_slice %arg5[%arg0, %add3A_74, %dma_wait3A] : memref<2x10240x128xf32, #tpu.memory_space<hbm>> -> memref<1x80x128xf32, #tpu.memory_space<hbm>>
      %dma_wait3A_81 = tpu.memref_squeeze %dma_wait3A_80 : memref<1x80x128xf32, #tpu.memory_space<hbm>> -> memref<80x128xf32, #tpu.memory_space<hbm>>
      %dma_wait3A_82 = arith.constant 0 : i32
      %dma_wait3A_83 = tpu.memref_slice %arg5[%arg0, %add3A_74, %dma_wait3A_82] : memref<2x10240x128xf32, #tpu.memory_space<hbm>> -> memref<1x80x128xf32, #tpu.memory_space<hbm>>
      %dma_wait3A_84 = tpu.memref_squeeze %dma_wait3A_83 : memref<1x80x128xf32, #tpu.memory_space<hbm>> -> memref<80x128xf32, #tpu.memory_space<hbm>>
      tpu.wait_dma2 semaphore(%run_scoped3A : memref<!tpu.dma_semaphore, #tpu.memory_space<semaphore_mem>>) src(%arg10 : memref<80x128xf32, #tpu.memory_space<vmem>>) dst(%dma_wait3A_84 : memref<80x128xf32, #tpu.memory_space<hbm>>)
      tpu.yield
    }) : () -> ()
    return
  }
}

module attributes {stable_mosaic.version = 14 : i64} {
  func.func @_tc1_body(%arg0: i32, %arg1: memref<1024x128xf32, #tpu.memory_space<vmem>>, %arg2: memref<128x128xf32, #tpu.memory_space<vmem>>, %arg3: memref<1024x32xf32, #tpu.memory_space<vmem>>, %arg4: memref<1024x128xf32, #tpu.memory_space<vmem>>, %arg5: memref<1024x1xf32, #tpu.memory_space<vmem>>) attributes {dimension_semantics = [#tpu.dimension_semantics<arbitrary>], iteration_bounds = array<i64: 10>, scalar_prefetch = 0 : i64, scratch_operands = 0 : i64, tpu.core_type = #tpu.core_type<tc>, window_params = [{transform_indices = @transform_0, window_bounds = array<i64: 1024, 128>}, {pipeline_mode = #tpu.pipeline_mode<synchronous>, transform_indices = @transform_1, window_bounds = array<i64: 128, 128>}, {transform_indices = @transform_2, window_bounds = array<i64: 1024, 32>}, {transform_indices = @transform_3, window_bounds = array<i64: 1024, 128>}, {transform_indices = @transform_4, window_bounds = array<i64: 1024, 1>}]} {
    %get3A = arith.constant 0 : index
    %get3A_0 = arith.constant 0 : index
    %get3A_1 = vector.load %arg3[%get3A, %get3A_0] : memref<1024x32xf32, #tpu.memory_space<vmem>>, vector<1024x32xf32>
    %reduce_sum3A = arith.constant dense<0.000000e+00> : vector<1024xf32>
    %reduce_sum3A_2 = vector.multi_reduction <add>, %get3A_1, %reduce_sum3A [1] : vector<1024x32xf32> to vector<1024xf32>
    %broadcast_in_dim3A = vector.shape_cast %reduce_sum3A_2 : vector<1024xf32> to vector<1024x1xf32>
    %add3A = arith.constant 1.000000e+00 : f32
    %add3A_3 = vector.broadcast %add3A : f32 to vector<1024x1xf32>
    %add3A_4 = arith.addf %broadcast_in_dim3A, %add3A_3 : vector<1024x1xf32>
    %rsqrt3A = math.rsqrt %add3A_4 : vector<1024x1xf32>
    %get3A_5 = arith.constant 0 : index
    %get3A_6 = arith.constant 0 : index
    %get3A_7 = vector.load %arg1[%get3A_5, %get3A_6] : memref<1024x128xf32, #tpu.memory_space<vmem>>, vector<1024x128xf32>
    %get3A_8 = arith.constant 0 : index
    %get3A_9 = arith.constant 0 : index
    %get3A_10 = vector.load %arg2[%get3A_8, %get3A_9] : memref<128x128xf32, #tpu.memory_space<vmem>>, vector<128x128xf32>
    %dot_general3A = arith.constant dense<0.000000e+00> : vector<1024x128xf32>
    %dot_general3A_11 = tpu.matmul %get3A_7, %get3A_10, %dot_general3A {dimension_numbers = #tpu.dot_dimension_numbers<[1], [0], [0], [1], [0, 0, 1, 1], [], []>, transpose_lhs_hint = false} : vector<1024x128xf32>, vector<128x128xf32>, vector<1024x128xf32> -> vector<1024x128xf32>
    %mul3A = vector.broadcast %rsqrt3A : vector<1024x1xf32> to vector<1024x128xf32>
    %mul3A_12 = arith.mulf %dot_general3A_11, %mul3A : vector<1024x128xf32>
    %swap3A = arith.constant 0 : index
    %swap3A_13 = arith.constant 0 : index
    %swap3A_14 = vector.load %arg4[%swap3A, %swap3A_13] : memref<1024x128xf32, #tpu.memory_space<vmem>>, vector<1024x128xf32>
    tpu.vector_store %arg4[%swap3A, %swap3A_13], %mul3A_12 {strides = array<i32>} : memref<1024x128xf32, #tpu.memory_space<vmem>>, vector<1024x128xf32>,
    %swap3A_15 = arith.constant 0 : index
    %swap3A_16 = arith.constant 0 : index
    %swap3A_17 = vector.load %arg5[%swap3A_15, %swap3A_16] : memref<1024x1xf32, #tpu.memory_space<vmem>>, vector<1024x1xf32>
    tpu.vector_store %arg5[%swap3A_15, %swap3A_16], %rsqrt3A {strides = array<i32>} : memref<1024x1xf32, #tpu.memory_space<vmem>>, vector<1024x1xf32>,
    return
  }
  func.func @transform_0(%arg0: i32) -> (i32, i32) {
    %c0_i32 = arith.constant 0 : i32
    %c0_i32_0 = arith.constant 0 : i32
    return %arg0, %c0_i32 : i32, i32
  }
  func.func @transform_1(%arg0: i32) -> (i32, i32) {
    %c0_i32 = arith.constant 0 : i32
    %c0_i32_0 = arith.constant 0 : i32
    %c0_i32_1 = arith.constant 0 : i32
    return %c0_i32, %c0_i32_0 : i32, i32
  }
  func.func @transform_2(%arg0: i32) -> (i32, i32) {
    %c0_i32 = arith.constant 0 : i32
    %c0_i32_0 = arith.constant 0 : i32
    return %arg0, %c0_i32 : i32, i32
  }
  func.func @transform_3(%arg0: i32) -> (i32, i32) {
    %c0_i32 = arith.constant 0 : i32
    %c0_i32_0 = arith.constant 0 : i32
    return %arg0, %c0_i32 : i32, i32
  }
  func.func @transform_4(%arg0: i32) -> (i32, i32) {
    %c0_i32 = arith.constant 0 : i32
    %c0_i32_0 = arith.constant 0 : i32
    return %arg0, %c0_i32 : i32, i32
  }
}

module attributes {stable_mosaic.version = 14 : i64} {
  func.func @_tc2_body(%arg0: i32, %arg1: memref<1024x128xf32, #tpu.memory_space<vmem>>, %arg2: memref<1024x128xf32, #tpu.memory_space<vmem>>, %arg3: memref<1024x128xf32, #tpu.memory_space<vmem>>, %arg4: memref<1024x1xf32, #tpu.memory_space<vmem>>, %arg5: memref<1x128xf32, #tpu.memory_space<vmem>>, %arg6: memref<128x128xf32, #tpu.memory_space<vmem>>, %arg7: memref<1024x128xf32, #tpu.memory_space<vmem>>) attributes {dimension_semantics = [#tpu.dimension_semantics<arbitrary>], iteration_bounds = array<i64: 10>, scalar_prefetch = 0 : i64, scratch_operands = 0 : i64, tpu.core_type = #tpu.core_type<tc>, window_params = [{transform_indices = @transform_0, window_bounds = array<i64: 1024, 128>}, {transform_indices = @transform_1, window_bounds = array<i64: 1024, 128>}, {transform_indices = @transform_2, window_bounds = array<i64: 1024, 128>}, {transform_indices = @transform_3, window_bounds = array<i64: 1024, 1>}, {pipeline_mode = #tpu.pipeline_mode<synchronous>, transform_indices = @transform_4, window_bounds = array<i64: 1, 128>}, {pipeline_mode = #tpu.pipeline_mode<synchronous>, transform_indices = @transform_5, window_bounds = array<i64: 128, 128>}, {transform_indices = @transform_6, window_bounds = array<i64: 1024, 128>}]} {
    %get3A = arith.constant 0 : index
    %get3A_0 = arith.constant 0 : index
    %get3A_1 = vector.load %arg1[%get3A, %get3A_0] : memref<1024x128xf32, #tpu.memory_space<vmem>>, vector<1024x128xf32>
    %get3A_2 = arith.constant 0 : index
    %get3A_3 = arith.constant 0 : index
    %get3A_4 = vector.load %arg2[%get3A_2, %get3A_3] : memref<1024x128xf32, #tpu.memory_space<vmem>>, vector<1024x128xf32>
    %add3A = arith.addf %get3A_1, %get3A_4 : vector<1024x128xf32>
    %get3A_5 = arith.constant 0 : index
    %get3A_6 = arith.constant 0 : index
    %get3A_7 = vector.load %arg3[%get3A_5, %get3A_6] : memref<1024x128xf32, #tpu.memory_space<vmem>>, vector<1024x128xf32>
    %add3A_8 = arith.addf %add3A, %get3A_7 : vector<1024x128xf32>
    %get3A_9 = arith.constant 0 : index
    %get3A_10 = arith.constant 0 : index
    %get3A_11 = vector.load %arg4[%get3A_9, %get3A_10] : memref<1024x1xf32, #tpu.memory_space<vmem>>, vector<1024x1xf32>
    %mul3A = vector.broadcast %get3A_11 : vector<1024x1xf32> to vector<1024x128xf32>
    %mul3A_12 = arith.mulf %add3A_8, %mul3A : vector<1024x128xf32>
    %get3A_13 = arith.constant 0 : index
    %get3A_14 = arith.constant 0 : index
    %get3A_15 = vector.load %arg5[%get3A_13, %get3A_14] : memref<1x128xf32, #tpu.memory_space<vmem>>, vector<1x128xf32>
    %add3A_16 = vector.broadcast %get3A_15 : vector<1x128xf32> to vector<1024x128xf32>
    %add3A_17 = arith.addf %mul3A_12, %add3A_16 : vector<1024x128xf32>
    %max3A = arith.constant 0.000000e+00 : f32
    %max3A_18 = vector.broadcast %max3A : f32 to vector<1024x128xf32>
    %max3A_19 = arith.maximumf %add3A_17, %max3A_18 : vector<1024x128xf32>
    %get3A_20 = arith.constant 0 : index
    %get3A_21 = arith.constant 0 : index
    %get3A_22 = vector.load %arg6[%get3A_20, %get3A_21] : memref<128x128xf32, #tpu.memory_space<vmem>>, vector<128x128xf32>
    %dot_general3A = arith.constant dense<0.000000e+00> : vector<1024x128xf32>
    %dot_general3A_23 = tpu.matmul %max3A_19, %get3A_22, %dot_general3A {dimension_numbers = #tpu.dot_dimension_numbers<[1], [0], [0], [1], [0, 0, 1, 1], [], []>, transpose_lhs_hint = false} : vector<1024x128xf32>, vector<128x128xf32>, vector<1024x128xf32> -> vector<1024x128xf32>
    %get3A_24 = arith.constant 0 : index
    %get3A_25 = arith.constant 0 : index
    %get3A_26 = vector.load %arg4[%get3A_24, %get3A_25] : memref<1024x1xf32, #tpu.memory_space<vmem>>, vector<1024x1xf32>
    %mul3A_27 = vector.broadcast %get3A_26 : vector<1024x1xf32> to vector<1024x128xf32>
    %mul3A_28 = arith.mulf %dot_general3A_23, %mul3A_27 : vector<1024x128xf32>
    %swap3A = arith.constant 0 : index
    %swap3A_29 = arith.constant 0 : index
    %swap3A_30 = vector.load %arg7[%swap3A, %swap3A_29] : memref<1024x128xf32, #tpu.memory_space<vmem>>, vector<1024x128xf32>
    tpu.vector_store %arg7[%swap3A, %swap3A_29], %mul3A_28 {strides = array<i32>} : memref<1024x128xf32, #tpu.memory_space<vmem>>, vector<1024x128xf32>,
    return
  }
  func.func @transform_0(%arg0: i32) -> (i32, i32) {
    %c0_i32 = arith.constant 0 : i32
    %c0_i32_0 = arith.constant 0 : i32
    return %arg0, %c0_i32 : i32, i32
  }
  func.func @transform_1(%arg0: i32) -> (i32, i32) {
    %c0_i32 = arith.constant 0 : i32
    %c0_i32_0 = arith.constant 0 : i32
    return %arg0, %c0_i32 : i32, i32
  }
  func.func @transform_2(%arg0: i32) -> (i32, i32) {
    %c0_i32 = arith.constant 0 : i32
    %c0_i32_0 = arith.constant 0 : i32
    return %arg0, %c0_i32 : i32, i32
  }
  func.func @transform_3(%arg0: i32) -> (i32, i32) {
    %c0_i32 = arith.constant 0 : i32
    %c0_i32_0 = arith.constant 0 : i32
    return %arg0, %c0_i32 : i32, i32
  }
  func.func @transform_4(%arg0: i32) -> (i32, i32) {
    %c0_i32 = arith.constant 0 : i32
    %c0_i32_0 = arith.constant 0 : i32
    %c0_i32_1 = arith.constant 0 : i32
    return %c0_i32, %c0_i32_0 : i32, i32
  }
  func.func @transform_5(%arg0: i32) -> (i32, i32) {
    %c0_i32 = arith.constant 0 : i32
    %c0_i32_0 = arith.constant 0 : i32
    %c0_i32_1 = arith.constant 0 : i32
    return %c0_i32, %c0_i32_0 : i32, i32
  }
  func.func @transform_6(%arg0: i32) -> (i32, i32) {
    %c0_i32 = arith.constant 0 : i32
    %c0_i32_0 = arith.constant 0 : i32
    return %arg0, %c0_i32 : i32, i32
  }
}

module attributes {stable_mosaic.version = 14 : i64} {
  func.func @_tc3_body(%arg0: i32, %arg1: memref<1024x128xf32, #tpu.memory_space<vmem>>, %arg2: memref<1024x128xf32, #tpu.memory_space<vmem>>, %arg3: memref<1024x128xf32, #tpu.memory_space<vmem>>, %arg4: memref<1024x1xf32, #tpu.memory_space<vmem>>, %arg5: memref<1x64xf32, #tpu.memory_space<vmem>>, %arg6: memref<1024x64xf32, #tpu.memory_space<vmem>>) attributes {dimension_semantics = [#tpu.dimension_semantics<arbitrary>], iteration_bounds = array<i64: 10>, scalar_prefetch = 0 : i64, scratch_operands = 0 : i64, tpu.core_type = #tpu.core_type<tc>, window_params = [{transform_indices = @transform_0, window_bounds = array<i64: 1024, 128>}, {transform_indices = @transform_1, window_bounds = array<i64: 1024, 128>}, {transform_indices = @transform_2, window_bounds = array<i64: 1024, 128>}, {transform_indices = @transform_3, window_bounds = array<i64: 1024, 1>}, {pipeline_mode = #tpu.pipeline_mode<synchronous>, transform_indices = @transform_4, window_bounds = array<i64: 1, 64>}, {transform_indices = @transform_5, window_bounds = array<i64: 1024, 64>}]} {
    %get3A = arith.constant 0 : index
    %get3A_0 = arith.constant 0 : index
    %get3A_1 = vector.load %arg1[%get3A, %get3A_0] : memref<1024x128xf32, #tpu.memory_space<vmem>>, vector<1024x128xf32>
    %get3A_2 = arith.constant 0 : index
    %get3A_3 = arith.constant 0 : index
    %get3A_4 = vector.load %arg2[%get3A_2, %get3A_3] : memref<1024x128xf32, #tpu.memory_space<vmem>>, vector<1024x128xf32>
    %add3A = arith.addf %get3A_1, %get3A_4 : vector<1024x128xf32>
    %get3A_5 = arith.constant 0 : index
    %get3A_6 = arith.constant 0 : index
    %get3A_7 = vector.load %arg3[%get3A_5, %get3A_6] : memref<1024x128xf32, #tpu.memory_space<vmem>>, vector<1024x128xf32>
    %add3A_8 = arith.addf %add3A, %get3A_7 : vector<1024x128xf32>
    %slice3A = vector.extract_strided_slice %add3A_8 {offsets = [0, 0], sizes = [1024, 64], strides = [1, 1]} : vector<1024x128xf32> to vector<1024x64xf32>
    %get3A_9 = arith.constant 0 : index
    %get3A_10 = arith.constant 0 : index
    %get3A_11 = vector.load %arg4[%get3A_9, %get3A_10] : memref<1024x1xf32, #tpu.memory_space<vmem>>, vector<1024x1xf32>
    %mul3A = vector.broadcast %get3A_11 : vector<1024x1xf32> to vector<1024x64xf32>
    %mul3A_12 = arith.mulf %slice3A, %mul3A : vector<1024x64xf32>
    %get3A_13 = arith.constant 0 : index
    %get3A_14 = arith.constant 0 : index
    %get3A_15 = vector.load %arg5[%get3A_13, %get3A_14] : memref<1x64xf32, #tpu.memory_space<vmem>>, vector<1x64xf32>
    %add3A_16 = vector.broadcast %get3A_15 : vector<1x64xf32> to vector<1024x64xf32>
    %add3A_17 = arith.addf %mul3A_12, %add3A_16 : vector<1024x64xf32>
    %reduce_max3A = arith.constant dense<0xFF800000> : vector<1024xf32>
    %reduce_max3A_18 = vector.multi_reduction <maximumf>, %add3A_17, %reduce_max3A [1] : vector<1024x64xf32> to vector<1024xf32>
    %broadcast_in_dim3A = vector.shape_cast %reduce_max3A_18 : vector<1024xf32> to vector<1024x1xf32>
    %sub3A = vector.broadcast %broadcast_in_dim3A : vector<1024x1xf32> to vector<1024x64xf32>
    %sub3A_19 = arith.subf %add3A_17, %sub3A : vector<1024x64xf32>
    %exp3A = math.exp %sub3A_19 : vector<1024x64xf32>
    %reduce_sum3A = arith.constant dense<0.000000e+00> : vector<1024xf32>
    %reduce_sum3A_20 = vector.multi_reduction <add>, %exp3A, %reduce_sum3A [1] : vector<1024x64xf32> to vector<1024xf32>
    %broadcast_in_dim3A_21 = vector.shape_cast %reduce_sum3A_20 : vector<1024xf32> to vector<1024x1xf32>
    %log3A = math.log %broadcast_in_dim3A_21 : vector<1024x1xf32>
    %add3A_22 = arith.addf %broadcast_in_dim3A, %log3A : vector<1024x1xf32>
    %sub3A_23 = vector.broadcast %add3A_22 : vector<1024x1xf32> to vector<1024x64xf32>
    %sub3A_24 = arith.subf %add3A_17, %sub3A_23 : vector<1024x64xf32>
    %swap3A = arith.constant 0 : index
    %swap3A_25 = arith.constant 0 : index
    %swap3A_26 = vector.load %arg6[%swap3A, %swap3A_25] : memref<1024x64xf32, #tpu.memory_space<vmem>>, vector<1024x64xf32>
    tpu.vector_store %arg6[%swap3A, %swap3A_25], %sub3A_24 {strides = array<i32>} : memref<1024x64xf32, #tpu.memory_space<vmem>>, vector<1024x64xf32>,
    return
  }
  func.func @transform_0(%arg0: i32) -> (i32, i32) {
    %c0_i32 = arith.constant 0 : i32
    %c0_i32_0 = arith.constant 0 : i32
    return %arg0, %c0_i32 : i32, i32
  }
  func.func @transform_1(%arg0: i32) -> (i32, i32) {
    %c0_i32 = arith.constant 0 : i32
    %c0_i32_0 = arith.constant 0 : i32
    return %arg0, %c0_i32 : i32, i32
  }
  func.func @transform_2(%arg0: i32) -> (i32, i32) {
    %c0_i32 = arith.constant 0 : i32
    %c0_i32_0 = arith.constant 0 : i32
    return %arg0, %c0_i32 : i32, i32
  }
  func.func @transform_3(%arg0: i32) -> (i32, i32) {
    %c0_i32 = arith.constant 0 : i32
    %c0_i32_0 = arith.constant 0 : i32
    return %arg0, %c0_i32 : i32, i32
  }
  func.func @transform_4(%arg0: i32) -> (i32, i32) {
    %c0_i32 = arith.constant 0 : i32
    %c0_i32_0 = arith.constant 0 : i32
    %c0_i32_1 = arith.constant 0 : i32
    return %c0_i32, %c0_i32_0 : i32, i32
  }
  func.func @transform_5(%arg0: i32) -> (i32, i32) {
    %c0_i32 = arith.constant 0 : i32
    %c0_i32_0 = arith.constant 0 : i32
    return %arg0, %c0_i32 : i32, i32
  }
}

</mosaic_0001>

<sc_bundles>
// kernel: kernel.11.cloned.1.call-start
scs
__scs_entry_jumppad:
0x0: {  	(pc) =	sbr.rel $0x88, $3  }
0x1: {  	(tag) =	ssettag $0x0;
	lr =	simm.s32 $0x1  }
0x2: {  	[smem:$0x3F9B] =	sst lr;
	_ =	strace $0xD0000000  }
0x3: {  	_ = 	snop  }
0x4: {  	_ = 	snop  }
0x5: {  	_ = 	snop  }
0x6: {  	_ = 	snop  }
0x7: {  	_ = 	snop  }
__scs_overlays_trampoline_lowered:
0x8: {  	[smem:$0x3FAA] =	sst s0  }
0x9: {  	[smem:$0x3FAB] =	sst s1  }
0xa: {  	[smem:$0x3FAC] =	sst s2  }
0xb: {  	[smem:$0x3FAD] =	sst s3  }
0xc: {  	[smem:$0x3FAE] =	sst s4  }
0xd: {  	[smem:$0x3FAF] =	sst s5  }
0xe: {  	[smem:$0x3FB0] =	sst s6  }
0xf: {  	[smem:$0x3FB1] =	sst s7  }
0x10: {  	[smem:$0x3FB2] =	sst s8  }
0x11: {  	[smem:$0x3FB3] =	sst s9;
	s0 =	simm.s32 @!p0 $0x0  }
0x12: {  	s1 =	sld [smem:$0x3F99];
	s0 =	simm.s32 @p0 $0x1  }
0x13: {  	[smem:$0x3FB4] =	sst s0;
	s0 =	simm.s32 @!p1 $0x0  }
0x14: {  	s2 =	sld [smem:$0x3F98];
	s0 =	simm.s32 @p1 $0x1  }
0x15: {  	[smem:$0x3FB5] =	sst s0;
	s0 =	simm.s32 @!p2 $0x0  }
0x16: {  	s3 =	sld [smem:$0x3FDB];
	s0 =	simm.s32 @p2 $0x1  }
0x17: {  	s4 =	simm.s32 $0x1BF5;
	[smem:$0x3FB7] =	sst s0  }
0x18: {  	s0 =	sld [smem:$0x3F9A];
	_ =	swait.ge [sflag:s4], $0x0  }
0x19: {  	s7 =	sld [smem:$0x3F9B]  }
0x1a: {  	s8 =	sadd.s32 $0xFFFFE003, lr  }
0x1b: {  	s9 =	sadd.s32 $0xFFFFFEF7, lr;
	s5 =	simm.s32 $0xFFFFFFFF;
	p2 =	slt.u32 s8, $0xFFFFF086  }
0x1c: {  	p1 =	slt.u32 s9, $0xF7A;
	s5 =	simm.s32 @!p2 $0x0  }
0x1d: {  	s5 =	simm.s32 @p1 $0x1;
	p0 =	seq.s32 s7, s2  }
0x1e: {  	s7 =	smul.u32 @!p0 $0xF7A, s2;
	p2 =	seq.s32 @!p0 s5, $0x0  }
0x1f: {  	s9 =	smul.u32 $0xF7A, s1;
	s8 =	simm.s32 @!p0 $0x1BF5;
	p2 =	por !p2, p0  }
0x20: {  	[sflag:s8] =	ssyncset.s32 @!p0 $0xFFFFF086;
	s6 =	sadd.s32 @!p0 s3, s7;
	s7 =	simm.s32 @!p0 $0x108  }
0x21: {  	s3 =	sadd.s32 s3, s9;
	s6 =	sadd.s32 @!p0 $0x88, s6;
	s7 =	simm.s32 @p2 $0x1082  }
0x22: {  	[simem:s7], [sflag:s8] =	dma.local @!p0 [hbm:s6], $0xF7A  }
0x23: {  	s9 =	sor.u32 $0xD0000000, s2;
	s6 =	simm.s32 $0x108;
	_ =	swait.ge @!p0 [sflag:s8], $0x0  }
0x24: {  	s3 =	sadd.s32 $0x88, s3;
	s6 =	simm.s32 @!p1 $0x1082;
	[sflag:s4] =	ssyncset.s32 $0xFFFFF086  }
0x25: {  	[simem:s6], [sflag:s4] =	dma.local [hbm:s3], $0xF7A  }
0x26: {  	[smem:$0x3F9B] =	sst s1;
	(tag) =	ssettag s2;
	_ =	strace s9  }
0x27: {  	s1 =	sld [smem:$0x3FAB]  }
0x28: {  	s2 =	sld [smem:$0x3FAC]  }
0x29: {  	s4 =	sld [smem:$0x3FAE]  }
0x2a: {  	p0 =	seq.s32 s5, $0x0;
	s5 =	sld [smem:$0x3FAF]  }
0x2b: {  	s6 =	sld [smem:$0x3FB0]  }
0x2c: {  	s7 =	sld [smem:$0x3FB1]  }
0x2d: {  	s3 =	simm.s32 $0x108;
	s8 =	sld [smem:$0x3FB2]  }
0x2e: {  	s3 =	simm.s32 @!p0 $0x1082;
	s9 =	sld [smem:$0x3FB3]  }
0x2f: {  	lr =	sadd.s32 s0, s3;
	s0 =	sld [smem:$0x3FAA]  }
0x30: {  	s3 =	sld [smem:$0x3FAD]  }
0x31: {  	[smem:$0x3FB6] =	sst s10  }
0x32: {  	s10 =	sld [smem:$0x3FB4];
	_ =	sdelay $0x3  }
0x33: {  	p0 =	seq.s32 s10, $0x1;
	s10 =	sld [smem:$0x3FB6];
	_ =	sdelay $0x3  }
0x34: {  	[smem:$0x3FB6] =	sst s10  }
0x35: {  	s10 =	sld [smem:$0x3FB5];
	_ =	sdelay $0x3  }
0x36: {  	p1 =	seq.s32 s10, $0x1;
	s10 =	sld [smem:$0x3FB6];
	_ =	sdelay $0x3  }
0x37: {  	[smem:$0x3FB6] =	sst s10  }
0x38: {  	s10 =	sld [smem:$0x3FB7]  }
0x39: {  	_ = 	snop;
	(pc) =	sbr.ind lr, $3  }
0x3a: {  	_ = 	snop  }
0x3b: {  	_ = 	snop  }
0x3c: {  	p2 =	seq.s32 s10, $0x1;
	s10 =	sld [smem:$0x3FB6]  }
0x3d: {  	_ =	shalt  }
0x3e: {  	_ =	shalt  }
0x3f: {  	_ =	shalt  }
0x40: {  	_ =	shalt  }
0x41: {  	_ =	shalt  }
0x42: {  	_ =	shalt  }
0x43: {  	_ =	shalt  }
0x44: {  	_ =	shalt  }
0x45: {  	_ =	shalt  }
0x46: {  	_ =	shalt  }
0x47: {  	_ =	shalt  }
0x48: {  	_ =	shalt  }
0x49: {  	_ =	shalt  }
0x4a: {  	_ =	shalt  }
0x4b: {  	_ =	shalt  }
0x4c: {  	_ =	shalt  }
0x4d: {  	_ =	shalt  }
0x4e: {  	_ =	shalt  }
0x4f: {  	_ =	shalt  }
0x50: {  	_ =	shalt  }
0x51: {  	_ =	shalt  }
0x52: {  	_ =	shalt  }
0x53: {  	_ =	shalt  }
0x54: {  	_ =	shalt  }
0x55: {  	_ =	shalt  }
0x56: {  	_ =	shalt  }
0x57: {  	_ =	shalt  }
0x58: {  	_ =	shalt  }
0x59: {  	_ =	shalt  }
0x5a: {  	_ =	shalt  }
0x5b: {  	_ =	shalt  }
0x5c: {  	_ =	shalt  }
0x5d: {  	_ =	shalt  }
0x5e: {  	_ =	shalt  }
0x5f: {  	_ =	shalt  }
0x60: {  	_ =	shalt  }
0x61: {  	_ =	shalt  }
0x62: {  	_ =	shalt  }
0x63: {  	_ =	shalt  }
0x64: {  	_ =	shalt  }
0x65: {  	_ =	shalt  }
0x66: {  	_ =	shalt  }
0x67: {  	_ =	shalt  }
0x68: {  	_ =	shalt  }
0x69: {  	_ =	shalt  }
0x6a: {  	_ =	shalt  }
0x6b: {  	_ =	shalt  }
0x6c: {  	_ =	shalt  }
0x6d: {  	_ =	shalt  }
0x6e: {  	_ =	shalt  }
0x6f: {  	_ =	shalt  }
0x70: {  	_ =	shalt  }
0x71: {  	_ =	shalt  }
0x72: {  	_ =	shalt  }
0x73: {  	_ =	shalt  }
0x74: {  	_ =	shalt  }
0x75: {  	_ =	shalt  }
0x76: {  	_ =	shalt  }
0x77: {  	_ =	shalt  }
0x78: {  	_ =	shalt  }
0x79: {  	_ =	shalt  }
0x7a: {  	_ =	shalt  }
0x7b: {  	_ =	shalt  }
0x7c: {  	_ =	shalt  }
0x7d: {  	_ =	shalt  }
0x7e: {  	_ =	shalt  }
0x7f: {  	_ =	shalt  }
0x80: {  	_ =	shalt  }
0x81: {  	_ =	shalt  }
0x82: {  	_ =	shalt  }
0x83: {  	_ =	shalt  }
0x84: {  	_ =	shalt  }
0x85: {  	_ =	shalt  }
0x86: {  	_ =	shalt  }
0x87: {  	_ =	shalt  }
.Lfunc_end0:
.L_simem_size_0:
called_computation.1_lowered:
.L_overlay_start_0:
0x88: {  	s2 =	sld [smem:$0x3FD9]  }
0x89: {  	s3 =	sld [smem:$0x3FFE];
	_ =	sdelay $0x1  }
0x8a: {  	s1 =	srdreg.scid  }
0x8b: {  	s0 =	sand.u32 $0x1, s1  }
0x8c: {  	s17 =	sshll.u32 s0, $0xA;
	s2 =	sadd.s32 s3, s2  }
0x8d: {  	s2 =	sadd.s32 s2, s17  }
0x8e: {  	[smem:$0x3FC2] =	sst s2  }
0x8f: {  	_ = 	snop  }
0x90: {  	s2 =	sld [smem:$0x3FD0];
	(tm) =	ssettm $0x1  }
0x91: {  	s18 =	sld [smem:$0x3FFB];
	_ =	sdelay $0x3  }
0x92: {  	_ =	strace s18  }
0x93: {  	s3 =	sld [smem:$0x3FFC];
	_ =	sdelay $0x3  }
0x94: {  	_ =	strace s3  }
0x95: {  	s3 =	sld [smem:$0x3FFD];
	_ =	sdelay $0x3  }
0x96: {  	_ =	strace s3  }
0x97: {  	_ =	strace $0x8FFFFFFF  }
0x98: {  	s19 =	sld [smem:$0x3FDB];
	_ =	sdelay $0x1  }
0x99: {  	s4 =	simm.s32 $_scs_section_size  }
0x9a: {  	s5 =	simm.s32 $_size__tile_overlayer_lowered;
	s6 =	simm.s32 $_tile_overlayer_lowered  }
0x9b: {  	s22 =	simm.s32 $0x1BFF;
	s21 =	sshll.u32 s6, $0x1;
	s3 =	sadd.s32 s4, s19  }
0x9c: {  	s7 =	simm.s32 $0x0;
	s20 =	sshll.u32 s5, $0x1;
	s5 =	sadd.s32 s21, s3  }
0x9d: {  	[timem:s7], [sflag:s22] =	dma.local [hbm:s5], s20  }
0x9e: {  	_ =	swait.ge [sflag:s22], s20  }
0x9f: {  	s4 =	ssub.s32 $0x0, s20;
	[sflag:s22] =	ssyncset.done $0x0  }
0xa0: {  	[sflag:s22] =	ssyncadd.s32 s4;
	_ =	sdelay $0x1  }
0xa1: {  	s23 =	simm.s32 $0x1B8B  }
0xa2: {  	_ =	swait.ge [sflag:s23], $0x1  }
0xa3: {  	[sflag:s23] =	ssyncset.done $0x0  }
0xa4: {  	s25 =	simm.s32 $0x1B8E;
	s24 =	sld [smem:$0x3FFE];
	[sflag:s23] =	ssyncadd.s32 $0xFFFFFFFF  }
0xa5: {  	s26 =	simm.s32 $execute0_lowered;
	[smem:$0x3FD2] =	sst s25  }
0xa6: {  	s5 =	sshll.u32 s26, $0x1;
	_ =	strace $0x80000049;
	[dreg:$0x1] =	wrdreg $0xFFFFFFFF  }
0xa7: {  	s28 =	simm.s32 $_size_execute0_lowered;
	s3 =	sadd.s32 s3, s5;
	[dreg:$0x0] =	wrdreg $0x0  }
0xa8: {  	s5 =	sshll.u32 s28, $0x1;
	[dreg:$0x2] =	wrdreg s3  }
0xa9: {  	[dreg:$0x3] =	wrdreg s5  }
0xaa: {  	[dreg:$0x4] =	wrdreg $0xC0  }
0xab: {  	_ =	task [dreg:s7], $0x5FFFF  }
0xac: {  	[dreg:$0x1] =	wrdreg $0xFFFFFFFF  }
0xad: {  	[dreg:$0x0] =	wrdreg $0x60  }
0xae: {  	[dreg:$0x2] =	wrdreg s24  }
0xaf: {  	[dreg:$0x3] =	wrdreg s2  }
0xb0: {  	[dreg:$0x4] =	wrdreg $0x0  }
0xb1: {  	[dreg:$0x5] =	wrdreg $0x9  }
0xb2: {  	_ =	task.clear_ibuf [dreg:s7], $0x6FFFF;
	_ =	strace $0x90000049  }
0xb3: {  	s29 =	simm.s32 $0x9;
	_ =	strace $0x8000004B  }
0xb4: {  	_ =	swait.ge [sflag:s29], $0x1  }
0xb5: {  	[sflag:s29] =	ssyncadd.s32 $0xFFFFFFFF  }
0xb6: {  	_ =	strace $0x9000004B  }
0xb7: {  	_ =	sfence  }
0xb8: {  	s30 =	sld [smem:$0x0];
	_ =	sdelay $0x2  }
0xb9: {  	s31 =	sshll.u32 s1, $0xD;
	s1 =	sshrl.u32 s1, $0x2  }
0xba: {  	s3 =	sand.u32 $0x4000, s31;
	s1 =	sadd.s32 s1, s30  }
0xbb: {  	s0 =	sor.u32 s3, s0;
	s1 =	sshll.u32 s1, $0x11  }
0xbc: {  	s0 =	sor.u32 s1, s0  }
0xbd: {  	s0 =	sadd.s32 $0x8F2B, s0  }
0xbe: {  	[sflag:s0] =	ssyncadd.remote.s32 $0x1  }
0xbf: {  	_ =	sfence.sel $0xFFFF  }
0xc0: {  	[dreg:$0x0] =	wrdreg $0xFFFFFFFF;
	(pc) =	sbr.abs _section_cstart, $3  }
0xc1: {  	[dreg:$0x1] =	wrdreg $0xFFFFFFFF  }
0xc2: {  	_ =	task.clear_ibuf [dreg:s7], $0x2FFFF;
	_ =	strace $0x9FFFFFFF  }
0xc3: {  	(tm) =	ssettm $0x7FFFFFFF  }
tec
execute0_lowered:
.L_overlay_start_1:
0x0: {  	(tag) =	ssettag $0x1  }
0x1: {  	s0 =	rddreg [dreg:$0x0]  }
0x2: {  	s2 =	rddreg [dreg:$0x1]  }
0x3: {  	s1 =	rddreg [dreg:$0x2]  }
0x4: {  	s3 =	srdreg.scid;
	s10 =	stileid.u32;
	s28 =	simm.s32 $0x1D000  }
0x5: {  	s29 =	simm.s32 $0x80;
	s30 =	simm.s32 $0x19000;
	s31 =	simm.s32 $0x1  }
0x6: {  	s11 =	sand.u32 $0x1, s3;
	s3 =	simm.s32 $0x0;
	s7 =	smul.u32 $0x50000, s10  }
0x7: {  	s14 =	smul.u32 $0x14000, s10;
	s4 =	sshll.u32 s11, $0x4;
	[smem:$0x7FF] =	sst s3  }
0x8: {  	s5 =	ssub.s32 $0x2, s11;
	s21 =	smul.u32 $0x140000, s11;
	s4 =	sor.u32 s10, s4  }
0x9: {  	_ =	strace $0x8000004A;
	s9 =	sshrl.u32 s5, $0x1;
	s7 =	sshrl.u32 s7, $0x2  }
0xa: {  	s24 =	sor.u32 $0x2800, s14;
	s17 =	sadd.s32 $0x5000, s14;
	s18 =	sadd.s32 $0x7800, s14  }
0xb: {  	s19 =	sadd.s32 $0xA000, s14;
	s20 =	sadd.s32 $0xC800, s14;
	s6 =	smul.u32 $0x500, s4  }
0xc: {  	s4 =	sadd.s32 $0x16A00, s0;
	s23 =	ssub.s32 s5, s9;
	s7 =	sadd.s32 s7, s1  }
0xd: {  	s9 =	sadd.s32 s17, s1;
	s10 =	sadd.s32 s18, s1;
	s11 =	sadd.s32 s19, s1  }
0xe: {  	s12 =	sadd.s32 s20, s1;
	s15 =	sadd.s32 s14, s21;
	s25 =	sadd.s32 s21, s17  }
0xf: {  	s26 =	sadd.s32 s21, s18;
	s5 =	sadd.s32 s21, s19;
	s15 =	sshrl.u32 s15, $0x3  }
0x10: {  	s23 =	smax.u32 s23, $0x1;
	s8 =	sadd.s32 s6, s0;
	s0 =	sadd.s32 $0x66A00, s0  }
0x11: {  	s2 =	sadd.s32 s2, s6;
	s6 =	sshrl.u32 s26, $0x3;
	s22 =	sadd.s32 $0xCA00, s8  }
0x12: {  	[dreg:$0x5] =	wrdreg s2;
	s8 =	sadd.s32 s24, s1;
	s2 =	sadd.s32 s21, s24  }
0x13: {  	s24 =	sadd.s32 $0x11800, s14;
	s15 =	sadd.s32 s0, s15;
	s18 =	sadd.s32 s0, s6  }
0x14: {  	[dreg:$0x4] =	wrdreg s22;
	s22 =	sadd.s32 $0xF000, s14;
	s2 =	sshrl.u32 s2, $0x3  }
0x15: {  	s14 =	sadd.s32 s24, s1;
	s13 =	sadd.s32 s22, s1;
	s16 =	sadd.s32 s0, s2  }
0x16: {  	s2 =	sshrl.u32 s25, $0x3;
	s25 =	sshrl.u32 s5, $0x3;
	s26 =	sadd.s32 s21, s22  }
0x17: {  	s17 =	sadd.s32 s0, s2;
	s19 =	sadd.s32 s0, s25;
	s25 =	sadd.s32 s21, s20  }
0x18: {  	s21 =	sadd.s32 s21, s24;
	s22 =	sshrl.u32 s26, $0x3;
	s2 =	sshrl.u32 s25, $0x3  }
0x19: {  	s24 =	sshrl.u32 s21, $0x3;
	s21 =	sadd.s32 s0, s22;
	s25 =	simm.s32 $0x2  }
0x1a: {  	v0 =	vimm.f32 $0.0e+00;
	s20 =	sadd.s32 s0, s2;
	s22 =	sadd.s32 s0, s24;
	s0 =	simm.s32 $0x0  }
.LBB2_1:
0x1b: {  	s2 =	rddreg [dreg:$0x4];
	s5 =	simm.s32 $0x14000  }
0x1c: {  	[tilespmem:s5], [sflag:$0x2] =	stream.linear.gather [hbm4b:s2+s3], $0x2780, $0x38;
	[tilespmem:$0x1F800] =	vst v63  }
0x1d: {  	_ =	swait.ge [sflag:s25], $0x2780  }
0x1e: {  	[sflag:s25] =	ssyncset.done $0x0  }
0x1f: {  	s26 =	simm.s32 $0x16800;
	s24 =	rddreg [dreg:$0x5];
	[sflag:s25] =	ssyncadd.s32 $0xFFFFD880  }
0x20: {  	[tilespmem:s26], [sflag:$0x2] =	stream.linear.gather [hbm4b:s24+s3], $0x2780, $0x38;
	[tilespmem:$0x1F800] =	vst v63  }
0x21: {  	_ =	swait.ge [sflag:s25], $0x2780  }
0x22: {  	[sflag:s25] =	ssyncset.done $0x0  }
0x23: {  	s2 =	simm.s32 $0x0;
	s24 =	simm.s32 $0x200;
	[sflag:s25] =	ssyncadd.s32 $0xFFFFD880  }
.LBB2_2:
0x24: {  	p0 =	sne.s32 s24, $0x9E00;
	[tilespmem:s2+$0x1D070] =	vst v0  }
0x25: {  	[tilespmem:s2+$0x1D000] =	vst v0  }
0x26: {  	[tilespmem:s2+$0x1D010] =	vst v0  }
.Ltmp0:
0x27: {  	[tilespmem:s2+$0x1D020] =	vst v0;
	(pc) =	sbr.rel @p0 .LBB2_2-.Ltmp0, $4  }
0x28: {  	[tilespmem:s2+$0x1D030] =	vst v0  }
0x29: {  	[tilespmem:s2+$0x1D040] =	vst v0  }
0x2a: {  	[tilespmem:s2+$0x1D050] =	vst v0  }
0x2b: {  	[tilespmem:s2+$0x1D060] =	vst v0;
	s2 =	sshra.s32 s24, $0x2;
	s24 =	sadd.s32 $0x200, s24  }
0x2c: {  	[tilespmem:s2+$0x1D070] =	vst v0  }
0x2d: {  	[tilespmem:s2+$0x1D000] =	vst v0  }
0x2e: {  	[tilespmem:s2+$0x1D010] =	vst v0  }
0x2f: {  	[tilespmem:s2+$0x1D020] =	vst v0  }
0x30: {  	[tilespmem:s2+$0x1D030] =	vst v0  }
0x31: {  	[tilespmem:s2+$0x1D040] =	vst v0  }
0x32: {  	[tilespmem:s2+$0x1D050] =	vst v0  }
0x33: {  	[tilespmem:s2+$0x1D060] =	vst v0  }
0x34: {  	[spmem:s7] =	stream.linear.scatter [tilespmem:s28], [sflag:$0x2], $0x2800, $0x38;
	[tilespmem:$0x1F800] =	vst v63  }
0x35: {  	_ =	swait.ge [sflag:s25], $0x2800  }
0x36: {  	[sflag:s25] =	ssyncset.done $0x0  }
0x37: {  	[sflag:s25] =	ssyncadd.s32 $0xFFFFD800  }
0x38: {  	[spmem:s8] =	stream.linear.scatter [tilespmem:s28], [sflag:$0x2], $0x2800, $0x38;
	[tilespmem:$0x1F800] =	vst v63  }
0x39: {  	_ =	swait.ge [sflag:s25], $0x2800  }
0x3a: {  	[sflag:s25] =	ssyncset.done $0x0  }
0x3b: {  	[sflag:s25] =	ssyncadd.s32 $0xFFFFD800  }
0x3c: {  	[spmem:s9] =	stream.linear.scatter [tilespmem:s28], [sflag:$0x2], $0x2800, $0x38;
	[tilespmem:$0x1F800] =	vst v63  }
0x3d: {  	_ =	swait.ge [sflag:s25], $0x2800  }
0x3e: {  	[sflag:s25] =	ssyncset.done $0x0  }
0x3f: {  	[sflag:s25] =	ssyncadd.s32 $0xFFFFD800  }
0x40: {  	[spmem:s10] =	stream.linear.scatter [tilespmem:s28], [sflag:$0x2], $0x2800, $0x38;
	[tilespmem:$0x1F800] =	vst v63  }
0x41: {  	_ =	swait.ge [sflag:s25], $0x2800  }
0x42: {  	[sflag:s25] =	ssyncset.done $0x0  }
0x43: {  	[sflag:s25] =	ssyncadd.s32 $0xFFFFD800  }
0x44: {  	[spmem:s11] =	stream.linear.scatter [tilespmem:s28], [sflag:$0x2], $0x2800, $0x38;
	[tilespmem:$0x1F800] =	vst v63  }
0x45: {  	_ =	swait.ge [sflag:s25], $0x2800  }
0x46: {  	[sflag:s25] =	ssyncset.done $0x0  }
0x47: {  	[sflag:s25] =	ssyncadd.s32 $0xFFFFD800  }
0x48: {  	[spmem:s12] =	stream.linear.scatter [tilespmem:s28], [sflag:$0x2], $0x2800, $0x38;
	[tilespmem:$0x1F800] =	vst v63  }
0x49: {  	_ =	swait.ge [sflag:s25], $0x2800  }
0x4a: {  	[sflag:s25] =	ssyncset.done $0x0  }
0x4b: {  	[sflag:s25] =	ssyncadd.s32 $0xFFFFD800  }
0x4c: {  	[spmem:s13] =	stream.linear.scatter [tilespmem:s28], [sflag:$0x2], $0x2800, $0x38;
	[tilespmem:$0x1F800] =	vst v63  }
0x4d: {  	_ =	swait.ge [sflag:s25], $0x2800  }
0x4e: {  	[sflag:s25] =	ssyncset.done $0x0  }
0x4f: {  	[sflag:s25] =	ssyncadd.s32 $0xFFFFD800  }
0x50: {  	[spmem:s14] =	stream.linear.scatter [tilespmem:s28], [sflag:$0x2], $0x2800, $0x38;
	[tilespmem:$0x1F800] =	vst v63  }
0x51: {  	_ =	swait.ge [sflag:s25], $0x2800  }
0x52: {  	[sflag:s25] =	ssyncset.done $0x0  }
0x53: {  	[sflag:s25] =	ssyncadd.s32 $0xFFFFD800  }
0x54: {  	s24 =	simm.s32 $0x14000;
	[bflag:$0x0] =	sbarrier.arrive $0xFFFF  }
0x55: {  	[tilespmem:s30], [sflag:$0x1] =	stream.indirect.gather [hbm4b:s4+s29], $0x80, s24, s29, $0xb8;
	[tilespmem:$0x1F800] =	vst v63  }
0x56: {  	_ =	swait.ge [sflag:s31], $0x4000  }
0x57: {  	[sflag:s31] =	ssyncset.done $0x0  }
0x58: {  	s26 =	simm.s32 $0x16800;
	[sflag:s31] =	ssyncadd.s32 $0xFFFFC000  }
0x59: {  	[spmem:s1] =	stream.indirect.scatter.add.f32 [tilespmem:s30], [sflag:$0x2], $0x80, s26, s29, $0xb8;
	[tilespmem:$0x1F800] =	vst v63  }
0x5a: {  	_ =	swait.ge [sflag:s25], $0x4000  }
0x5b: {  	s2 =	simm.s32 $0x80;
	s24 =	simm.s32 $0x400;
	[sflag:s25] =	ssyncset.done $0x0  }
.LBB2_4:
0x5c: {  	s26 =	sadd.s32 $0x14000, s2  }
0x5d: {  	[sflag:s25] =	ssyncadd.s32 $0xFFFFC000;
	s5 =	smov.u32 s24;
	s6 =	sadd.s32 $0x200, s24  }
0x5e: {  	[tilespmem:s30], [sflag:$0x1] =	stream.indirect.gather [hbm4b:s4+s29], $0x80, s26, s29, $0xb8;
	[tilespmem:$0x1F800] =	vst v63  }
0x5f: {  	p0 =	sne.s32 s24, $0x9C00;
	_ =	swait.ge [sflag:s31], $0x4000  }
.Ltmp1:
0x60: {  	[sflag:s31] =	ssyncset.done $0x0;
	(pc) =	sbr.rel @p0 .LBB2_4-.Ltmp1, $4  }
0x61: {  	s2 =	sadd.s32 $0x16800, s2;
	[sflag:s31] =	ssyncadd.s32 $0xFFFFC000  }
0x62: {  	[spmem:s1] =	stream.indirect.scatter.add.f32 [tilespmem:s30], [sflag:$0x2], $0x80, s2, s29, $0xb8;
	[tilespmem:$0x1F800] =	vst v63  }
0x63: {  	_ =	swait.ge [sflag:s25], $0x4000  }
0x64: {  	s24 =	smov.u32 s6;
	s2 =	sshra.s32 s5, $0x2;
	[sflag:s25] =	ssyncset.done $0x0  }
0x65: {  	s5 =	sadd.s32 $0x14000, s2;
	[sflag:s25] =	ssyncadd.s32 $0xFFFFC000  }
0x66: {  	[tilespmem:s30], [sflag:$0x1] =	stream.indirect.gather [hbm4b:s4+s29], $0x80, s5, s29, $0xb8;
	[tilespmem:$0x1F800] =	vst v63  }
0x67: {  	_ =	swait.ge [sflag:s31], $0x4000  }
0x68: {  	[sflag:s31] =	ssyncset.done $0x0  }
0x69: {  	s26 =	sadd.s32 $0x16800, s2;
	[sflag:s31] =	ssyncadd.s32 $0xFFFFC000  }
0x6a: {  	[spmem:s1] =	stream.indirect.scatter.add.f32 [tilespmem:s30], [sflag:$0x2], $0x80, s26, s29, $0xb8;
	[tilespmem:$0x1F800] =	vst v63  }
0x6b: {  	_ =	swait.ge [sflag:s25], $0x4000  }
0x6c: {  	[sflag:s25] =	ssyncset.done $0x0  }
0x6d: {  	[sflag:s25] =	ssyncadd.s32 $0xFFFFC000  }
0x6e: {  	[bflag:$0x0] =	sbarrier.arrive $0xFFFF  }
0x6f: {  	[tilespmem:s28], [sflag:$0x2] =	stream.linear.gather [spmem:s7], $0x2800, $0x38;
	[tilespmem:$0x1F800] =	vst v63  }
0x70: {  	_ =	swait.ge [sflag:s25], $0x2800  }
0x71: {  	[sflag:s25] =	ssyncset.done $0x0  }
0x72: {  	[sflag:s25] =	ssyncadd.s32 $0xFFFFD800  }
0x73: {  	[hbm4b:s15+s3] =	stream.linear.scatter [tilespmem:s28], [sflag:$0x2], $0x2800, $0x38;
	[tilespmem:$0x1F800] =	vst v63  }
0x74: {  	_ =	swait.ge [sflag:s25], $0x2800  }
0x75: {  	[sflag:s25] =	ssyncset.done $0x0  }
0x76: {  	[sflag:s25] =	ssyncadd.s32 $0xFFFFD800  }
0x77: {  	[tilespmem:s28], [sflag:$0x2] =	stream.linear.gather [spmem:s8], $0x2800, $0x38;
	[tilespmem:$0x1F800] =	vst v63  }
0x78: {  	_ =	swait.ge [sflag:s25], $0x2800  }
0x79: {  	[sflag:s25] =	ssyncset.done $0x0  }
0x7a: {  	[sflag:s25] =	ssyncadd.s32 $0xFFFFD800  }
0x7b: {  	[hbm4b:s16+s3] =	stream.linear.scatter [tilespmem:s28], [sflag:$0x2], $0x2800, $0x38;
	[tilespmem:$0x1F800] =	vst v63  }
0x7c: {  	_ =	swait.ge [sflag:s25], $0x2800  }
0x7d: {  	[sflag:s25] =	ssyncset.done $0x0  }
0x7e: {  	[sflag:s25] =	ssyncadd.s32 $0xFFFFD800  }
0x7f: {  	[tilespmem:s28], [sflag:$0x2] =	stream.linear.gather [spmem:s9], $0x2800, $0x38;
	[tilespmem:$0x1F800] =	vst v63  }
0x80: {  	_ =	swait.ge [sflag:s25], $0x2800  }
0x81: {  	[sflag:s25] =	ssyncset.done $0x0  }
0x82: {  	[sflag:s25] =	ssyncadd.s32 $0xFFFFD800  }
0x83: {  	[hbm4b:s17+s3] =	stream.linear.scatter [tilespmem:s28], [sflag:$0x2], $0x2800, $0x38;
	[tilespmem:$0x1F800] =	vst v63  }
0x84: {  	_ =	swait.ge [sflag:s25], $0x2800  }
0x85: {  	[sflag:s25] =	ssyncset.done $0x0  }
0x86: {  	[sflag:s25] =	ssyncadd.s32 $0xFFFFD800  }
0x87: {  	[tilespmem:s28], [sflag:$0x2] =	stream.linear.gather [spmem:s10], $0x2800, $0x38;
	[tilespmem:$0x1F800] =	vst v63  }
0x88: {  	_ =	swait.ge [sflag:s25], $0x2800  }
0x89: {  	[sflag:s25] =	ssyncset.done $0x0  }
0x8a: {  	[sflag:s25] =	ssyncadd.s32 $0xFFFFD800  }
0x8b: {  	[hbm4b:s18+s3] =	stream.linear.scatter [tilespmem:s28], [sflag:$0x2], $0x2800, $0x38;
	[tilespmem:$0x1F800] =	vst v63  }
0x8c: {  	_ =	swait.ge [sflag:s25], $0x2800  }
0x8d: {  	[sflag:s25] =	ssyncset.done $0x0  }
0x8e: {  	[sflag:s25] =	ssyncadd.s32 $0xFFFFD800  }
0x8f: {  	[tilespmem:s28], [sflag:$0x2] =	stream.linear.gather [spmem:s11], $0x2800, $0x38;
	[tilespmem:$0x1F800] =	vst v63  }
0x90: {  	_ =	swait.ge [sflag:s25], $0x2800  }
0x91: {  	[sflag:s25] =	ssyncset.done $0x0  }
0x92: {  	[sflag:s25] =	ssyncadd.s32 $0xFFFFD800  }
0x93: {  	[hbm4b:s19+s3] =	stream.linear.scatter [tilespmem:s28], [sflag:$0x2], $0x2800, $0x38;
	[tilespmem:$0x1F800] =	vst v63  }
0x94: {  	_ =	swait.ge [sflag:s25], $0x2800  }
0x95: {  	[sflag:s25] =	ssyncset.done $0x0  }
0x96: {  	[sflag:s25] =	ssyncadd.s32 $0xFFFFD800  }
0x97: {  	[tilespmem:s28], [sflag:$0x2] =	stream.linear.gather [spmem:s12], $0x2800, $0x38;
	[tilespmem:$0x1F800] =	vst v63  }
0x98: {  	_ =	swait.ge [sflag:s25], $0x2800  }
0x99: {  	[sflag:s25] =	ssyncset.done $0x0  }
0x9a: {  	[sflag:s25] =	ssyncadd.s32 $0xFFFFD800  }
0x9b: {  	[hbm4b:s20+s3] =	stream.linear.scatter [tilespmem:s28], [sflag:$0x2], $0x2800, $0x38;
	[tilespmem:$0x1F800] =	vst v63  }
0x9c: {  	_ =	swait.ge [sflag:s25], $0x2800  }
0x9d: {  	[sflag:s25] =	ssyncset.done $0x0  }
0x9e: {  	[sflag:s25] =	ssyncadd.s32 $0xFFFFD800  }
0x9f: {  	[tilespmem:s28], [sflag:$0x2] =	stream.linear.gather [spmem:s13], $0x2800, $0x38;
	[tilespmem:$0x1F800] =	vst v63  }
0xa0: {  	_ =	swait.ge [sflag:s25], $0x2800  }
0xa1: {  	[sflag:s25] =	ssyncset.done $0x0  }
0xa2: {  	[sflag:s25] =	ssyncadd.s32 $0xFFFFD800  }
0xa3: {  	[hbm4b:s21+s3] =	stream.linear.scatter [tilespmem:s28], [sflag:$0x2], $0x2800, $0x38;
	[tilespmem:$0x1F800] =	vst v63  }
0xa4: {  	_ =	swait.ge [sflag:s25], $0x2800  }
0xa5: {  	[sflag:s25] =	ssyncset.done $0x0  }
0xa6: {  	[sflag:s25] =	ssyncadd.s32 $0xFFFFD800  }
0xa7: {  	[tilespmem:s28], [sflag:$0x2] =	stream.linear.gather [spmem:s14], $0x2800, $0x38;
	[tilespmem:$0x1F800] =	vst v63  }
0xa8: {  	s0 =	sadd.s32 $0x1, s0;
	_ =	swait.ge [sflag:s25], $0x2800  }
0xa9: {  	p0 =	sne.s32 s0, s23;
	[sflag:s25] =	ssyncset.done $0x0  }
.Ltmp2:
0xaa: {  	[sflag:s25] =	ssyncadd.s32 $0xFFFFD800;
	(pc) =	sbr.rel @p0 .LBB2_1-.Ltmp2, $4  }
0xab: {  	[hbm4b:s22+s3] =	stream.linear.scatter [tilespmem:s28], [sflag:$0x2], $0x2800, $0x38;
	[tilespmem:$0x1F800] =	vst v63  }
0xac: {  	_ =	swait.ge [sflag:s25], $0x2800  }
0xad: {  	[sflag:s25] =	ssyncset.done $0x0  }
0xae: {  	[sflag:s25] =	ssyncadd.s32 $0xFFFFD800  }
0xaf: {  	_ =	sfence.sel $0x180000  }
0xb0: {  	[bflag:$0x0] =	sbarrier.arrive $0xFFFF  }
0xb1: {  	_ =	strace $0x9000004A  }
0xb2: {  	s0 =	stileid.u32;
	[bflag:$0x2] =	sbarrier.arrive $0xFFFF  }
0xb3: {  	p0 =	sne.s32 s0, $0x0;
	s0 =	rddreg [dreg:$0x3]  }
0xb4: {  	s0 =	sadd.s32 @!p0 $0x100000, s0  }
0xb5: {  	[sflag:s0] =	ssyncadd.tile.s32 @!p0 $0x1;
	_ =	shalt  }
.Lfunc_end2:
_tile_overlayer_lowered:
.L_overlay_start_2:
0xb6: {  	(tag) =	ssettag $0x2  }
0xb7: {  	s0 =	rddreg [dreg:$0x0];
	s2 =	stileid.u32  }
0xb8: {  	s1 =	rddreg [dreg:$0x1];
	p0 =	sne.s32 s2, $0x0  }
0xb9: {  	s3 =	rddreg [dreg:$0x2];
	[bflag:$0x3] =	sbarrier.arrive $0xFFFF;
	s2 =	simm.s32 @!p0 $0x1C02  }
0xba: {  	[timem:s3], [sflag:s2] =	dma.local @!p0 [hbm:s0], s1  }
0xbb: {  	s0 =	simm.s32 @!p0 $0x2  }
0xbc: {  	_ =	swait.ge @!p0 [sflag:s0], s1  }
0xbd: {  	s1 =	ssub.s32 @!p0 $0x0, s1;
	[sflag:s0] =	ssyncset.done @!p0 $0x0  }
0xbe: {  	[sflag:s0] =	ssyncadd.s32 @!p0 s1  }
0xbf: {  	[bflag:$0x3] =	sbarrier.arrive $0xFFFF  }
0xc0: {  	_ =	shalt  }

// kernel: kernel.14.cloned.1.call-start
scs
__scs_entry_jumppad:
0x0: {  	(pc) =	sbr.rel $0x88, $3  }
0x1: {  	(tag) =	ssettag $0x0;
	lr =	simm.s32 $0x1  }
0x2: {  	[smem:$0x3F9B] =	sst lr;
	_ =	strace $0xD0000000  }
0x3: {  	_ = 	snop  }
0x4: {  	_ = 	snop  }
0x5: {  	_ = 	snop  }
0x6: {  	_ = 	snop  }
0x7: {  	_ = 	snop  }
__scs_overlays_trampoline_lowered:
0x8: {  	[smem:$0x3FAA] =	sst s0  }
0x9: {  	[smem:$0x3FAB] =	sst s1  }
0xa: {  	[smem:$0x3FAC] =	sst s2  }
0xb: {  	[smem:$0x3FAD] =	sst s3  }
0xc: {  	[smem:$0x3FAE] =	sst s4  }
0xd: {  	[smem:$0x3FAF] =	sst s5  }
0xe: {  	[smem:$0x3FB0] =	sst s6  }
0xf: {  	[smem:$0x3FB1] =	sst s7  }
0x10: {  	[smem:$0x3FB2] =	sst s8  }
0x11: {  	[smem:$0x3FB3] =	sst s9;
	s0 =	simm.s32 @!p0 $0x0  }
0x12: {  	s1 =	sld [smem:$0x3F99];
	s0 =	simm.s32 @p0 $0x1  }
0x13: {  	[smem:$0x3FB4] =	sst s0;
	s0 =	simm.s32 @!p1 $0x0  }
0x14: {  	s2 =	sld [smem:$0x3F98];
	s0 =	simm.s32 @p1 $0x1  }
0x15: {  	[smem:$0x3FB5] =	sst s0;
	s0 =	simm.s32 @!p2 $0x0  }
0x16: {  	s3 =	sld [smem:$0x3FDB];
	s0 =	simm.s32 @p2 $0x1  }
0x17: {  	s4 =	simm.s32 $0x1BF5;
	[smem:$0x3FB7] =	sst s0  }
0x18: {  	s0 =	sld [smem:$0x3F9A];
	_ =	swait.ge [sflag:s4], $0x0  }
0x19: {  	s7 =	sld [smem:$0x3F9B]  }
0x1a: {  	s8 =	sadd.s32 $0xFFFFE003, lr  }
0x1b: {  	s9 =	sadd.s32 $0xFFFFFEF7, lr;
	s5 =	simm.s32 $0xFFFFFFFF;
	p2 =	slt.u32 s8, $0xFFFFF086  }
0x1c: {  	p1 =	slt.u32 s9, $0xF7A;
	s5 =	simm.s32 @!p2 $0x0  }
0x1d: {  	s5 =	simm.s32 @p1 $0x1;
	p0 =	seq.s32 s7, s2  }
0x1e: {  	s7 =	smul.u32 @!p0 $0xF7A, s2;
	p2 =	seq.s32 @!p0 s5, $0x0  }
0x1f: {  	s9 =	smul.u32 $0xF7A, s1;
	s8 =	simm.s32 @!p0 $0x1BF5;
	p2 =	por !p2, p0  }
0x20: {  	[sflag:s8] =	ssyncset.s32 @!p0 $0xFFFFF086;
	s6 =	sadd.s32 @!p0 s3, s7;
	s7 =	simm.s32 @!p0 $0x108  }
0x21: {  	s3 =	sadd.s32 s3, s9;
	s6 =	sadd.s32 @!p0 $0x88, s6;
	s7 =	simm.s32 @p2 $0x1082  }
0x22: {  	[simem:s7], [sflag:s8] =	dma.local @!p0 [hbm:s6], $0xF7A  }
0x23: {  	s9 =	sor.u32 $0xD0000000, s2;
	s6 =	simm.s32 $0x108;
	_ =	swait.ge @!p0 [sflag:s8], $0x0  }
0x24: {  	s3 =	sadd.s32 $0x88, s3;
	s6 =	simm.s32 @!p1 $0x1082;
	[sflag:s4] =	ssyncset.s32 $0xFFFFF086  }
0x25: {  	[simem:s6], [sflag:s4] =	dma.local [hbm:s3], $0xF7A  }
0x26: {  	[smem:$0x3F9B] =	sst s1;
	(tag) =	ssettag s2;
	_ =	strace s9  }
0x27: {  	s1 =	sld [smem:$0x3FAB]  }
0x28: {  	s2 =	sld [smem:$0x3FAC]  }
0x29: {  	s4 =	sld [smem:$0x3FAE]  }
0x2a: {  	p0 =	seq.s32 s5, $0x0;
	s5 =	sld [smem:$0x3FAF]  }
0x2b: {  	s6 =	sld [smem:$0x3FB0]  }
0x2c: {  	s7 =	sld [smem:$0x3FB1]  }
0x2d: {  	s3 =	simm.s32 $0x108;
	s8 =	sld [smem:$0x3FB2]  }
0x2e: {  	s3 =	simm.s32 @!p0 $0x1082;
	s9 =	sld [smem:$0x3FB3]  }
0x2f: {  	lr =	sadd.s32 s0, s3;
	s0 =	sld [smem:$0x3FAA]  }
0x30: {  	s3 =	sld [smem:$0x3FAD]  }
0x31: {  	[smem:$0x3FB6] =	sst s10  }
0x32: {  	s10 =	sld [smem:$0x3FB4];
	_ =	sdelay $0x3  }
0x33: {  	p0 =	seq.s32 s10, $0x1;
	s10 =	sld [smem:$0x3FB6];
	_ =	sdelay $0x3  }
0x34: {  	[smem:$0x3FB6] =	sst s10  }
0x35: {  	s10 =	sld [smem:$0x3FB5];
	_ =	sdelay $0x3  }
0x36: {  	p1 =	seq.s32 s10, $0x1;
	s10 =	sld [smem:$0x3FB6];
	_ =	sdelay $0x3  }
0x37: {  	[smem:$0x3FB6] =	sst s10  }
0x38: {  	s10 =	sld [smem:$0x3FB7]  }
0x39: {  	_ = 	snop;
	(pc) =	sbr.ind lr, $3  }
0x3a: {  	_ = 	snop  }
0x3b: {  	_ = 	snop  }
0x3c: {  	p2 =	seq.s32 s10, $0x1;
	s10 =	sld [smem:$0x3FB6]  }
0x3d: {  	_ =	shalt  }
0x3e: {  	_ =	shalt  }
0x3f: {  	_ =	shalt  }
0x40: {  	_ =	shalt  }
0x41: {  	_ =	shalt  }
0x42: {  	_ =	shalt  }
0x43: {  	_ =	shalt  }
0x44: {  	_ =	shalt  }
0x45: {  	_ =	shalt  }
0x46: {  	_ =	shalt  }
0x47: {  	_ =	shalt  }
0x48: {  	_ =	shalt  }
0x49: {  	_ =	shalt  }
0x4a: {  	_ =	shalt  }
0x4b: {  	_ =	shalt  }
0x4c: {  	_ =	shalt  }
0x4d: {  	_ =	shalt  }
0x4e: {  	_ =	shalt  }
0x4f: {  	_ =	shalt  }
0x50: {  	_ =	shalt  }
0x51: {  	_ =	shalt  }
0x52: {  	_ =	shalt  }
0x53: {  	_ =	shalt  }
0x54: {  	_ =	shalt  }
0x55: {  	_ =	shalt  }
0x56: {  	_ =	shalt  }
0x57: {  	_ =	shalt  }
0x58: {  	_ =	shalt  }
0x59: {  	_ =	shalt  }
0x5a: {  	_ =	shalt  }
0x5b: {  	_ =	shalt  }
0x5c: {  	_ =	shalt  }
0x5d: {  	_ =	shalt  }
0x5e: {  	_ =	shalt  }
0x5f: {  	_ =	shalt  }
0x60: {  	_ =	shalt  }
0x61: {  	_ =	shalt  }
0x62: {  	_ =	shalt  }
0x63: {  	_ =	shalt  }
0x64: {  	_ =	shalt  }
0x65: {  	_ =	shalt  }
0x66: {  	_ =	shalt  }
0x67: {  	_ =	shalt  }
0x68: {  	_ =	shalt  }
0x69: {  	_ =	shalt  }
0x6a: {  	_ =	shalt  }
0x6b: {  	_ =	shalt  }
0x6c: {  	_ =	shalt  }
0x6d: {  	_ =	shalt  }
0x6e: {  	_ =	shalt  }
0x6f: {  	_ =	shalt  }
0x70: {  	_ =	shalt  }
0x71: {  	_ =	shalt  }
0x72: {  	_ =	shalt  }
0x73: {  	_ =	shalt  }
0x74: {  	_ =	shalt  }
0x75: {  	_ =	shalt  }
0x76: {  	_ =	shalt  }
0x77: {  	_ =	shalt  }
0x78: {  	_ =	shalt  }
0x79: {  	_ =	shalt  }
0x7a: {  	_ =	shalt  }
0x7b: {  	_ =	shalt  }
0x7c: {  	_ =	shalt  }
0x7d: {  	_ =	shalt  }
0x7e: {  	_ =	shalt  }
0x7f: {  	_ =	shalt  }
0x80: {  	_ =	shalt  }
0x81: {  	_ =	shalt  }
0x82: {  	_ =	shalt  }
0x83: {  	_ =	shalt  }
0x84: {  	_ =	shalt  }
0x85: {  	_ =	shalt  }
0x86: {  	_ =	shalt  }
0x87: {  	_ =	shalt  }
.Lfunc_end0:
.L_simem_size_0:
called_computation.2_lowered:
.L_overlay_start_0:
0x88: {  	s2 =	sld [smem:$0x3FD9]  }
0x89: {  	s3 =	sld [smem:$0x3FFE];
	_ =	sdelay $0x1  }
0x8a: {  	s1 =	srdreg.scid  }
0x8b: {  	s0 =	sand.u32 $0x1, s1  }
0x8c: {  	s17 =	sshll.u32 s0, $0xA;
	s2 =	sadd.s32 s3, s2  }
0x8d: {  	s2 =	sadd.s32 s2, s17  }
0x8e: {  	[smem:$0x3FC2] =	sst s2  }
0x8f: {  	_ = 	snop  }
0x90: {  	s2 =	sld [smem:$0x3FD0];
	(tm) =	ssettm $0x1  }
0x91: {  	s18 =	sld [smem:$0x3FFB];
	_ =	sdelay $0x3  }
0x92: {  	_ =	strace s18  }
0x93: {  	s3 =	sld [smem:$0x3FFC];
	_ =	sdelay $0x3  }
0x94: {  	_ =	strace s3  }
0x95: {  	s3 =	sld [smem:$0x3FFD];
	_ =	sdelay $0x3  }
0x96: {  	_ =	strace s3  }
0x97: {  	_ =	strace $0x8FFFFFFF  }
0x98: {  	s19 =	sld [smem:$0x3FDB];
	_ =	sdelay $0x1  }
0x99: {  	s4 =	simm.s32 $_scs_section_size  }
0x9a: {  	s5 =	simm.s32 $_size__tile_overlayer_lowered;
	s6 =	simm.s32 $_tile_overlayer_lowered  }
0x9b: {  	s22 =	simm.s32 $0x1BFF;
	s21 =	sshll.u32 s6, $0x1;
	s3 =	sadd.s32 s4, s19  }
0x9c: {  	s7 =	simm.s32 $0x0;
	s20 =	sshll.u32 s5, $0x1;
	s5 =	sadd.s32 s21, s3  }
0x9d: {  	[timem:s7], [sflag:s22] =	dma.local [hbm:s5], s20  }
0x9e: {  	_ =	swait.ge [sflag:s22], s20  }
0x9f: {  	s4 =	ssub.s32 $0x0, s20;
	[sflag:s22] =	ssyncset.done $0x0  }
0xa0: {  	[sflag:s22] =	ssyncadd.s32 s4;
	_ =	sdelay $0x1  }
0xa1: {  	s23 =	simm.s32 $0x1B8B  }
0xa2: {  	_ =	swait.ge [sflag:s23], $0x1  }
0xa3: {  	[sflag:s23] =	ssyncset.done $0x0  }
0xa4: {  	s25 =	simm.s32 $0x1B8E;
	s24 =	sld [smem:$0x3FFE];
	[sflag:s23] =	ssyncadd.s32 $0xFFFFFFFF  }
0xa5: {  	s26 =	simm.s32 $execute0_lowered;
	[smem:$0x3FD2] =	sst s25  }
0xa6: {  	s5 =	sshll.u32 s26, $0x1;
	_ =	strace $0x8000004C;
	[dreg:$0x1] =	wrdreg $0xFFFFFFFF  }
0xa7: {  	s28 =	simm.s32 $_size_execute0_lowered;
	s3 =	sadd.s32 s3, s5;
	[dreg:$0x0] =	wrdreg $0x0  }
0xa8: {  	s5 =	sshll.u32 s28, $0x1;
	[dreg:$0x2] =	wrdreg s3  }
0xa9: {  	[dreg:$0x3] =	wrdreg s5  }
0xaa: {  	[dreg:$0x4] =	wrdreg $0xC0  }
0xab: {  	_ =	task [dreg:s7], $0x5FFFF  }
0xac: {  	[dreg:$0x1] =	wrdreg $0xFFFFFFFF  }
0xad: {  	[dreg:$0x0] =	wrdreg $0x60  }
0xae: {  	[dreg:$0x2] =	wrdreg s24  }
0xaf: {  	[dreg:$0x3] =	wrdreg s2  }
0xb0: {  	[dreg:$0x4] =	wrdreg $0x0  }
0xb1: {  	[dreg:$0x5] =	wrdreg $0x9  }
0xb2: {  	_ =	task.clear_ibuf [dreg:s7], $0x6FFFF;
	_ =	strace $0x9000004C  }
0xb3: {  	s29 =	simm.s32 $0x9;
	_ =	strace $0x8000004E  }
0xb4: {  	_ =	swait.ge [sflag:s29], $0x1  }
0xb5: {  	[sflag:s29] =	ssyncadd.s32 $0xFFFFFFFF  }
0xb6: {  	_ =	strace $0x9000004E  }
0xb7: {  	_ =	sfence  }
0xb8: {  	s30 =	sld [smem:$0x0];
	_ =	sdelay $0x2  }
0xb9: {  	s31 =	sshll.u32 s1, $0xD;
	s1 =	sshrl.u32 s1, $0x2  }
0xba: {  	s3 =	sand.u32 $0x4000, s31;
	s1 =	sadd.s32 s1, s30  }
0xbb: {  	s0 =	sor.u32 s3, s0;
	s1 =	sshll.u32 s1, $0x11  }
0xbc: {  	s0 =	sor.u32 s1, s0  }
0xbd: {  	s0 =	sadd.s32 $0x8F2B, s0  }
0xbe: {  	[sflag:s0] =	ssyncadd.remote.s32 $0x1  }
0xbf: {  	_ =	sfence.sel $0xFFFF  }
0xc0: {  	[dreg:$0x0] =	wrdreg $0xFFFFFFFF;
	(pc) =	sbr.abs _section_cstart, $3  }
0xc1: {  	[dreg:$0x1] =	wrdreg $0xFFFFFFFF  }
0xc2: {  	_ =	task.clear_ibuf [dreg:s7], $0x2FFFF;
	_ =	strace $0x9FFFFFFF  }
0xc3: {  	(tm) =	ssettm $0x7FFFFFFF  }
tec
execute0_lowered:
.L_overlay_start_1:
0x0: {  	(tag) =	ssettag $0x1  }
0x1: {  	s0 =	rddreg [dreg:$0x0]  }
0x2: {  	s2 =	rddreg [dreg:$0x1]  }
0x3: {  	s1 =	rddreg [dreg:$0x2]  }
0x4: {  	s3 =	srdreg.scid;
	s10 =	stileid.u32;
	s28 =	simm.s32 $0x1D000  }
0x5: {  	s29 =	simm.s32 $0x80;
	s30 =	simm.s32 $0x19000;
	s31 =	simm.s32 $0x1  }
0x6: {  	s11 =	sand.u32 $0x1, s3;
	s3 =	simm.s32 $0x0;
	s7 =	smul.u32 $0x50000, s10  }
0x7: {  	s14 =	smul.u32 $0x14000, s10;
	s4 =	sshll.u32 s11, $0x4;
	[smem:$0x7FF] =	sst s3  }
0x8: {  	s5 =	ssub.s32 $0x2, s11;
	s21 =	smul.u32 $0x140000, s11;
	s4 =	sor.u32 s10, s4  }
0x9: {  	_ =	strace $0x8000004D;
	s9 =	sshrl.u32 s5, $0x1;
	s7 =	sshrl.u32 s7, $0x2  }
0xa: {  	s24 =	sor.u32 $0x2800, s14;
	s17 =	sadd.s32 $0x5000, s14;
	s18 =	sadd.s32 $0x7800, s14  }
0xb: {  	s19 =	sadd.s32 $0xA000, s14;
	s20 =	sadd.s32 $0xC800, s14;
	s6 =	smul.u32 $0x500, s4  }
0xc: {  	s4 =	sadd.s32 $0x16A00, s0;
	s23 =	ssub.s32 s5, s9;
	s7 =	sadd.s32 s7, s1  }
0xd: {  	s9 =	sadd.s32 s17, s1;
	s10 =	sadd.s32 s18, s1;
	s11 =	sadd.s32 s19, s1  }
0xe: {  	s12 =	sadd.s32 s20, s1;
	s15 =	sadd.s32 s14, s21;
	s25 =	sadd.s32 s21, s17  }
0xf: {  	s26 =	sadd.s32 s21, s18;
	s5 =	sadd.s32 s21, s19;
	s15 =	sshrl.u32 s15, $0x3  }
0x10: {  	s23 =	smax.u32 s23, $0x1;
	s8 =	sadd.s32 s6, s0;
	s0 =	sadd.s32 $0x66A00, s0  }
0x11: {  	s2 =	sadd.s32 s2, s6;
	s6 =	sshrl.u32 s26, $0x3;
	s22 =	sadd.s32 $0xCA00, s8  }
0x12: {  	[dreg:$0x5] =	wrdreg s2;
	s8 =	sadd.s32 s24, s1;
	s2 =	sadd.s32 s21, s24  }
0x13: {  	s24 =	sadd.s32 $0x11800, s14;
	s15 =	sadd.s32 s0, s15;
	s18 =	sadd.s32 s0, s6  }
0x14: {  	[dreg:$0x4] =	wrdreg s22;
	s22 =	sadd.s32 $0xF000, s14;
	s2 =	sshrl.u32 s2, $0x3  }
0x15: {  	s14 =	sadd.s32 s24, s1;
	s13 =	sadd.s32 s22, s1;
	s16 =	sadd.s32 s0, s2  }
0x16: {  	s2 =	sshrl.u32 s25, $0x3;
	s25 =	sshrl.u32 s5, $0x3;
	s26 =	sadd.s32 s21, s22  }
0x17: {  	s17 =	sadd.s32 s0, s2;
	s19 =	sadd.s32 s0, s25;
	s25 =	sadd.s32 s21, s20  }
0x18: {  	s21 =	sadd.s32 s21, s24;
	s22 =	sshrl.u32 s26, $0x3;
	s2 =	sshrl.u32 s25, $0x3  }
0x19: {  	s24 =	sshrl.u32 s21, $0x3;
	s21 =	sadd.s32 s0, s22;
	s25 =	simm.s32 $0x2  }
0x1a: {  	v0 =	vimm.f32 $0.0e+00;
	s20 =	sadd.s32 s0, s2;
	s22 =	sadd.s32 s0, s24;
	s0 =	simm.s32 $0x0  }
.LBB2_1:
0x1b: {  	s2 =	rddreg [dreg:$0x4];
	s5 =	simm.s32 $0x14000  }
0x1c: {  	[tilespmem:s5], [sflag:$0x2] =	stream.linear.gather [hbm4b:s2+s3], $0x2780, $0x38;
	[tilespmem:$0x1F800] =	vst v63  }
0x1d: {  	_ =	swait.ge [sflag:s25], $0x2780  }
0x1e: {  	[sflag:s25] =	ssyncset.done $0x0  }
0x1f: {  	s26 =	simm.s32 $0x16800;
	s24 =	rddreg [dreg:$0x5];
	[sflag:s25] =	ssyncadd.s32 $0xFFFFD880  }
0x20: {  	[tilespmem:s26], [sflag:$0x2] =	stream.linear.gather [hbm4b:s24+s3], $0x2780, $0x38;
	[tilespmem:$0x1F800] =	vst v63  }
0x21: {  	_ =	swait.ge [sflag:s25], $0x2780  }
0x22: {  	[sflag:s25] =	ssyncset.done $0x0  }
0x23: {  	s2 =	simm.s32 $0x0;
	s24 =	simm.s32 $0x200;
	[sflag:s25] =	ssyncadd.s32 $0xFFFFD880  }
.LBB2_2:
0x24: {  	p0 =	sne.s32 s24, $0x9E00;
	[tilespmem:s2+$0x1D070] =	vst v0  }
0x25: {  	[tilespmem:s2+$0x1D000] =	vst v0  }
0x26: {  	[tilespmem:s2+$0x1D010] =	vst v0  }
.Ltmp0:
0x27: {  	[tilespmem:s2+$0x1D020] =	vst v0;
	(pc) =	sbr.rel @p0 .LBB2_2-.Ltmp0, $4  }
0x28: {  	[tilespmem:s2+$0x1D030] =	vst v0  }
0x29: {  	[tilespmem:s2+$0x1D040] =	vst v0  }
0x2a: {  	[tilespmem:s2+$0x1D050] =	vst v0  }
0x2b: {  	[tilespmem:s2+$0x1D060] =	vst v0;
	s2 =	sshra.s32 s24, $0x2;
	s24 =	sadd.s32 $0x200, s24  }
0x2c: {  	[tilespmem:s2+$0x1D070] =	vst v0  }
0x2d: {  	[tilespmem:s2+$0x1D000] =	vst v0  }
0x2e: {  	[tilespmem:s2+$0x1D010] =	vst v0  }
0x2f: {  	[tilespmem:s2+$0x1D020] =	vst v0  }
0x30: {  	[tilespmem:s2+$0x1D030] =	vst v0  }
0x31: {  	[tilespmem:s2+$0x1D040] =	vst v0  }
0x32: {  	[tilespmem:s2+$0x1D050] =	vst v0  }
0x33: {  	[tilespmem:s2+$0x1D060] =	vst v0  }
0x34: {  	[spmem:s7] =	stream.linear.scatter [tilespmem:s28], [sflag:$0x2], $0x2800, $0x38;
	[tilespmem:$0x1F800] =	vst v63  }
0x35: {  	_ =	swait.ge [sflag:s25], $0x2800  }
0x36: {  	[sflag:s25] =	ssyncset.done $0x0  }
0x37: {  	[sflag:s25] =	ssyncadd.s32 $0xFFFFD800  }
0x38: {  	[spmem:s8] =	stream.linear.scatter [tilespmem:s28], [sflag:$0x2], $0x2800, $0x38;
	[tilespmem:$0x1F800] =	vst v63  }
0x39: {  	_ =	swait.ge [sflag:s25], $0x2800  }
0x3a: {  	[sflag:s25] =	ssyncset.done $0x0  }
0x3b: {  	[sflag:s25] =	ssyncadd.s32 $0xFFFFD800  }
0x3c: {  	[spmem:s9] =	stream.linear.scatter [tilespmem:s28], [sflag:$0x2], $0x2800, $0x38;
	[tilespmem:$0x1F800] =	vst v63  }
0x3d: {  	_ =	swait.ge [sflag:s25], $0x2800  }
0x3e: {  	[sflag:s25] =	ssyncset.done $0x0  }
0x3f: {  	[sflag:s25] =	ssyncadd.s32 $0xFFFFD800  }
0x40: {  	[spmem:s10] =	stream.linear.scatter [tilespmem:s28], [sflag:$0x2], $0x2800, $0x38;
	[tilespmem:$0x1F800] =	vst v63  }
0x41: {  	_ =	swait.ge [sflag:s25], $0x2800  }
0x42: {  	[sflag:s25] =	ssyncset.done $0x0  }
0x43: {  	[sflag:s25] =	ssyncadd.s32 $0xFFFFD800  }
0x44: {  	[spmem:s11] =	stream.linear.scatter [tilespmem:s28], [sflag:$0x2], $0x2800, $0x38;
	[tilespmem:$0x1F800] =	vst v63  }
0x45: {  	_ =	swait.ge [sflag:s25], $0x2800  }
0x46: {  	[sflag:s25] =	ssyncset.done $0x0  }
0x47: {  	[sflag:s25] =	ssyncadd.s32 $0xFFFFD800  }
0x48: {  	[spmem:s12] =	stream.linear.scatter [tilespmem:s28], [sflag:$0x2], $0x2800, $0x38;
	[tilespmem:$0x1F800] =	vst v63  }
0x49: {  	_ =	swait.ge [sflag:s25], $0x2800  }
0x4a: {  	[sflag:s25] =	ssyncset.done $0x0  }
0x4b: {  	[sflag:s25] =	ssyncadd.s32 $0xFFFFD800  }
0x4c: {  	[spmem:s13] =	stream.linear.scatter [tilespmem:s28], [sflag:$0x2], $0x2800, $0x38;
	[tilespmem:$0x1F800] =	vst v63  }
0x4d: {  	_ =	swait.ge [sflag:s25], $0x2800  }
0x4e: {  	[sflag:s25] =	ssyncset.done $0x0  }
0x4f: {  	[sflag:s25] =	ssyncadd.s32 $0xFFFFD800  }
0x50: {  	[spmem:s14] =	stream.linear.scatter [tilespmem:s28], [sflag:$0x2], $0x2800, $0x38;
	[tilespmem:$0x1F800] =	vst v63  }
0x51: {  	_ =	swait.ge [sflag:s25], $0x2800  }
0x52: {  	[sflag:s25] =	ssyncset.done $0x0  }
0x53: {  	[sflag:s25] =	ssyncadd.s32 $0xFFFFD800  }
0x54: {  	s24 =	simm.s32 $0x14000;
	[bflag:$0x0] =	sbarrier.arrive $0xFFFF  }
0x55: {  	[tilespmem:s30], [sflag:$0x1] =	stream.indirect.gather [hbm4b:s4+s29], $0x80, s24, s29, $0xb8;
	[tilespmem:$0x1F800] =	vst v63  }
0x56: {  	_ =	swait.ge [sflag:s31], $0x4000  }
0x57: {  	[sflag:s31] =	ssyncset.done $0x0  }
0x58: {  	s26 =	simm.s32 $0x16800;
	[sflag:s31] =	ssyncadd.s32 $0xFFFFC000  }
0x59: {  	[spmem:s1] =	stream.indirect.scatter.add.f32 [tilespmem:s30], [sflag:$0x2], $0x80, s26, s29, $0xb8;
	[tilespmem:$0x1F800] =	vst v63  }
0x5a: {  	_ =	swait.ge [sflag:s25], $0x4000  }
0x5b: {  	s2 =	simm.s32 $0x80;
	s24 =	simm.s32 $0x400;
	[sflag:s25] =	ssyncset.done $0x0  }
.LBB2_4:
0x5c: {  	s26 =	sadd.s32 $0x14000, s2  }
0x5d: {  	[sflag:s25] =	ssyncadd.s32 $0xFFFFC000;
	s5 =	smov.u32 s24;
	s6 =	sadd.s32 $0x200, s24  }
0x5e: {  	[tilespmem:s30], [sflag:$0x1] =	stream.indirect.gather [hbm4b:s4+s29], $0x80, s26, s29, $0xb8;
	[tilespmem:$0x1F800] =	vst v63  }
0x5f: {  	p0 =	sne.s32 s24, $0x9C00;
	_ =	swait.ge [sflag:s31], $0x4000  }
.Ltmp1:
0x60: {  	[sflag:s31] =	ssyncset.done $0x0;
	(pc) =	sbr.rel @p0 .LBB2_4-.Ltmp1, $4  }
0x61: {  	s2 =	sadd.s32 $0x16800, s2;
	[sflag:s31] =	ssyncadd.s32 $0xFFFFC000  }
0x62: {  	[spmem:s1] =	stream.indirect.scatter.add.f32 [tilespmem:s30], [sflag:$0x2], $0x80, s2, s29, $0xb8;
	[tilespmem:$0x1F800] =	vst v63  }
0x63: {  	_ =	swait.ge [sflag:s25], $0x4000  }
0x64: {  	s24 =	smov.u32 s6;
	s2 =	sshra.s32 s5, $0x2;
	[sflag:s25] =	ssyncset.done $0x0  }
0x65: {  	s5 =	sadd.s32 $0x14000, s2;
	[sflag:s25] =	ssyncadd.s32 $0xFFFFC000  }
0x66: {  	[tilespmem:s30], [sflag:$0x1] =	stream.indirect.gather [hbm4b:s4+s29], $0x80, s5, s29, $0xb8;
	[tilespmem:$0x1F800] =	vst v63  }
0x67: {  	_ =	swait.ge [sflag:s31], $0x4000  }
0x68: {  	[sflag:s31] =	ssyncset.done $0x0  }
0x69: {  	s26 =	sadd.s32 $0x16800, s2;
	[sflag:s31] =	ssyncadd.s32 $0xFFFFC000  }
0x6a: {  	[spmem:s1] =	stream.indirect.scatter.add.f32 [tilespmem:s30], [sflag:$0x2], $0x80, s26, s29, $0xb8;
	[tilespmem:$0x1F800] =	vst v63  }
0x6b: {  	_ =	swait.ge [sflag:s25], $0x4000  }
0x6c: {  	[sflag:s25] =	ssyncset.done $0x0  }
0x6d: {  	[sflag:s25] =	ssyncadd.s32 $0xFFFFC000  }
0x6e: {  	[bflag:$0x0] =	sbarrier.arrive $0xFFFF  }
0x6f: {  	[tilespmem:s28], [sflag:$0x2] =	stream.linear.gather [spmem:s7], $0x2800, $0x38;
	[tilespmem:$0x1F800] =	vst v63  }
0x70: {  	_ =	swait.ge [sflag:s25], $0x2800  }
0x71: {  	[sflag:s25] =	ssyncset.done $0x0  }
0x72: {  	[sflag:s25] =	ssyncadd.s32 $0xFFFFD800  }
0x73: {  	[hbm4b:s15+s3] =	stream.linear.scatter [tilespmem:s28], [sflag:$0x2], $0x2800, $0x38;
	[tilespmem:$0x1F800] =	vst v63  }
0x74: {  	_ =	swait.ge [sflag:s25], $0x2800  }
0x75: {  	[sflag:s25] =	ssyncset.done $0x0  }
0x76: {  	[sflag:s25] =	ssyncadd.s32 $0xFFFFD800  }
0x77: {  	[tilespmem:s28], [sflag:$0x2] =	stream.linear.gather [spmem:s8], $0x2800, $0x38;
	[tilespmem:$0x1F800] =	vst v63  }
0x78: {  	_ =	swait.ge [sflag:s25], $0x2800  }
0x79: {  	[sflag:s25] =	ssyncset.done $0x0  }
0x7a: {  	[sflag:s25] =	ssyncadd.s32 $0xFFFFD800  }
0x7b: {  	[hbm4b:s16+s3] =	stream.linear.scatter [tilespmem:s28], [sflag:$0x2], $0x2800, $0x38;
	[tilespmem:$0x1F800] =	vst v63  }
0x7c: {  	_ =	swait.ge [sflag:s25], $0x2800  }
0x7d: {  	[sflag:s25] =	ssyncset.done $0x0  }
0x7e: {  	[sflag:s25] =	ssyncadd.s32 $0xFFFFD800  }
0x7f: {  	[tilespmem:s28], [sflag:$0x2] =	stream.linear.gather [spmem:s9], $0x2800, $0x38;
	[tilespmem:$0x1F800] =	vst v63  }
0x80: {  	_ =	swait.ge [sflag:s25], $0x2800  }
0x81: {  	[sflag:s25] =	ssyncset.done $0x0  }
0x82: {  	[sflag:s25] =	ssyncadd.s32 $0xFFFFD800  }
0x83: {  	[hbm4b:s17+s3] =	stream.linear.scatter [tilespmem:s28], [sflag:$0x2], $0x2800, $0x38;
	[tilespmem:$0x1F800] =	vst v63  }
0x84: {  	_ =	swait.ge [sflag:s25], $0x2800  }
0x85: {  	[sflag:s25] =	ssyncset.done $0x0  }
0x86: {  	[sflag:s25] =	ssyncadd.s32 $0xFFFFD800  }
0x87: {  	[tilespmem:s28], [sflag:$0x2] =	stream.linear.gather [spmem:s10], $0x2800, $0x38;
	[tilespmem:$0x1F800] =	vst v63  }
0x88: {  	_ =	swait.ge [sflag:s25], $0x2800  }
0x89: {  	[sflag:s25] =	ssyncset.done $0x0  }
0x8a: {  	[sflag:s25] =	ssyncadd.s32 $0xFFFFD800  }
0x8b: {  	[hbm4b:s18+s3] =	stream.linear.scatter [tilespmem:s28], [sflag:$0x2], $0x2800, $0x38;
	[tilespmem:$0x1F800] =	vst v63  }
0x8c: {  	_ =	swait.ge [sflag:s25], $0x2800  }
0x8d: {  	[sflag:s25] =	ssyncset.done $0x0  }
0x8e: {  	[sflag:s25] =	ssyncadd.s32 $0xFFFFD800  }
0x8f: {  	[tilespmem:s28], [sflag:$0x2] =	stream.linear.gather [spmem:s11], $0x2800, $0x38;
	[tilespmem:$0x1F800] =	vst v63  }
0x90: {  	_ =	swait.ge [sflag:s25], $0x2800  }
0x91: {  	[sflag:s25] =	ssyncset.done $0x0  }
0x92: {  	[sflag:s25] =	ssyncadd.s32 $0xFFFFD800  }
0x93: {  	[hbm4b:s19+s3] =	stream.linear.scatter [tilespmem:s28], [sflag:$0x2], $0x2800, $0x38;
	[tilespmem:$0x1F800] =	vst v63  }
0x94: {  	_ =	swait.ge [sflag:s25], $0x2800  }
0x95: {  	[sflag:s25] =	ssyncset.done $0x0  }
0x96: {  	[sflag:s25] =	ssyncadd.s32 $0xFFFFD800  }
0x97: {  	[tilespmem:s28], [sflag:$0x2] =	stream.linear.gather [spmem:s12], $0x2800, $0x38;
	[tilespmem:$0x1F800] =	vst v63  }
0x98: {  	_ =	swait.ge [sflag:s25], $0x2800  }
0x99: {  	[sflag:s25] =	ssyncset.done $0x0  }
0x9a: {  	[sflag:s25] =	ssyncadd.s32 $0xFFFFD800  }
0x9b: {  	[hbm4b:s20+s3] =	stream.linear.scatter [tilespmem:s28], [sflag:$0x2], $0x2800, $0x38;
	[tilespmem:$0x1F800] =	vst v63  }
0x9c: {  	_ =	swait.ge [sflag:s25], $0x2800  }
0x9d: {  	[sflag:s25] =	ssyncset.done $0x0  }
0x9e: {  	[sflag:s25] =	ssyncadd.s32 $0xFFFFD800  }
0x9f: {  	[tilespmem:s28], [sflag:$0x2] =	stream.linear.gather [spmem:s13], $0x2800, $0x38;
	[tilespmem:$0x1F800] =	vst v63  }
0xa0: {  	_ =	swait.ge [sflag:s25], $0x2800  }
0xa1: {  	[sflag:s25] =	ssyncset.done $0x0  }
0xa2: {  	[sflag:s25] =	ssyncadd.s32 $0xFFFFD800  }
0xa3: {  	[hbm4b:s21+s3] =	stream.linear.scatter [tilespmem:s28], [sflag:$0x2], $0x2800, $0x38;
	[tilespmem:$0x1F800] =	vst v63  }
0xa4: {  	_ =	swait.ge [sflag:s25], $0x2800  }
0xa5: {  	[sflag:s25] =	ssyncset.done $0x0  }
0xa6: {  	[sflag:s25] =	ssyncadd.s32 $0xFFFFD800  }
0xa7: {  	[tilespmem:s28], [sflag:$0x2] =	stream.linear.gather [spmem:s14], $0x2800, $0x38;
	[tilespmem:$0x1F800] =	vst v63  }
0xa8: {  	s0 =	sadd.s32 $0x1, s0;
	_ =	swait.ge [sflag:s25], $0x2800  }
0xa9: {  	p0 =	sne.s32 s0, s23;
	[sflag:s25] =	ssyncset.done $0x0  }
.Ltmp2:
0xaa: {  	[sflag:s25] =	ssyncadd.s32 $0xFFFFD800;
	(pc) =	sbr.rel @p0 .LBB2_1-.Ltmp2, $4  }
0xab: {  	[hbm4b:s22+s3] =	stream.linear.scatter [tilespmem:s28], [sflag:$0x2], $0x2800, $0x38;
	[tilespmem:$0x1F800] =	vst v63  }
0xac: {  	_ =	swait.ge [sflag:s25], $0x2800  }
0xad: {  	[sflag:s25] =	ssyncset.done $0x0  }
0xae: {  	[sflag:s25] =	ssyncadd.s32 $0xFFFFD800  }
0xaf: {  	_ =	sfence.sel $0x180000  }
0xb0: {  	[bflag:$0x0] =	sbarrier.arrive $0xFFFF  }
0xb1: {  	_ =	strace $0x9000004D  }
0xb2: {  	s0 =	stileid.u32;
	[bflag:$0x2] =	sbarrier.arrive $0xFFFF  }
0xb3: {  	p0 =	sne.s32 s0, $0x0;
	s0 =	rddreg [dreg:$0x3]  }
0xb4: {  	s0 =	sadd.s32 @!p0 $0x100000, s0  }
0xb5: {  	[sflag:s0] =	ssyncadd.tile.s32 @!p0 $0x1;
	_ =	shalt  }
.Lfunc_end2:
_tile_overlayer_lowered:
.L_overlay_start_2:
0xb6: {  	(tag) =	ssettag $0x2  }
0xb7: {  	s0 =	rddreg [dreg:$0x0];
	s2 =	stileid.u32  }
0xb8: {  	s1 =	rddreg [dreg:$0x1];
	p0 =	sne.s32 s2, $0x0  }
0xb9: {  	s3 =	rddreg [dreg:$0x2];
	[bflag:$0x3] =	sbarrier.arrive $0xFFFF;
	s2 =	simm.s32 @!p0 $0x1C02  }
0xba: {  	[timem:s3], [sflag:s2] =	dma.local @!p0 [hbm:s0], s1  }
0xbb: {  	s0 =	simm.s32 @!p0 $0x2  }
0xbc: {  	_ =	swait.ge @!p0 [sflag:s0], s1  }
0xbd: {  	s1 =	ssub.s32 @!p0 $0x0, s1;
	[sflag:s0] =	ssyncset.done @!p0 $0x0  }
0xbe: {  	[sflag:s0] =	ssyncadd.s32 @!p0 s1  }
0xbf: {  	[bflag:$0x3] =	sbarrier.arrive $0xFFFF  }
0xc0: {  	_ =	shalt  }

// kernel: kernel.8.cloned.1.call-start
scs
__scs_entry_jumppad:
0x0: {  	(pc) =	sbr.rel $0x88, $3  }
0x1: {  	(tag) =	ssettag $0x0;
	lr =	simm.s32 $0x1  }
0x2: {  	[smem:$0x3F9B] =	sst lr;
	_ =	strace $0xD0000000  }
0x3: {  	_ = 	snop  }
0x4: {  	_ = 	snop  }
0x5: {  	_ = 	snop  }
0x6: {  	_ = 	snop  }
0x7: {  	_ = 	snop  }
__scs_overlays_trampoline_lowered:
0x8: {  	[smem:$0x3FAA] =	sst s0  }
0x9: {  	[smem:$0x3FAB] =	sst s1  }
0xa: {  	[smem:$0x3FAC] =	sst s2  }
0xb: {  	[smem:$0x3FAD] =	sst s3  }
0xc: {  	[smem:$0x3FAE] =	sst s4  }
0xd: {  	[smem:$0x3FAF] =	sst s5  }
0xe: {  	[smem:$0x3FB0] =	sst s6  }
0xf: {  	[smem:$0x3FB1] =	sst s7  }
0x10: {  	[smem:$0x3FB2] =	sst s8  }
0x11: {  	[smem:$0x3FB3] =	sst s9;
	s0 =	simm.s32 @!p0 $0x0  }
0x12: {  	s1 =	sld [smem:$0x3F99];
	s0 =	simm.s32 @p0 $0x1  }
0x13: {  	[smem:$0x3FB4] =	sst s0;
	s0 =	simm.s32 @!p1 $0x0  }
0x14: {  	s2 =	sld [smem:$0x3F98];
	s0 =	simm.s32 @p1 $0x1  }
0x15: {  	[smem:$0x3FB5] =	sst s0;
	s0 =	simm.s32 @!p2 $0x0  }
0x16: {  	s3 =	sld [smem:$0x3FDB];
	s0 =	simm.s32 @p2 $0x1  }
0x17: {  	s4 =	simm.s32 $0x1BF5;
	[smem:$0x3FB7] =	sst s0  }
0x18: {  	s0 =	sld [smem:$0x3F9A];
	_ =	swait.ge [sflag:s4], $0x0  }
0x19: {  	s7 =	sld [smem:$0x3F9B]  }
0x1a: {  	s8 =	sadd.s32 $0xFFFFE003, lr  }
0x1b: {  	s9 =	sadd.s32 $0xFFFFFEF7, lr;
	s5 =	simm.s32 $0xFFFFFFFF;
	p2 =	slt.u32 s8, $0xFFFFF086  }
0x1c: {  	p1 =	slt.u32 s9, $0xF7A;
	s5 =	simm.s32 @!p2 $0x0  }
0x1d: {  	s5 =	simm.s32 @p1 $0x1;
	p0 =	seq.s32 s7, s2  }
0x1e: {  	s7 =	smul.u32 @!p0 $0xF7A, s2;
	p2 =	seq.s32 @!p0 s5, $0x0  }
0x1f: {  	s9 =	smul.u32 $0xF7A, s1;
	s8 =	simm.s32 @!p0 $0x1BF5;
	p2 =	por !p2, p0  }
0x20: {  	[sflag:s8] =	ssyncset.s32 @!p0 $0xFFFFF086;
	s6 =	sadd.s32 @!p0 s3, s7;
	s7 =	simm.s32 @!p0 $0x108  }
0x21: {  	s3 =	sadd.s32 s3, s9;
	s6 =	sadd.s32 @!p0 $0x88, s6;
	s7 =	simm.s32 @p2 $0x1082  }
0x22: {  	[simem:s7], [sflag:s8] =	dma.local @!p0 [hbm:s6], $0xF7A  }
0x23: {  	s9 =	sor.u32 $0xD0000000, s2;
	s6 =	simm.s32 $0x108;
	_ =	swait.ge @!p0 [sflag:s8], $0x0  }
0x24: {  	s3 =	sadd.s32 $0x88, s3;
	s6 =	simm.s32 @!p1 $0x1082;
	[sflag:s4] =	ssyncset.s32 $0xFFFFF086  }
0x25: {  	[simem:s6], [sflag:s4] =	dma.local [hbm:s3], $0xF7A  }
0x26: {  	[smem:$0x3F9B] =	sst s1;
	(tag) =	ssettag s2;
	_ =	strace s9  }
0x27: {  	s1 =	sld [smem:$0x3FAB]  }
0x28: {  	s2 =	sld [smem:$0x3FAC]  }
0x29: {  	s4 =	sld [smem:$0x3FAE]  }
0x2a: {  	p0 =	seq.s32 s5, $0x0;
	s5 =	sld [smem:$0x3FAF]  }
0x2b: {  	s6 =	sld [smem:$0x3FB0]  }
0x2c: {  	s7 =	sld [smem:$0x3FB1]  }
0x2d: {  	s3 =	simm.s32 $0x108;
	s8 =	sld [smem:$0x3FB2]  }
0x2e: {  	s3 =	simm.s32 @!p0 $0x1082;
	s9 =	sld [smem:$0x3FB3]  }
0x2f: {  	lr =	sadd.s32 s0, s3;
	s0 =	sld [smem:$0x3FAA]  }
0x30: {  	s3 =	sld [smem:$0x3FAD]  }
0x31: {  	[smem:$0x3FB6] =	sst s10  }
0x32: {  	s10 =	sld [smem:$0x3FB4];
	_ =	sdelay $0x3  }
0x33: {  	p0 =	seq.s32 s10, $0x1;
	s10 =	sld [smem:$0x3FB6];
	_ =	sdelay $0x3  }
0x34: {  	[smem:$0x3FB6] =	sst s10  }
0x35: {  	s10 =	sld [smem:$0x3FB5];
	_ =	sdelay $0x3  }
0x36: {  	p1 =	seq.s32 s10, $0x1;
	s10 =	sld [smem:$0x3FB6];
	_ =	sdelay $0x3  }
0x37: {  	[smem:$0x3FB6] =	sst s10  }
0x38: {  	s10 =	sld [smem:$0x3FB7]  }
0x39: {  	_ = 	snop;
	(pc) =	sbr.ind lr, $3  }
0x3a: {  	_ = 	snop  }
0x3b: {  	_ = 	snop  }
0x3c: {  	p2 =	seq.s32 s10, $0x1;
	s10 =	sld [smem:$0x3FB6]  }
0x3d: {  	_ =	shalt  }
0x3e: {  	_ =	shalt  }
0x3f: {  	_ =	shalt  }
0x40: {  	_ =	shalt  }
0x41: {  	_ =	shalt  }
0x42: {  	_ =	shalt  }
0x43: {  	_ =	shalt  }
0x44: {  	_ =	shalt  }
0x45: {  	_ =	shalt  }
0x46: {  	_ =	shalt  }
0x47: {  	_ =	shalt  }
0x48: {  	_ =	shalt  }
0x49: {  	_ =	shalt  }
0x4a: {  	_ =	shalt  }
0x4b: {  	_ =	shalt  }
0x4c: {  	_ =	shalt  }
0x4d: {  	_ =	shalt  }
0x4e: {  	_ =	shalt  }
0x4f: {  	_ =	shalt  }
0x50: {  	_ =	shalt  }
0x51: {  	_ =	shalt  }
0x52: {  	_ =	shalt  }
0x53: {  	_ =	shalt  }
0x54: {  	_ =	shalt  }
0x55: {  	_ =	shalt  }
0x56: {  	_ =	shalt  }
0x57: {  	_ =	shalt  }
0x58: {  	_ =	shalt  }
0x59: {  	_ =	shalt  }
0x5a: {  	_ =	shalt  }
0x5b: {  	_ =	shalt  }
0x5c: {  	_ =	shalt  }
0x5d: {  	_ =	shalt  }
0x5e: {  	_ =	shalt  }
0x5f: {  	_ =	shalt  }
0x60: {  	_ =	shalt  }
0x61: {  	_ =	shalt  }
0x62: {  	_ =	shalt  }
0x63: {  	_ =	shalt  }
0x64: {  	_ =	shalt  }
0x65: {  	_ =	shalt  }
0x66: {  	_ =	shalt  }
0x67: {  	_ =	shalt  }
0x68: {  	_ =	shalt  }
0x69: {  	_ =	shalt  }
0x6a: {  	_ =	shalt  }
0x6b: {  	_ =	shalt  }
0x6c: {  	_ =	shalt  }
0x6d: {  	_ =	shalt  }
0x6e: {  	_ =	shalt  }
0x6f: {  	_ =	shalt  }
0x70: {  	_ =	shalt  }
0x71: {  	_ =	shalt  }
0x72: {  	_ =	shalt  }
0x73: {  	_ =	shalt  }
0x74: {  	_ =	shalt  }
0x75: {  	_ =	shalt  }
0x76: {  	_ =	shalt  }
0x77: {  	_ =	shalt  }
0x78: {  	_ =	shalt  }
0x79: {  	_ =	shalt  }
0x7a: {  	_ =	shalt  }
0x7b: {  	_ =	shalt  }
0x7c: {  	_ =	shalt  }
0x7d: {  	_ =	shalt  }
0x7e: {  	_ =	shalt  }
0x7f: {  	_ =	shalt  }
0x80: {  	_ =	shalt  }
0x81: {  	_ =	shalt  }
0x82: {  	_ =	shalt  }
0x83: {  	_ =	shalt  }
0x84: {  	_ =	shalt  }
0x85: {  	_ =	shalt  }
0x86: {  	_ =	shalt  }
0x87: {  	_ =	shalt  }
.Lfunc_end0:
.L_simem_size_0:
called_computation_lowered:
.L_overlay_start_0:
0x88: {  	s2 =	sld [smem:$0x3FD9]  }
0x89: {  	s3 =	sld [smem:$0x3FFE];
	_ =	sdelay $0x1  }
0x8a: {  	s1 =	srdreg.scid  }
0x8b: {  	s0 =	sand.u32 $0x1, s1  }
0x8c: {  	s17 =	sshll.u32 s0, $0xA;
	s2 =	sadd.s32 s3, s2  }
0x8d: {  	s2 =	sadd.s32 s2, s17  }
0x8e: {  	[smem:$0x3FC2] =	sst s2  }
0x8f: {  	_ = 	snop  }
0x90: {  	s2 =	sld [smem:$0x3FD0];
	(tm) =	ssettm $0x1  }
0x91: {  	s18 =	sld [smem:$0x3FFB];
	_ =	sdelay $0x3  }
0x92: {  	_ =	strace s18  }
0x93: {  	s3 =	sld [smem:$0x3FFC];
	_ =	sdelay $0x3  }
0x94: {  	_ =	strace s3  }
0x95: {  	s3 =	sld [smem:$0x3FFD];
	_ =	sdelay $0x3  }
0x96: {  	_ =	strace s3  }
0x97: {  	_ =	strace $0x8FFFFFFF  }
0x98: {  	s19 =	sld [smem:$0x3FDB];
	_ =	sdelay $0x1  }
0x99: {  	s4 =	simm.s32 $_scs_section_size  }
0x9a: {  	s5 =	simm.s32 $_size__tile_overlayer_lowered;
	s6 =	simm.s32 $_tile_overlayer_lowered  }
0x9b: {  	s22 =	simm.s32 $0x1BFF;
	s21 =	sshll.u32 s6, $0x1;
	s3 =	sadd.s32 s4, s19  }
0x9c: {  	s7 =	simm.s32 $0x0;
	s20 =	sshll.u32 s5, $0x1;
	s5 =	sadd.s32 s21, s3  }
0x9d: {  	[timem:s7], [sflag:s22] =	dma.local [hbm:s5], s20  }
0x9e: {  	_ =	swait.ge [sflag:s22], s20  }
0x9f: {  	s4 =	ssub.s32 $0x0, s20;
	[sflag:s22] =	ssyncset.done $0x0  }
0xa0: {  	[sflag:s22] =	ssyncadd.s32 s4;
	_ =	sdelay $0x1  }
0xa1: {  	s23 =	simm.s32 $0x1B8B  }
0xa2: {  	_ =	swait.ge [sflag:s23], $0x1  }
0xa3: {  	[sflag:s23] =	ssyncset.done $0x0  }
0xa4: {  	s25 =	simm.s32 $0x1B8E;
	s24 =	sld [smem:$0x3FFE];
	[sflag:s23] =	ssyncadd.s32 $0xFFFFFFFF  }
0xa5: {  	s26 =	simm.s32 $execute0_lowered;
	[smem:$0x3FD2] =	sst s25  }
0xa6: {  	s5 =	sshll.u32 s26, $0x1;
	_ =	strace $0x80000046;
	[dreg:$0x1] =	wrdreg $0xFFFFFFFF  }
0xa7: {  	s28 =	simm.s32 $_size_execute0_lowered;
	s3 =	sadd.s32 s3, s5;
	[dreg:$0x0] =	wrdreg $0x0  }
0xa8: {  	s5 =	sshll.u32 s28, $0x1;
	[dreg:$0x2] =	wrdreg s3  }
0xa9: {  	[dreg:$0x3] =	wrdreg s5  }
0xaa: {  	[dreg:$0x4] =	wrdreg $0xC0  }
0xab: {  	_ =	task [dreg:s7], $0x5FFFF  }
0xac: {  	[dreg:$0x1] =	wrdreg $0xFFFFFFFF  }
0xad: {  	[dreg:$0x0] =	wrdreg $0x60  }
0xae: {  	[dreg:$0x2] =	wrdreg s2  }
0xaf: {  	[dreg:$0x3] =	wrdreg s24  }
0xb0: {  	[dreg:$0x4] =	wrdreg $0x9  }
0xb1: {  	_ =	task.clear_ibuf [dreg:s7], $0x5FFFF;
	_ =	strace $0x90000046  }
0xb2: {  	s29 =	simm.s32 $0x9;
	_ =	strace $0x80000048  }
0xb3: {  	_ =	swait.ge [sflag:s29], $0x1  }
0xb4: {  	[sflag:s29] =	ssyncadd.s32 $0xFFFFFFFF  }
0xb5: {  	_ =	strace $0x90000048  }
0xb6: {  	_ =	sfence  }
0xb7: {  	s30 =	sld [smem:$0x0];
	_ =	sdelay $0x2  }
0xb8: {  	s31 =	sshll.u32 s1, $0xD;
	s1 =	sshrl.u32 s1, $0x2  }
0xb9: {  	s3 =	sand.u32 $0x4000, s31;
	s1 =	sadd.s32 s1, s30  }
0xba: {  	s0 =	sor.u32 s3, s0;
	s1 =	sshll.u32 s1, $0x11  }
0xbb: {  	s0 =	sor.u32 s1, s0  }
0xbc: {  	s0 =	sadd.s32 $0x8F2B, s0  }
0xbd: {  	[sflag:s0] =	ssyncadd.remote.s32 $0x1  }
0xbe: {  	_ =	sfence.sel $0xFFFF  }
0xbf: {  	[dreg:$0x0] =	wrdreg $0xFFFFFFFF;
	(pc) =	sbr.abs _section_cstart, $3  }
0xc0: {  	[dreg:$0x1] =	wrdreg $0xFFFFFFFF  }
0xc1: {  	_ =	task.clear_ibuf [dreg:s7], $0x2FFFF;
	_ =	strace $0x9FFFFFFF  }
0xc2: {  	(tm) =	ssettm $0x7FFFFFFF  }
0xc3: {  	_ =	shalt  }
tec
execute0_lowered:
.L_overlay_start_1:
0x0: {  	(tag) =	ssettag $0x1  }
0x1: {  	s0 =	srdreg.scid  }
0x2: {  	s3 =	sand.u32 $0x1, s0  }
0x3: {  	s0 =	stileid.u32;
	s1 =	sshll.u32 s3, $0x4  }
0x4: {  	s5 =	rddreg [dreg:$0x0];
	s4 =	sor.u32 s0, s1  }
0x5: {  	s6 =	rddreg [dreg:$0x1];
	s2 =	simm.s32 $0x0;
	s1 =	sshrl.u32 s4, $0x3  }
0x6: {  	s9 =	simm.s32 $0x400;
	s8 =	sshll.u32 s0, $0x7;
	s7 =	smul.u32 $0x14000, s1  }
0x7: {  	s10 =	simm.s32 $0x0;
	s3 =	ssub.s32 $0x2, s3;
	s8 =	sand.u32 $0x380, s8  }
0x8: {  	[smem:$0x7FF] =	sst s2;
	s31 =	sshrl.u32 s3, $0x1;
	s7 =	sor.u32 s8, s7  }
0x9: {  	s4 =	smul.u32 $0x500, s4;
	s1 =	rddreg [dreg:$0x2];
	s7 =	sshrl.u32 s7, $0x3  }
0xa: {  	_ =	strace $0x80000047;
	s8 =	simm.s32 $0x80;
	s6 =	sadd.s32 s7, s6  }
0xb: {  	s7 =	ssub.s32 s3, s31;
	s3 =	sadd.s32 s5, s4;
	s4 =	sadd.s32 $0x2A00, s6  }
0xc: {  	v0 =	vimm.f32 $0.0e+00;
	v1 =	vimm.f32 $1.000000000e+00;
	s5 =	smax.u32 s7, $0x1;
	s6 =	simm.s32 $0x2800;
	s7 =	simm.s32 $0x1  }
.LBB2_1:
0xd: {  	[tilespmem:s6], [sflag:$0x1] =	stream.linear.gather [hbm4b:s3+s2], $0x2780, $0x38;
	[tilespmem:$0x5000] =	vst v63  }
0xe: {  	_ =	swait.ge [sflag:s7], $0x2780  }
0xf: {  	[sflag:s7] =	ssyncset.done $0x0  }
0x10: {  	s11 =	simm.s32 $0x0;
	[sflag:s7] =	ssyncadd.s32 $0xFFFFD880  }
.LBB2_2:
0x11: {  	p0 =	sne.s32 s11, $0x9FC0  }
.Ltmp0:
0x12: {  	_ = 	snop;
	(pc) =	sbr.rel @p0 .LBB2_2-.Ltmp0, $3  }
0x13: {  	_ =	sdelay $0x1  }
0x14: {  	s12 =	sshra.s32 s11, $0x2  }
0x15: {  	s11 =	sadd.s32 $0x40, s11;
	[tilespmem:s12+$0x0] =	vst v0  }
0x16: {  	s11 =	simm.s32 $0x0  }
.LBB2_4:
0x17: {  	s12 =	sshra.s32 s11, $0x2  }
0x18: {  	v2 =	vld [tilespmem:s12+$0x2800];
	_ =	sdelay $0x7  }
0x19: {  	[tilespmem:v2+s2+$0x0] =	vst.idx.add.f32.msk $0xffff, v1  }
0x1a: {  	v2 =	vld [tilespmem:s12+$0x2810];
	_ =	sdelay $0x7  }
0x1b: {  	[tilespmem:v2+s2+$0x0] =	vst.idx.add.f32.msk $0xffff, v1  }
0x1c: {  	v2 =	vld [tilespmem:s12+$0x2820];
	_ =	sdelay $0x7  }
0x1d: {  	[tilespmem:v2+s2+$0x0] =	vst.idx.add.f32.msk $0xffff, v1  }
0x1e: {  	v2 =	vld [tilespmem:s12+$0x2830];
	_ =	sdelay $0x7  }
0x1f: {  	[tilespmem:v2+s2+$0x0] =	vst.idx.add.f32.msk $0xffff, v1  }
0x20: {  	v2 =	vld [tilespmem:s12+$0x2840];
	_ =	sdelay $0x7  }
0x21: {  	[tilespmem:v2+s2+$0x0] =	vst.idx.add.f32.msk $0xffff, v1  }
0x22: {  	v2 =	vld [tilespmem:s12+$0x2850];
	_ =	sdelay $0x7  }
0x23: {  	[tilespmem:v2+s2+$0x0] =	vst.idx.add.f32.msk $0xffff, v1  }
0x24: {  	v2 =	vld [tilespmem:s12+$0x2860];
	_ =	sdelay $0x7  }
0x25: {  	[tilespmem:v2+s2+$0x0] =	vst.idx.add.f32.msk $0xffff, v1  }
0x26: {  	v2 =	vld [tilespmem:s12+$0x2870];
	_ =	sdelay $0x2  }
0x27: {  	p0 =	sne.s32 s11, $0x9C00  }
.Ltmp1:
0x28: {  	_ = 	snop;
	(pc) =	sbr.rel @p0 .LBB2_4-.Ltmp1, $2  }
0x29: {  	_ =	sdelay $0x2  }
0x2a: {  	s11 =	sadd.s32 $0x200, s11;
	[tilespmem:v2+s2+$0x0] =	vst.idx.add.f32.msk $0xffff, v1  }
0x2b: {  	s10 =	sadd.s32 $0x1, s10  }
0x2c: {  	p0 =	sne.s32 s10, s5  }
.Ltmp2:
0x2d: {  	_ = 	snop;
	(pc) =	sbr.rel @p0 .LBB2_1-.Ltmp2, $4  }
0x2e: {  	[hbm4b:s4+s8] =	stream.strided.scatter [tilespmem:s2], [sflag:$0x1], $0x2800, s9, s8, $0x38;
	[tilespmem:$0x5000] =	vst v63  }
0x2f: {  	_ =	swait.ge [sflag:s7], $0x2800  }
0x30: {  	[sflag:s7] =	ssyncset.done $0x0  }
0x31: {  	[sflag:s7] =	ssyncadd.s32 $0xFFFFD800  }
0x32: {  	_ =	sfence.sel $0x180000  }
0x33: {  	[bflag:$0x0] =	sbarrier.arrive $0xFFFF  }
0x34: {  	p0 =	sne.s32 s0, $0x0;
	_ =	strace $0x90000047  }
0x35: {  	s0 =	sadd.s32 @!p0 $0x100000, s1;
	[bflag:$0x2] =	sbarrier.arrive $0xFFFF  }
0x36: {  	[sflag:s0] =	ssyncadd.tile.s32 @!p0 $0x1;
	_ =	shalt  }
.Lfunc_end2:
_tile_overlayer_lowered:
.L_overlay_start_2:
0x37: {  	(tag) =	ssettag $0x2  }
0x38: {  	s0 =	rddreg [dreg:$0x0];
	s2 =	stileid.u32  }
0x39: {  	s1 =	rddreg [dreg:$0x1];
	p0 =	sne.s32 s2, $0x0  }
0x3a: {  	s3 =	rddreg [dreg:$0x2];
	[bflag:$0x3] =	sbarrier.arrive $0xFFFF;
	s2 =	simm.s32 @!p0 $0x1C01  }
0x3b: {  	[timem:s3], [sflag:s2] =	dma.local @!p0 [hbm:s0], s1  }
0x3c: {  	s0 =	simm.s32 @!p0 $0x1  }
0x3d: {  	_ =	swait.ge @!p0 [sflag:s0], s1  }
0x3e: {  	s1 =	ssub.s32 @!p0 $0x0, s1;
	[sflag:s0] =	ssyncset.done @!p0 $0x0  }
0x3f: {  	[sflag:s0] =	ssyncadd.s32 @!p0 s1  }
0x40: {  	[bflag:$0x3] =	sbarrier.arrive $0xFFFF  }
0x41: {  	_ =	shalt  }

</sc_bundles>
